<compile_context>
chip_gen: v7x
topology: tpu7x:2x2x1
jax: 0.10.2.dev20260603
libtpu: 0.0.44.dev20260713+nightly
codegen_flags: <defaults>
</compile_context>

<pallas_src>
import functools

import jax
import jax.numpy as jnp
from jax import lax
from jax.experimental import pallas as pl
from jax.experimental.pallas import tpu as pltpu
from jax.experimental.pallas import tpu_sc as plsc

B, F, V, K = 16384, 26, 1000000, 10
NC, NS = 2, 16
NW = NC * NS
SPW = B // NW
CH = 32
NCH = SPW // CH
CF = CH * F
NG = CH // 16
GRAN_W = V // 16

PCH = 2000
NPCH = V // PCH
PPT = (NPCH + NW - 1) // NW


KW = K + 1


def _pack_body(*refs):
    cols = refs[:KW]
    pt_hbm = refs[KW]
    colbuf, rowbuf, sems, osems = refs[KW + 1:]
    c = lax.axis_index("c")
    s = lax.axis_index("s")
    wid = s * NC + c
    iota = lax.iota(jnp.int32, 16)

    def stage(slot, cid):
        @pl.when(cid < NPCH)
        def _():
            base = cid * PCH
            for k in range(KW):
                pltpu.async_copy(cols[k].at[pl.ds(base, PCH)],
                                 colbuf.at[slot, k], sems.at[slot])

    def process(slot, cid, first):
        @pl.when(cid < NPCH)
        def _():
            base = cid * PCH
            for k in range(KW):
                pltpu.make_async_copy(cols[k].at[pl.ds(base, PCH)],
                                      colbuf.at[slot, k],
                                      sems.at[slot]).wait()

            @pl.when(jnp.logical_not(first))
            def _():
                pltpu.make_async_copy(
                    rowbuf.at[slot], pt_hbm.at[pl.ds(0, PCH * 16)],
                    osems.at[slot]).wait()

            def fill(u, _):
                pos = (u * 16 + iota) * 16
                for k in range(KW):
                    xc = colbuf[slot, k, pl.ds(u * 16, 16)]
                    plsc.store_scatter(rowbuf.at[slot], [pos + k], xc)
                return 0

            lax.fori_loop(0, PCH // 16, fill, 0)
            pltpu.async_copy(rowbuf.at[slot],
                             pt_hbm.at[pl.ds(base * 16, PCH * 16)],
                             osems.at[slot])

    stage(0, wid)

    def superstep(t, _):
        cid_a = (2 * t) * NW + wid
        cid_b = (2 * t + 1) * NW + wid
        stage(1, cid_b)
        process(0, cid_a, t == 0)

        @pl.when(t < PPT // 2 - 1)
        def _():
            stage(0, (2 * t + 2) * NW + wid)

        process(1, cid_b, t == 0)
        return 0

    lax.fori_loop(0, PPT // 2, superstep, 0)
    for slot in range(2):
        pltpu.make_async_copy(rowbuf.at[slot],
                              pt_hbm.at[pl.ds(0, PCH * 16)],
                              osems.at[slot]).wait()


_scpack = functools.partial(
    pl.kernel,
    out_type=jax.ShapeDtypeStruct((16 * V,), jnp.float32),
    mesh=plsc.VectorSubcoreMesh(core_axis_name="c", subcore_axis_name="s"),
    scratch_types=[
        pltpu.VMEM((2, KW, PCH), jnp.float32),
        pltpu.VMEM((2, 16 * PCH), jnp.float32),
        pltpu.SemaphoreType.DMA((2,)),
        pltpu.SemaphoreType.DMA((2,)),
    ],
    compiler_params=pltpu.CompilerParams(
        needs_layout_passes=False, use_tc_tiling_on_sc=False),
)(_pack_body)


def _fm_body(idx_hbm, vals_hbm, v_hbm, b_hbm, out_hbm,
             idx_v, vals_v, buf, b_v, out_v, sems):
    c = lax.axis_index("c")
    s = lax.axis_index("s")
    wid = s * NC + c

    pltpu.sync_copy(b_hbm, b_v)
    pltpu.sync_copy(idx_hbm.at[pl.ds(wid * NCH, NCH), :], idx_v)
    pltpu.sync_copy(vals_hbm.at[pl.ds(wid * NCH, NCH), :], vals_v)
    bvec = b_v[...]
    iota = lax.iota(jnp.int32, 16)
    kcols = [jnp.full((16,), k, dtype=jnp.int32) for k in range(K + 1)]

    def stage_in(slot, ch):
        pltpu.async_copy(v_hbm.at[idx_v.at[ch]], buf.at[slot],
                         sems.at[slot])

    def wait_in(slot):
        pltpu.make_async_copy(
            v_hbm.at[idx_v.at[0]], buf.at[slot], sems.at[slot]).wait()

    def compute(slot, ch):
        def group(g, _):
            rbase = (g * 16 + iota) * F

            def fstep(f, carry):
                accw = carry[0]
                acc = list(carry[1:1 + K])
                acc2 = list(carry[1 + K:])
                r = rbase + f
                vf = plsc.load_gather(vals_v.at[ch], [r])
                wv = plsc.load_gather(buf.at[slot], [r, kcols[K]])
                accw = accw + vf * wv
                for k in range(K):
                    x = plsc.load_gather(buf.at[slot], [r, kcols[k]])
                    t = vf * x
                    acc[k] = acc[k] + t
                    acc2[k] = acc2[k] + t * t
                return (accw,) + tuple(acc) + tuple(acc2)

            zf = jnp.zeros((16,), jnp.float32)
            carry = lax.fori_loop(0, F, fstep, (zf,) * (1 + 2 * K))
            accw = carry[0]
            p = zf
            for k in range(K):
                p = p + (carry[1 + k] * carry[1 + k] - carry[1 + K + k])
            logit = accw + bvec + 0.5 * p
            y = 1.0 / (1.0 + jnp.exp(-logit))
            out_v[pl.ds(ch * CH + g * 16, 16)] = y
            return 0

        lax.fori_loop(0, NG, group, 0)

    stage_in(0, 0)

    def superstep(t, _):
        c0 = 2 * t
        stage_in(1, c0 + 1)
        wait_in(0)
        compute(0, c0)

        @pl.when(t < NCH // 2 - 1)
        def _():
            stage_in(0, c0 + 2)

        wait_in(1)
        compute(1, c0 + 1)
        return 0

    lax.fori_loop(0, NCH // 2, superstep, 0)
    pltpu.sync_copy(out_v, out_hbm.at[pl.ds(wid * SPW, SPW)])


@functools.partial(
    pl.kernel,
    out_type=jax.ShapeDtypeStruct((B,), jnp.float32),
    mesh=plsc.VectorSubcoreMesh(core_axis_name="c", subcore_axis_name="s"),
    scratch_types=[
        pltpu.VMEM((NCH, CF), jnp.int32),
        pltpu.VMEM((NCH, CF), jnp.float32),
        pltpu.VMEM((2, CF, 16), jnp.float32),
        pltpu.VMEM((16,), jnp.float32),
        pltpu.VMEM((SPW,), jnp.float32),
        pltpu.SemaphoreType.DMA((2,)),
    ],
    compiler_params=pltpu.CompilerParams(
        needs_layout_passes=False, use_tc_tiling_on_sc=False),
)
def _fm_kernel(idx_hbm, vals_hbm, v_hbm, b_hbm, out_hbm, *rest):
    _fm_body(idx_hbm, vals_hbm, v_hbm, b_hbm, out_hbm, *rest)


def kernel(indices, values, w, v, b):
    idx2 = indices.reshape(B * F // CF, CF).astype(jnp.int32)
    vals2 = values.reshape(B * F // CF, CF).astype(jnp.float32)
    cols = [v[:, k] for k in range(K)] + [w[:, 0]]
    pt = _scpack(*cols).reshape(V, 16)
    b16 = jnp.broadcast_to(b.astype(jnp.float32).reshape(1), (16,))
    return _fm_kernel(idx2, vals2, pt, b16)

# --- scband reference (transcript-rebuilt; emitter-appended) ---
"""Pipeline reference for scband-fm-8100308320865 (READ-ONLY COPY).

The authoritative reference and input builder live on the scoring server;
editing this copy changes nothing except your own understanding.
"""

import jax, jax.numpy as jnp
import numpy as np

B, F, V, K, OUT = 16384, 26, 1000000, 10, 1

def setup_inputs(seed: int = 0) -> dict:
    key = jax.random.key(seed)
    k1, k2, k3, k4 = jax.random.split(key, 4)
    indices = jax.random.randint(k1, (B, F), 0, V, dtype=jnp.int64)
    values = jax.random.uniform(k2, (B, F), dtype=jnp.float32)
    # xavier init for w [V, OUT] and v [V, K]; zero init for b [OUT]
    w = jax.random.normal(k3, (V, OUT), dtype=jnp.float32) * np.sqrt(2.0 / (V + OUT))
    v = jax.random.normal(k4, (V, K), dtype=jnp.float32) * np.sqrt(2.0 / (V + K))
    b = jnp.zeros((OUT,), dtype=jnp.float32)
    return {"indices": indices, "values": values, "w": w, "v": v, "b": b}

def reference(indices, values, w, v, b):
    # Sparse X represented as per-row (indices, values): each row has F active features.
    v_g = jnp.take(v, indices, axis=0)              # [B, F, K] gather
    w_g = jnp.take(w, indices, axis=0)              # [B, F, OUT] gather
    # xv = (X @ v)^2
    xv = jnp.sum(values[..., None] * v_g, axis=1)   # [B, K]  == sparse_tensor_dense_matmul(X, v)
    xv_sq = jnp.square(xv)
    # X_square @ v^2
    x2v2 = jnp.sum(jnp.square(values)[..., None] * jnp.square(v_g), axis=1)  # [B, K]
    p = 0.5 * jnp.reshape(jnp.sum(xv_sq - x2v2, axis=1), (-1, OUT))          # [B, OUT]
    xw = jnp.sum(values[..., None] * w_g, axis=1)   # [B, OUT] == sparse_tensor_dense_matmul(X, w)
    logits = jnp.reshape(xw + b + p, (-1,))
    y_prob = jax.nn.sigmoid(logits)
    return y_prob

if __name__ == "__main__":
    import jax
    _d = setup_inputs()
    print(jax.jit(kernel)(*tuple(_d.values())))

</pallas_src>

<mosaic_0001>
#map = affine_map<(d0, d1) -> (0, 0)>
#map1 = affine_map<(d0, d1) -> (0)>
module attributes {stable_mosaic.version = 14 : i64} {
  func.func @_fm_kernel(%arg0: i32, %arg1: i32, %arg2: memref<512x832xi32, #tpu.memory_space<hbm>>, %arg3: memref<512x832xf32, #tpu.memory_space<hbm>>, %arg4: memref<1000000x16xf32, #tpu.memory_space<hbm>>, %arg5: memref<16xf32, #tpu.memory_space<hbm>>, %arg6: memref<16384xf32, #tpu.memory_space<hbm>>, %arg7: memref<16x832xi32, #tpu.memory_space<vmem>>, %arg8: memref<16x832xf32, #tpu.memory_space<vmem>>, %arg9: memref<2x832x16xf32, #tpu.memory_space<vmem>>, %arg10: memref<16xf32, #tpu.memory_space<vmem>>, %arg11: memref<512xf32, #tpu.memory_space<vmem>>, %arg12: memref<2x!tpu.dma_semaphore, #tpu.memory_space<semaphore_mem>>) attributes {dimension_semantics = [#tpu.dimension_semantics<core_parallel>, #tpu.dimension_semantics<subcore_parallel>], iteration_bounds = array<i64: 2, 16>, scalar_prefetch = 0 : i64, scratch_operands = 6 : i64, tpu.core_type = #tpu.core_type<sc_vector_subcore>, window_params = [{transform_indices = #map}, {transform_indices = #map}, {transform_indices = #map}, {transform_indices = #map1}, {transform_indices = #map1}]} {
    %mul3A = arith.constant 2 : i32
    %mul3A_0 = arith.muli %arg1, %mul3A : i32
    %add3A = arith.addi %mul3A_0, %arg0 : i32
    "tpu.region"() ({
      %run_scoped3A = tpu.sem_alloc : memref<!tpu.dma_semaphore, #tpu.memory_space<semaphore_mem>>
      tpu.enqueue_dma source(%arg5 : memref<16xf32, #tpu.memory_space<hbm>>) target(%arg10 : memref<16xf32, #tpu.memory_space<vmem>>) target_semaphore(%run_scoped3A : memref<!tpu.dma_semaphore, #tpu.memory_space<semaphore_mem>>)
      tpu.wait_dma2 semaphore(%run_scoped3A : memref<!tpu.dma_semaphore, #tpu.memory_space<semaphore_mem>>) src(%arg5 : memref<16xf32, #tpu.memory_space<hbm>>) dst(%arg10 : memref<16xf32, #tpu.memory_space<vmem>>)
      tpu.yield
    }) : () -> ()
    %mul3A_1 = arith.constant 16 : i32
    %mul3A_2 = arith.muli %add3A, %mul3A_1 : i32
    "tpu.region"() ({
      %run_scoped3A = tpu.sem_alloc : memref<!tpu.dma_semaphore, #tpu.memory_space<semaphore_mem>>
      %dma_start3A_49 = arith.constant 0 : i32
      %dma_start3A_50 = tpu.memref_slice %arg2[%mul3A_2, %dma_start3A_49] : memref<512x832xi32, #tpu.memory_space<hbm>> -> memref<16x832xi32, #tpu.memory_space<hbm>>
      %dma_start3A_51 = arith.constant 0 : i32
      %dma_start3A_52 = tpu.memref_slice %arg2[%mul3A_2, %dma_start3A_51] : memref<512x832xi32, #tpu.memory_space<hbm>> -> memref<16x832xi32, #tpu.memory_space<hbm>>
      tpu.enqueue_dma source(%dma_start3A_52 : memref<16x832xi32, #tpu.memory_space<hbm>>) target(%arg7 : memref<16x832xi32, #tpu.memory_space<vmem>>) target_semaphore(%run_scoped3A : memref<!tpu.dma_semaphore, #tpu.memory_space<semaphore_mem>>)
      %dma_wait3A = arith.constant 0 : i32
      %dma_wait3A_53 = tpu.memref_slice %arg2[%mul3A_2, %dma_wait3A] : memref<512x832xi32, #tpu.memory_space<hbm>> -> memref<16x832xi32, #tpu.memory_space<hbm>>
      %dma_wait3A_54 = arith.constant 0 : i32
      %dma_wait3A_55 = tpu.memref_slice %arg2[%mul3A_2, %dma_wait3A_54] : memref<512x832xi32, #tpu.memory_space<hbm>> -> memref<16x832xi32, #tpu.memory_space<hbm>>
      tpu.wait_dma2 semaphore(%run_scoped3A : memref<!tpu.dma_semaphore, #tpu.memory_space<semaphore_mem>>) src(%dma_wait3A_55 : memref<16x832xi32, #tpu.memory_space<hbm>>) dst(%arg7 : memref<16x832xi32, #tpu.memory_space<vmem>>)
      tpu.yield
    }) : () -> ()
    %mul3A_3 = arith.constant 16 : i32
    %mul3A_4 = arith.muli %add3A, %mul3A_3 : i32
    "tpu.region"() ({
      %run_scoped3A = tpu.sem_alloc : memref<!tpu.dma_semaphore, #tpu.memory_space<semaphore_mem>>
      %dma_start3A_49 = arith.constant 0 : i32
      %dma_start3A_50 = tpu.memref_slice %arg3[%mul3A_4, %dma_start3A_49] : memref<512x832xf32, #tpu.memory_space<hbm>> -> memref<16x832xf32, #tpu.memory_space<hbm>>
      %dma_start3A_51 = arith.constant 0 : i32
      %dma_start3A_52 = tpu.memref_slice %arg3[%mul3A_4, %dma_start3A_51] : memref<512x832xf32, #tpu.memory_space<hbm>> -> memref<16x832xf32, #tpu.memory_space<hbm>>
      tpu.enqueue_dma source(%dma_start3A_52 : memref<16x832xf32, #tpu.memory_space<hbm>>) target(%arg8 : memref<16x832xf32, #tpu.memory_space<vmem>>) target_semaphore(%run_scoped3A : memref<!tpu.dma_semaphore, #tpu.memory_space<semaphore_mem>>)
      %dma_wait3A = arith.constant 0 : i32
      %dma_wait3A_53 = tpu.memref_slice %arg3[%mul3A_4, %dma_wait3A] : memref<512x832xf32, #tpu.memory_space<hbm>> -> memref<16x832xf32, #tpu.memory_space<hbm>>
      %dma_wait3A_54 = arith.constant 0 : i32
      %dma_wait3A_55 = tpu.memref_slice %arg3[%mul3A_4, %dma_wait3A_54] : memref<512x832xf32, #tpu.memory_space<hbm>> -> memref<16x832xf32, #tpu.memory_space<hbm>>
      tpu.wait_dma2 semaphore(%run_scoped3A : memref<!tpu.dma_semaphore, #tpu.memory_space<semaphore_mem>>) src(%dma_wait3A_55 : memref<16x832xf32, #tpu.memory_space<hbm>>) dst(%arg8 : memref<16x832xf32, #tpu.memory_space<vmem>>)
      tpu.yield
    }) : () -> ()
    %get3A = arith.constant 0 : index
    %get3A_5 = tpu.vector_load %arg10[%get3A] {strides = array<i32>} : memref<16xf32, #tpu.memory_space<vmem>>, vector<16xf32>,
    %iota3A = tpu.iota {dimensions = array<i32: 0>} : vector<16xi32>
    %broadcast_in_dim3A = arith.constant 0 : i32
    %broadcast_in_dim3A_6 = vector.broadcast %broadcast_in_dim3A : i32 to vector<16xi32>
    %broadcast_in_dim3A_7 = arith.constant 1 : i32
    %broadcast_in_dim3A_8 = vector.broadcast %broadcast_in_dim3A_7 : i32 to vector<16xi32>
    %broadcast_in_dim3A_9 = arith.constant 2 : i32
    %broadcast_in_dim3A_10 = vector.broadcast %broadcast_in_dim3A_9 : i32 to vector<16xi32>
    %broadcast_in_dim3A_11 = arith.constant 3 : i32
    %broadcast_in_dim3A_12 = vector.broadcast %broadcast_in_dim3A_11 : i32 to vector<16xi32>
    %broadcast_in_dim3A_13 = arith.constant 4 : i32
    %broadcast_in_dim3A_14 = vector.broadcast %broadcast_in_dim3A_13 : i32 to vector<16xi32>
    %broadcast_in_dim3A_15 = arith.constant 5 : i32
    %broadcast_in_dim3A_16 = vector.broadcast %broadcast_in_dim3A_15 : i32 to vector<16xi32>
    %broadcast_in_dim3A_17 = arith.constant 6 : i32
    %broadcast_in_dim3A_18 = vector.broadcast %broadcast_in_dim3A_17 : i32 to vector<16xi32>
    %broadcast_in_dim3A_19 = arith.constant 7 : i32
    %broadcast_in_dim3A_20 = vector.broadcast %broadcast_in_dim3A_19 : i32 to vector<16xi32>
    %broadcast_in_dim3A_21 = arith.constant 8 : i32
    %broadcast_in_dim3A_22 = vector.broadcast %broadcast_in_dim3A_21 : i32 to vector<16xi32>
    %broadcast_in_dim3A_23 = arith.constant 9 : i32
    %broadcast_in_dim3A_24 = vector.broadcast %broadcast_in_dim3A_23 : i32 to vector<16xi32>
    %broadcast_in_dim3A_25 = arith.constant 10 : i32
    %broadcast_in_dim3A_26 = vector.broadcast %broadcast_in_dim3A_25 : i32 to vector<16xi32>
    %dma_start3A = arith.constant 0 : i32
    %dma_start3A_27 = arith.constant 0 : i32
    %dma_start3A_28 = arith.constant 0 : i32
    %dma_start3A_29 = arith.constant 0 : i32
    %dma_start3A_30 = arith.constant 0 : i32
    %dma_start3A_31 = tpu.memref_slice %arg9[%dma_start3A_27, %dma_start3A_29, %dma_start3A_30] : memref<2x832x16xf32, #tpu.memory_space<vmem>> -> memref<1x832x16xf32, #tpu.memory_space<vmem>>
    %dma_start3A_32 = tpu.memref_squeeze %dma_start3A_31 : memref<1x832x16xf32, #tpu.memory_space<vmem>> -> memref<832x16xf32, #tpu.memory_space<vmem>>
    %dma_start3A_33 = arith.constant 0 : i32
    %dma_start3A_34 = tpu.memref_slice %arg7[%dma_start3A, %dma_start3A_33] : memref<16x832xi32, #tpu.memory_space<vmem>> -> memref<1x832xi32, #tpu.memory_space<vmem>>
    %dma_start3A_35 = tpu.memref_squeeze %dma_start3A_34 : memref<1x832xi32, #tpu.memory_space<vmem>> -> memref<832xi32, #tpu.memory_space<vmem>>
    %dma_start3A_36 = arith.constant 0 : i32
    %dma_start3A_37 = arith.constant 0 : i32
    %dma_start3A_38 = tpu.memref_slice %arg4[%dma_start3A_36, %dma_start3A_37] : memref<1000000x16xf32, #tpu.memory_space<hbm>> -> memref<1000000x16xf32, #tpu.memory_space<hbm>>
    %dma_start3A_39 = tpu.memref_slice %arg12[%dma_start3A_28] : memref<2x!tpu.dma_semaphore, #tpu.memory_space<semaphore_mem>> -> memref<1x!tpu.dma_semaphore, #tpu.memory_space<semaphore_mem>>
    %dma_start3A_40 = tpu.memref_squeeze %dma_start3A_39 : memref<1x!tpu.dma_semaphore, #tpu.memory_space<semaphore_mem>> -> memref<!tpu.dma_semaphore, #tpu.memory_space<semaphore_mem>>
    tpu.enqueue_indirect_dma source(%dma_start3A_38 : memref<1000000x16xf32, #tpu.memory_space<hbm>>) target(%dma_start3A_32 : memref<832x16xf32, #tpu.memory_space<vmem>>) offsets(%dma_start3A_35 : memref<832xi32, #tpu.memory_space<vmem>>) semaphore(%dma_start3A_40 : memref<!tpu.dma_semaphore, #tpu.memory_space<semaphore_mem>>)
    %scan3A = arith.constant 0 : i32
    %scan3A_41 = arith.constant 0 : i32
    %scan3A_42 = arith.constant 8 : i32
    %scan3A_43 = arith.addi %scan3A_41, %scan3A_42 : i32
    %scan3A_44 = arith.constant 1 : i32
    %scan3A_45 = scf.for %scan3A_49 = %scan3A_41 to %scan3A_43 step %scan3A_44 iter_args(%scan3A_50 = %scan3A) -> (i32)  : i32 {
      %mul3A_51 = arith.constant 2 : i32
      %mul3A_52 = arith.muli %mul3A_51, %scan3A_49 : i32
      %add3A_53 = arith.constant 1 : i32
      %add3A_54 = arith.addi %mul3A_52, %add3A_53 : i32
      %dma_start3A_55 = arith.constant 1 : i32
      %dma_start3A_56 = arith.constant 1 : i32
      %dma_start3A_57 = arith.constant 0 : i32
      %dma_start3A_58 = arith.constant 0 : i32
      %dma_start3A_59 = tpu.memref_slice %arg9[%dma_start3A_55, %dma_start3A_57, %dma_start3A_58] : memref<2x832x16xf32, #tpu.memory_space<vmem>> -> memref<1x832x16xf32, #tpu.memory_space<vmem>>
      %dma_start3A_60 = tpu.memref_squeeze %dma_start3A_59 : memref<1x832x16xf32, #tpu.memory_space<vmem>> -> memref<832x16xf32, #tpu.memory_space<vmem>>
      %dma_start3A_61 = arith.constant 0 : i32
      %dma_start3A_62 = tpu.memref_slice %arg7[%add3A_54, %dma_start3A_61] : memref<16x832xi32, #tpu.memory_space<vmem>> -> memref<1x832xi32, #tpu.memory_space<vmem>>
      %dma_start3A_63 = tpu.memref_squeeze %dma_start3A_62 : memref<1x832xi32, #tpu.memory_space<vmem>> -> memref<832xi32, #tpu.memory_space<vmem>>
      %dma_start3A_64 = arith.constant 0 : i32
      %dma_start3A_65 = arith.constant 0 : i32
      %dma_start3A_66 = tpu.memref_slice %arg4[%dma_start3A_64, %dma_start3A_65] : memref<1000000x16xf32, #tpu.memory_space<hbm>> -> memref<1000000x16xf32, #tpu.memory_space<hbm>>
      %dma_start3A_67 = tpu.memref_slice %arg12[%dma_start3A_56] : memref<2x!tpu.dma_semaphore, #tpu.memory_space<semaphore_mem>> -> memref<1x!tpu.dma_semaphore, #tpu.memory_space<semaphore_mem>>
      %dma_start3A_68 = tpu.memref_squeeze %dma_start3A_67 : memref<1x!tpu.dma_semaphore, #tpu.memory_space<semaphore_mem>> -> memref<!tpu.dma_semaphore, #tpu.memory_space<semaphore_mem>>
      tpu.enqueue_indirect_dma source(%dma_start3A_66 : memref<1000000x16xf32, #tpu.memory_space<hbm>>) target(%dma_start3A_60 : memref<832x16xf32, #tpu.memory_space<vmem>>) offsets(%dma_start3A_63 : memref<832xi32, #tpu.memory_space<vmem>>) semaphore(%dma_start3A_68 : memref<!tpu.dma_semaphore, #tpu.memory_space<semaphore_mem>>)
      %dma_wait3A = arith.constant 0 : i32
      %dma_wait3A_69 = arith.constant 0 : i32
      %dma_wait3A_70 = arith.constant 0 : i32
      %dma_wait3A_71 = arith.constant 0 : i32
      %dma_wait3A_72 = arith.constant 0 : i32
      %dma_wait3A_73 = tpu.memref_slice %arg9[%dma_wait3A_69, %dma_wait3A_71, %dma_wait3A_72] : memref<2x832x16xf32, #tpu.memory_space<vmem>> -> memref<1x832x16xf32, #tpu.memory_space<vmem>>
      %dma_wait3A_74 = tpu.memref_squeeze %dma_wait3A_73 : memref<1x832x16xf32, #tpu.memory_space<vmem>> -> memref<832x16xf32, #tpu.memory_space<vmem>>
      %dma_wait3A_75 = arith.constant 0 : i32
      %dma_wait3A_76 = tpu.memref_slice %arg7[%dma_wait3A, %dma_wait3A_75] : memref<16x832xi32, #tpu.memory_space<vmem>> -> memref<1x832xi32, #tpu.memory_space<vmem>>
      %dma_wait3A_77 = tpu.memref_squeeze %dma_wait3A_76 : memref<1x832xi32, #tpu.memory_space<vmem>> -> memref<832xi32, #tpu.memory_space<vmem>>
      %dma_wait3A_78 = arith.constant 0 : i32
      %dma_wait3A_79 = arith.constant 0 : i32
      %dma_wait3A_80 = tpu.memref_slice %arg4[%dma_wait3A_78, %dma_wait3A_79] : memref<1000000x16xf32, #tpu.memory_space<hbm>> -> memref<1000000x16xf32, #tpu.memory_space<hbm>>
      %dma_wait3A_81 = tpu.memref_slice %arg12[%dma_wait3A_70] : memref<2x!tpu.dma_semaphore, #tpu.memory_space<semaphore_mem>> -> memref<1x!tpu.dma_semaphore, #tpu.memory_space<semaphore_mem>>
      %dma_wait3A_82 = tpu.memref_squeeze %dma_wait3A_81 : memref<1x!tpu.dma_semaphore, #tpu.memory_space<semaphore_mem>> -> memref<!tpu.dma_semaphore, #tpu.memory_space<semaphore_mem>>
      tpu.wait_indirect_dma semaphore(%dma_wait3A_82 : memref<!tpu.dma_semaphore, #tpu.memory_space<semaphore_mem>>) src(%dma_wait3A_80 : memref<1000000x16xf32, #tpu.memory_space<hbm>>) dst(%dma_wait3A_74 : memref<832x16xf32, #tpu.memory_space<vmem>>)
      %scan3A_83 = arith.constant 0 : i32
      %scan3A_84 = arith.constant 0 : i32
      %scan3A_85 = arith.constant 2 : i32
      %scan3A_86 = arith.addi %scan3A_84, %scan3A_85 : i32
      %scan3A_87 = arith.constant 1 : i32
      %scan3A_88 = scf.for %scan3A_117 = %scan3A_84 to %scan3A_86 step %scan3A_87 iter_args(%scan3A_118 = %scan3A_83) -> (i32)  : i32 {
        %mul3A_119 = arith.constant 16 : i32
        %mul3A_120 = arith.muli %scan3A_117, %mul3A_119 : i32
        %add3A_121 = vector.broadcast %mul3A_120 : i32 to vector<16xi32>
        %add3A_122 = arith.addi %add3A_121, %iota3A : vector<16xi32>
        %mul3A_123 = arith.constant 26 : i32
        %mul3A_124 = vector.broadcast %mul3A_123 : i32 to vector<16xi32>
        %mul3A_125 = arith.muli %add3A_122, %mul3A_124 : vector<16xi32>
        %broadcast_in_dim3A_126 = arith.constant 0.000000e+00 : f32
        %broadcast_in_dim3A_127 = vector.broadcast %broadcast_in_dim3A_126 : f32 to vector<16xf32>
        %scan3A_128 = arith.constant 0 : i32
        %scan3A_129 = arith.constant 26 : i32
        %scan3A_130 = arith.addi %scan3A_128, %scan3A_129 : i32
        %scan3A_131 = arith.constant 1 : i32
        %scan3A_132:21 = scf.for %scan3A_182 = %scan3A_128 to %scan3A_130 step %scan3A_131 iter_args(%scan3A_183 = %broadcast_in_dim3A_127, %scan3A_184 = %broadcast_in_dim3A_127, %scan3A_185 = %broadcast_in_dim3A_127, %scan3A_186 = %broadcast_in_dim3A_127, %scan3A_187 = %broadcast_in_dim3A_127, %scan3A_188 = %broadcast_in_dim3A_127, %scan3A_189 = %broadcast_in_dim3A_127, %scan3A_190 = %broadcast_in_dim3A_127, %scan3A_191 = %broadcast_in_dim3A_127, %scan3A_192 = %broadcast_in_dim3A_127, %scan3A_193 = %broadcast_in_dim3A_127, %scan3A_194 = %broadcast_in_dim3A_127, %scan3A_195 = %broadcast_in_dim3A_127, %scan3A_196 = %broadcast_in_dim3A_127, %scan3A_197 = %broadcast_in_dim3A_127, %scan3A_198 = %broadcast_in_dim3A_127, %scan3A_199 = %broadcast_in_dim3A_127, %scan3A_200 = %broadcast_in_dim3A_127, %scan3A_201 = %broadcast_in_dim3A_127, %scan3A_202 = %broadcast_in_dim3A_127, %scan3A_203 = %broadcast_in_dim3A_127) -> (vector<16xf32>, vector<16xf32>, vector<16xf32>, vector<16xf32>, vector<16xf32>, vector<16xf32>, vector<16xf32>, vector<16xf32>, vector<16xf32>, vector<16xf32>, vector<16xf32>, vector<16xf32>, vector<16xf32>, vector<16xf32>, vector<16xf32>, vector<16xf32>, vector<16xf32>, vector<16xf32>, vector<16xf32>, vector<16xf32>, vector<16xf32>)  : i32 {
          %add3A_204 = vector.broadcast %scan3A_182 : i32 to vector<16xi32>
          %add3A_205 = arith.addi %mul3A_125, %add3A_204 : vector<16xi32>
          %gather3A = arith.constant 0 : i32
          %gather3A_206 = tpu.memref_slice %arg8[%mul3A_52, %gather3A] : memref<16x832xf32, #tpu.memory_space<vmem>> -> memref<1x832xf32, #tpu.memory_space<vmem>>
          %gather3A_207 = tpu.memref_squeeze %gather3A_206 : memref<1x832xf32, #tpu.memory_space<vmem>> -> memref<832xf32, #tpu.memory_space<vmem>>
          %gather3A_208 = tpu.vector_load_idx %gather3A_207[%add3A_205] : memref<832xf32, #tpu.memory_space<vmem>>[vector<16xi32>], vector<16xf32>,
          %gather3A_209 = arith.constant 0 : i32
          %gather3A_210 = arith.constant 0 : i32
          %gather3A_211 = arith.constant 0 : i32
          %gather3A_212 = tpu.memref_slice %arg9[%gather3A_209, %gather3A_210, %gather3A_211] : memref<2x832x16xf32, #tpu.memory_space<vmem>> -> memref<1x832x16xf32, #tpu.memory_space<vmem>>
          %gather3A_213 = tpu.memref_squeeze %gather3A_212 : memref<1x832x16xf32, #tpu.memory_space<vmem>> -> memref<832x16xf32, #tpu.memory_space<vmem>>
          %gather3A_214 = tpu.vector_load_idx %gather3A_213[%add3A_205, %broadcast_in_dim3A_26] : memref<832x16xf32, #tpu.memory_space<vmem>>[vector<16xi32>, vector<16xi32>], vector<16xf32>,
          %mul3A_215 = arith.mulf %gather3A_208, %gather3A_214 : vector<16xf32>
          %add3A_216 = arith.addf %scan3A_183, %mul3A_215 : vector<16xf32>
          %gather3A_217 = arith.constant 0 : i32
          %gather3A_218 = arith.constant 0 : i32
          %gather3A_219 = arith.constant 0 : i32
          %gather3A_220 = tpu.memref_slice %arg9[%gather3A_217, %gather3A_218, %gather3A_219] : memref<2x832x16xf32, #tpu.memory_space<vmem>> -> memref<1x832x16xf32, #tpu.memory_space<vmem>>
          %gather3A_221 = tpu.memref_squeeze %gather3A_220 : memref<1x832x16xf32, #tpu.memory_space<vmem>> -> memref<832x16xf32, #tpu.memory_space<vmem>>
          %gather3A_222 = tpu.vector_load_idx %gather3A_221[%add3A_205, %broadcast_in_dim3A_6] : memref<832x16xf32, #tpu.memory_space<vmem>>[vector<16xi32>, vector<16xi32>], vector<16xf32>,
          %mul3A_223 = arith.mulf %gather3A_208, %gather3A_222 : vector<16xf32>
          %add3A_224 = arith.addf %scan3A_184, %mul3A_223 : vector<16xf32>
          %mul3A_225 = arith.mulf %mul3A_223, %mul3A_223 : vector<16xf32>
          %add3A_226 = arith.addf %scan3A_194, %mul3A_225 : vector<16xf32>
          %gather3A_227 = arith.constant 0 : i32
          %gather3A_228 = arith.constant 0 : i32
          %gather3A_229 = arith.constant 0 : i32
          %gather3A_230 = tpu.memref_slice %arg9[%gather3A_227, %gather3A_228, %gather3A_229] : memref<2x832x16xf32, #tpu.memory_space<vmem>> -> memref<1x832x16xf32, #tpu.memory_space<vmem>>
          %gather3A_231 = tpu.memref_squeeze %gather3A_230 : memref<1x832x16xf32, #tpu.memory_space<vmem>> -> memref<832x16xf32, #tpu.memory_space<vmem>>
          %gather3A_232 = tpu.vector_load_idx %gather3A_231[%add3A_205, %broadcast_in_dim3A_8] : memref<832x16xf32, #tpu.memory_space<vmem>>[vector<16xi32>, vector<16xi32>], vector<16xf32>,
          %mul3A_233 = arith.mulf %gather3A_208, %gather3A_232 : vector<16xf32>
          %add3A_234 = arith.addf %scan3A_185, %mul3A_233 : vector<16xf32>
          %mul3A_235 = arith.mulf %mul3A_233, %mul3A_233 : vector<16xf32>
          %add3A_236 = arith.addf %scan3A_195, %mul3A_235 : vector<16xf32>
          %gather3A_237 = arith.constant 0 : i32
          %gather3A_238 = arith.constant 0 : i32
          %gather3A_239 = arith.constant 0 : i32
          %gather3A_240 = tpu.memref_slice %arg9[%gather3A_237, %gather3A_238, %gather3A_239] : memref<2x832x16xf32, #tpu.memory_space<vmem>> -> memref<1x832x16xf32, #tpu.memory_space<vmem>>
          %gather3A_241 = tpu.memref_squeeze %gather3A_240 : memref<1x832x16xf32, #tpu.memory_space<vmem>> -> memref<832x16xf32, #tpu.memory_space<vmem>>
          %gather3A_242 = tpu.vector_load_idx %gather3A_241[%add3A_205, %broadcast_in_dim3A_10] : memref<832x16xf32, #tpu.memory_space<vmem>>[vector<16xi32>, vector<16xi32>], vector<16xf32>,
          %mul3A_243 = arith.mulf %gather3A_208, %gather3A_242 : vector<16xf32>
          %add3A_244 = arith.addf %scan3A_186, %mul3A_243 : vector<16xf32>
          %mul3A_245 = arith.mulf %mul3A_243, %mul3A_243 : vector<16xf32>
          %add3A_246 = arith.addf %scan3A_196, %mul3A_245 : vector<16xf32>
          %gather3A_247 = arith.constant 0 : i32
          %gather3A_248 = arith.constant 0 : i32
          %gather3A_249 = arith.constant 0 : i32
          %gather3A_250 = tpu.memref_slice %arg9[%gather3A_247, %gather3A_248, %gather3A_249] : memref<2x832x16xf32, #tpu.memory_space<vmem>> -> memref<1x832x16xf32, #tpu.memory_space<vmem>>
          %gather3A_251 = tpu.memref_squeeze %gather3A_250 : memref<1x832x16xf32, #tpu.memory_space<vmem>> -> memref<832x16xf32, #tpu.memory_space<vmem>>
          %gather3A_252 = tpu.vector_load_idx %gather3A_251[%add3A_205, %broadcast_in_dim3A_12] : memref<832x16xf32, #tpu.memory_space<vmem>>[vector<16xi32>, vector<16xi32>], vector<16xf32>,
          %mul3A_253 = arith.mulf %gather3A_208, %gather3A_252 : vector<16xf32>
          %add3A_254 = arith.addf %scan3A_187, %mul3A_253 : vector<16xf32>
          %mul3A_255 = arith.mulf %mul3A_253, %mul3A_253 : vector<16xf32>
          %add3A_256 = arith.addf %scan3A_197, %mul3A_255 : vector<16xf32>
          %gather3A_257 = arith.constant 0 : i32
          %gather3A_258 = arith.constant 0 : i32
          %gather3A_259 = arith.constant 0 : i32
          %gather3A_260 = tpu.memref_slice %arg9[%gather3A_257, %gather3A_258, %gather3A_259] : memref<2x832x16xf32, #tpu.memory_space<vmem>> -> memref<1x832x16xf32, #tpu.memory_space<vmem>>
          %gather3A_261 = tpu.memref_squeeze %gather3A_260 : memref<1x832x16xf32, #tpu.memory_space<vmem>> -> memref<832x16xf32, #tpu.memory_space<vmem>>
          %gather3A_262 = tpu.vector_load_idx %gather3A_261[%add3A_205, %broadcast_in_dim3A_14] : memref<832x16xf32, #tpu.memory_space<vmem>>[vector<16xi32>, vector<16xi32>], vector<16xf32>,
          %mul3A_263 = arith.mulf %gather3A_208, %gather3A_262 : vector<16xf32>
          %add3A_264 = arith.addf %scan3A_188, %mul3A_263 : vector<16xf32>
          %mul3A_265 = arith.mulf %mul3A_263, %mul3A_263 : vector<16xf32>
          %add3A_266 = arith.addf %scan3A_198, %mul3A_265 : vector<16xf32>
          %gather3A_267 = arith.constant 0 : i32
          %gather3A_268 = arith.constant 0 : i32
          %gather3A_269 = arith.constant 0 : i32
          %gather3A_270 = tpu.memref_slice %arg9[%gather3A_267, %gather3A_268, %gather3A_269] : memref<2x832x16xf32, #tpu.memory_space<vmem>> -> memref<1x832x16xf32, #tpu.memory_space<vmem>>
          %gather3A_271 = tpu.memref_squeeze %gather3A_270 : memref<1x832x16xf32, #tpu.memory_space<vmem>> -> memref<832x16xf32, #tpu.memory_space<vmem>>
          %gather3A_272 = tpu.vector_load_idx %gather3A_271[%add3A_205, %broadcast_in_dim3A_16] : memref<832x16xf32, #tpu.memory_space<vmem>>[vector<16xi32>, vector<16xi32>], vector<16xf32>,
          %mul3A_273 = arith.mulf %gather3A_208, %gather3A_272 : vector<16xf32>
          %add3A_274 = arith.addf %scan3A_189, %mul3A_273 : vector<16xf32>
          %mul3A_275 = arith.mulf %mul3A_273, %mul3A_273 : vector<16xf32>
          %add3A_276 = arith.addf %scan3A_199, %mul3A_275 : vector<16xf32>
          %gather3A_277 = arith.constant 0 : i32
          %gather3A_278 = arith.constant 0 : i32
          %gather3A_279 = arith.constant 0 : i32
          %gather3A_280 = tpu.memref_slice %arg9[%gather3A_277, %gather3A_278, %gather3A_279] : memref<2x832x16xf32, #tpu.memory_space<vmem>> -> memref<1x832x16xf32, #tpu.memory_space<vmem>>
          %gather3A_281 = tpu.memref_squeeze %gather3A_280 : memref<1x832x16xf32, #tpu.memory_space<vmem>> -> memref<832x16xf32, #tpu.memory_space<vmem>>
          %gather3A_282 = tpu.vector_load_idx %gather3A_281[%add3A_205, %broadcast_in_dim3A_18] : memref<832x16xf32, #tpu.memory_space<vmem>>[vector<16xi32>, vector<16xi32>], vector<16xf32>,
          %mul3A_283 = arith.mulf %gather3A_208, %gather3A_282 : vector<16xf32>
          %add3A_284 = arith.addf %scan3A_190, %mul3A_283 : vector<16xf32>
          %mul3A_285 = arith.mulf %mul3A_283, %mul3A_283 : vector<16xf32>
          %add3A_286 = arith.addf %scan3A_200, %mul3A_285 : vector<16xf32>
          %gather3A_287 = arith.constant 0 : i32
          %gather3A_288 = arith.constant 0 : i32
          %gather3A_289 = arith.constant 0 : i32
          %gather3A_290 = tpu.memref_slice %arg9[%gather3A_287, %gather3A_288, %gather3A_289] : memref<2x832x16xf32, #tpu.memory_space<vmem>> -> memref<1x832x16xf32, #tpu.memory_space<vmem>>
          %gather3A_291 = tpu.memref_squeeze %gather3A_290 : memref<1x832x16xf32, #tpu.memory_space<vmem>> -> memref<832x16xf32, #tpu.memory_space<vmem>>
          %gather3A_292 = tpu.vector_load_idx %gather3A_291[%add3A_205, %broadcast_in_dim3A_20] : memref<832x16xf32, #tpu.memory_space<vmem>>[vector<16xi32>, vector<16xi32>], vector<16xf32>,
          %mul3A_293 = arith.mulf %gather3A_208, %gather3A_292 : vector<16xf32>
          %add3A_294 = arith.addf %scan3A_191, %mul3A_293 : vector<16xf32>
          %mul3A_295 = arith.mulf %mul3A_293, %mul3A_293 : vector<16xf32>
          %add3A_296 = arith.addf %scan3A_201, %mul3A_295 : vector<16xf32>
          %gather3A_297 = arith.constant 0 : i32
          %gather3A_298 = arith.constant 0 : i32
          %gather3A_299 = arith.constant 0 : i32
          %gather3A_300 = tpu.memref_slice %arg9[%gather3A_297, %gather3A_298, %gather3A_299] : memref<2x832x16xf32, #tpu.memory_space<vmem>> -> memref<1x832x16xf32, #tpu.memory_space<vmem>>
          %gather3A_301 = tpu.memref_squeeze %gather3A_300 : memref<1x832x16xf32, #tpu.memory_space<vmem>> -> memref<832x16xf32, #tpu.memory_space<vmem>>
          %gather3A_302 = tpu.vector_load_idx %gather3A_301[%add3A_205, %broadcast_in_dim3A_22] : memref<832x16xf32, #tpu.memory_space<vmem>>[vector<16xi32>, vector<16xi32>], vector<16xf32>,
          %mul3A_303 = arith.mulf %gather3A_208, %gather3A_302 : vector<16xf32>
          %add3A_304 = arith.addf %scan3A_192, %mul3A_303 : vector<16xf32>
          %mul3A_305 = arith.mulf %mul3A_303, %mul3A_303 : vector<16xf32>
          %add3A_306 = arith.addf %scan3A_202, %mul3A_305 : vector<16xf32>
          %gather3A_307 = arith.constant 0 : i32
          %gather3A_308 = arith.constant 0 : i32
          %gather3A_309 = arith.constant 0 : i32
          %gather3A_310 = tpu.memref_slice %arg9[%gather3A_307, %gather3A_308, %gather3A_309] : memref<2x832x16xf32, #tpu.memory_space<vmem>> -> memref<1x832x16xf32, #tpu.memory_space<vmem>>
          %gather3A_311 = tpu.memref_squeeze %gather3A_310 : memref<1x832x16xf32, #tpu.memory_space<vmem>> -> memref<832x16xf32, #tpu.memory_space<vmem>>
          %gather3A_312 = tpu.vector_load_idx %gather3A_311[%add3A_205, %broadcast_in_dim3A_24] : memref<832x16xf32, #tpu.memory_space<vmem>>[vector<16xi32>, vector<16xi32>], vector<16xf32>,
          %mul3A_313 = arith.mulf %gather3A_208, %gather3A_312 : vector<16xf32>
          %add3A_314 = arith.addf %scan3A_193, %mul3A_313 : vector<16xf32>
          %mul3A_315 = arith.mulf %mul3A_313, %mul3A_313 : vector<16xf32>
          %add3A_316 = arith.addf %scan3A_203, %mul3A_315 : vector<16xf32>
          scf.yield %add3A_216, %add3A_224, %add3A_234, %add3A_244, %add3A_254, %add3A_264, %add3A_274, %add3A_284, %add3A_294, %add3A_304, %add3A_314, %add3A_226, %add3A_236, %add3A_246, %add3A_256, %add3A_266, %add3A_276, %add3A_286, %add3A_296, %add3A_306, %add3A_316 : vector<16xf32>, vector<16xf32>, vector<16xf32>, vector<16xf32>, vector<16xf32>, vector<16xf32>, vector<16xf32>, vector<16xf32>, vector<16xf32>, vector<16xf32>, vector<16xf32>, vector<16xf32>, vector<16xf32>, vector<16xf32>, vector<16xf32>, vector<16xf32>, vector<16xf32>, vector<16xf32>, vector<16xf32>, vector<16xf32>, vector<16xf32>
        }
        %scan3A_133 = arith.constant 26 : i32
        %mul3A_134 = arith.mulf %scan3A_132#1, %scan3A_132#1 : vector<16xf32>
        %sub3A = arith.subf %mul3A_134, %scan3A_132#11 : vector<16xf32>
        %add3A_135 = arith.addf %broadcast_in_dim3A_127, %sub3A : vector<16xf32>
        %mul3A_136 = arith.mulf %scan3A_132#2, %scan3A_132#2 : vector<16xf32>
        %sub3A_137 = arith.subf %mul3A_136, %scan3A_132#12 : vector<16xf32>
        %add3A_138 = arith.addf %add3A_135, %sub3A_137 : vector<16xf32>
        %mul3A_139 = arith.mulf %scan3A_132#3, %scan3A_132#3 : vector<16xf32>
        %sub3A_140 = arith.subf %mul3A_139, %scan3A_132#13 : vector<16xf32>
        %add3A_141 = arith.addf %add3A_138, %sub3A_140 : vector<16xf32>
        %mul3A_142 = arith.mulf %scan3A_132#4, %scan3A_132#4 : vector<16xf32>
        %sub3A_143 = arith.subf %mul3A_142, %scan3A_132#14 : vector<16xf32>
        %add3A_144 = arith.addf %add3A_141, %sub3A_143 : vector<16xf32>
        %mul3A_145 = arith.mulf %scan3A_132#5, %scan3A_132#5 : vector<16xf32>
        %sub3A_146 = arith.subf %mul3A_145, %scan3A_132#15 : vector<16xf32>
        %add3A_147 = arith.addf %add3A_144, %sub3A_146 : vector<16xf32>
        %mul3A_148 = arith.mulf %scan3A_132#6, %scan3A_132#6 : vector<16xf32>
        %sub3A_149 = arith.subf %mul3A_148, %scan3A_132#16 : vector<16xf32>
        %add3A_150 = arith.addf %add3A_147, %sub3A_149 : vector<16xf32>
        %mul3A_151 = arith.mulf %scan3A_132#7, %scan3A_132#7 : vector<16xf32>
        %sub3A_152 = arith.subf %mul3A_151, %scan3A_132#17 : vector<16xf32>
        %add3A_153 = arith.addf %add3A_150, %sub3A_152 : vector<16xf32>
        %mul3A_154 = arith.mulf %scan3A_132#8, %scan3A_132#8 : vector<16xf32>
        %sub3A_155 = arith.subf %mul3A_154, %scan3A_132#18 : vector<16xf32>
        %add3A_156 = arith.addf %add3A_153, %sub3A_155 : vector<16xf32>
        %mul3A_157 = arith.mulf %scan3A_132#9, %scan3A_132#9 : vector<16xf32>
        %sub3A_158 = arith.subf %mul3A_157, %scan3A_132#19 : vector<16xf32>
        %add3A_159 = arith.addf %add3A_156, %sub3A_158 : vector<16xf32>
        %mul3A_160 = arith.mulf %scan3A_132#10, %scan3A_132#10 : vector<16xf32>
        %sub3A_161 = arith.subf %mul3A_160, %scan3A_132#20 : vector<16xf32>
        %add3A_162 = arith.addf %add3A_159, %sub3A_161 : vector<16xf32>
        %add3A_163 = arith.addf %scan3A_132#0, %get3A_5 : vector<16xf32>
        %mul3A_164 = arith.constant 5.000000e-01 : f32
        %mul3A_165 = vector.broadcast %mul3A_164 : f32 to vector<16xf32>
        %mul3A_166 = arith.mulf %mul3A_165, %add3A_162 : vector<16xf32>
        %add3A_167 = arith.addf %add3A_163, %mul3A_166 : vector<16xf32>
        %neg3A = arith.constant 0.000000e+00 : f32
        %neg3A_168 = vector.broadcast %neg3A : f32 to vector<16xf32>
        %neg3A_169 = arith.subf %neg3A_168, %add3A_167 : vector<16xf32>
        %exp3A = math.exp %neg3A_169 : vector<16xf32>
        %add3A_170 = arith.constant 1.000000e+00 : f32
        %add3A_171 = vector.broadcast %add3A_170 : f32 to vector<16xf32>
        %add3A_172 = arith.addf %add3A_171, %exp3A : vector<16xf32>
        %div3A = arith.constant 1.000000e+00 : f32
        %div3A_173 = vector.broadcast %div3A : f32 to vector<16xf32>
        %div3A_174 = arith.divf %div3A_173, %add3A_172 : vector<16xf32>
        %mul3A_175 = arith.constant 32 : i32
        %mul3A_176 = arith.muli %mul3A_52, %mul3A_175 : i32
        %mul3A_177 = arith.constant 16 : i32
        %mul3A_178 = arith.muli %scan3A_117, %mul3A_177 : i32
        %add3A_179 = arith.addi %mul3A_176, %mul3A_178 : i32
        %swap3A = arith.index_cast %add3A_179 : i32 to index
        %swap3A_180 = tpu.vector_load %arg11[%swap3A] {strides = array<i32>} : memref<512xf32, #tpu.memory_space<vmem>>, vector<16xf32>,
        tpu.vector_store %arg11[%swap3A], %div3A_174 {strides = array<i32>} : memref<512xf32, #tpu.memory_space<vmem>>, vector<16xf32>,
        %scan3A_181 = arith.constant 0 : i32
        scf.yield %scan3A_181 : i32
      }
      %scan3A_89 = arith.constant 2 : i32
      %lt3A = arith.constant 7 : i32
      %lt3A_90 = arith.cmpi slt, %scan3A_49, %lt3A : i32
      %convert_element_type3A = arith.extui %lt3A_90 : i1 to i32
      %cond3A = arith.constant 0 : i32
      %cond3A_91 = arith.cmpi ne, %convert_element_type3A, %cond3A : i32
      scf.if %cond3A_91 {
        %add3A_117 = arith.constant 2 : i32
        %add3A_118 = arith.addi %mul3A_52, %add3A_117 : i32
        %dma_start3A_119 = arith.constant 0 : i32
        %dma_start3A_120 = arith.constant 0 : i32
        %dma_start3A_121 = arith.constant 0 : i32
        %dma_start3A_122 = arith.constant 0 : i32
        %dma_start3A_123 = tpu.memref_slice %arg9[%dma_start3A_119, %dma_start3A_121, %dma_start3A_122] : memref<2x832x16xf32, #tpu.memory_space<vmem>> -> memref<1x832x16xf32, #tpu.memory_space<vmem>>
        %dma_start3A_124 = tpu.memref_squeeze %dma_start3A_123 : memref<1x832x16xf32, #tpu.memory_space<vmem>> -> memref<832x16xf32, #tpu.memory_space<vmem>>
        %dma_start3A_125 = arith.constant 0 : i32
        %dma_start3A_126 = tpu.memref_slice %arg7[%add3A_118, %dma_start3A_125] : memref<16x832xi32, #tpu.memory_space<vmem>> -> memref<1x832xi32, #tpu.memory_space<vmem>>
        %dma_start3A_127 = tpu.memref_squeeze %dma_start3A_126 : memref<1x832xi32, #tpu.memory_space<vmem>> -> memref<832xi32, #tpu.memory_space<vmem>>
        %dma_start3A_128 = arith.constant 0 : i32
        %dma_start3A_129 = arith.constant 0 : i32
        %dma_start3A_130 = tpu.memref_slice %arg4[%dma_start3A_128, %dma_start3A_129] : memref<1000000x16xf32, #tpu.memory_space<hbm>> -> memref<1000000x16xf32, #tpu.memory_space<hbm>>
        %dma_start3A_131 = tpu.memref_slice %arg12[%dma_start3A_120] : memref<2x!tpu.dma_semaphore, #tpu.memory_space<semaphore_mem>> -> memref<1x!tpu.dma_semaphore, #tpu.memory_space<semaphore_mem>>
        %dma_start3A_132 = tpu.memref_squeeze %dma_start3A_131 : memref<1x!tpu.dma_semaphore, #tpu.memory_space<semaphore_mem>> -> memref<!tpu.dma_semaphore, #tpu.memory_space<semaphore_mem>>
        tpu.enqueue_indirect_dma source(%dma_start3A_130 : memref<1000000x16xf32, #tpu.memory_space<hbm>>) target(%dma_start3A_124 : memref<832x16xf32, #tpu.memory_space<vmem>>) offsets(%dma_start3A_127 : memref<832xi32, #tpu.memory_space<vmem>>) semaphore(%dma_start3A_132 : memref<!tpu.dma_semaphore, #tpu.memory_space<semaphore_mem>>)
      } else {
      }
      %dma_wait3A_92 = arith.constant 0 : i32
      %dma_wait3A_93 = arith.constant 1 : i32
      %dma_wait3A_94 = arith.constant 1 : i32
      %dma_wait3A_95 = arith.constant 0 : i32
      %dma_wait3A_96 = arith.constant 0 : i32
      %dma_wait3A_97 = tpu.memref_slice %arg9[%dma_wait3A_93, %dma_wait3A_95, %dma_wait3A_96] : memref<2x832x16xf32, #tpu.memory_space<vmem>> -> memref<1x832x16xf32, #tpu.memory_space<vmem>>
      %dma_wait3A_98 = tpu.memref_squeeze %dma_wait3A_97 : memref<1x832x16xf32, #tpu.memory_space<vmem>> -> memref<832x16xf32, #tpu.memory_space<vmem>>
      %dma_wait3A_99 = arith.constant 0 : i32
      %dma_wait3A_100 = tpu.memref_slice %arg7[%dma_wait3A_92, %dma_wait3A_99] : memref<16x832xi32, #tpu.memory_space<vmem>> -> memref<1x832xi32, #tpu.memory_space<vmem>>
      %dma_wait3A_101 = tpu.memref_squeeze %dma_wait3A_100 : memref<1x832xi32, #tpu.memory_space<vmem>> -> memref<832xi32, #tpu.memory_space<vmem>>
      %dma_wait3A_102 = arith.constant 0 : i32
      %dma_wait3A_103 = arith.constant 0 : i32
      %dma_wait3A_104 = tpu.memref_slice %arg4[%dma_wait3A_102, %dma_wait3A_103] : memref<1000000x16xf32, #tpu.memory_space<hbm>> -> memref<1000000x16xf32, #tpu.memory_space<hbm>>
      %dma_wait3A_105 = tpu.memref_slice %arg12[%dma_wait3A_94] : memref<2x!tpu.dma_semaphore, #tpu.memory_space<semaphore_mem>> -> memref<1x!tpu.dma_semaphore, #tpu.memory_space<semaphore_mem>>
      %dma_wait3A_106 = tpu.memref_squeeze %dma_wait3A_105 : memref<1x!tpu.dma_semaphore, #tpu.memory_space<semaphore_mem>> -> memref<!tpu.dma_semaphore, #tpu.memory_space<semaphore_mem>>
      tpu.wait_indirect_dma semaphore(%dma_wait3A_106 : memref<!tpu.dma_semaphore, #tpu.memory_space<semaphore_mem>>) src(%dma_wait3A_104 : memref<1000000x16xf32, #tpu.memory_space<hbm>>) dst(%dma_wait3A_98 : memref<832x16xf32, #tpu.memory_space<vmem>>)
      %add3A_107 = arith.constant 1 : i32
      %add3A_108 = arith.addi %mul3A_52, %add3A_107 : i32
      %scan3A_109 = arith.constant 0 : i32
      %scan3A_110 = arith.constant 0 : i32
      %scan3A_111 = arith.constant 2 : i32
      %scan3A_112 = arith.addi %scan3A_110, %scan3A_111 : i32
      %scan3A_113 = arith.constant 1 : i32
      %scan3A_114 = scf.for %scan3A_117 = %scan3A_110 to %scan3A_112 step %scan3A_113 iter_args(%scan3A_118 = %scan3A_109) -> (i32)  : i32 {
        %mul3A_119 = arith.constant 16 : i32
        %mul3A_120 = arith.muli %scan3A_117, %mul3A_119 : i32
        %add3A_121 = vector.broadcast %mul3A_120 : i32 to vector<16xi32>
        %add3A_122 = arith.addi %add3A_121, %iota3A : vector<16xi32>
        %mul3A_123 = arith.constant 26 : i32
        %mul3A_124 = vector.broadcast %mul3A_123 : i32 to vector<16xi32>
        %mul3A_125 = arith.muli %add3A_122, %mul3A_124 : vector<16xi32>
        %broadcast_in_dim3A_126 = arith.constant 0.000000e+00 : f32
        %broadcast_in_dim3A_127 = vector.broadcast %broadcast_in_dim3A_126 : f32 to vector<16xf32>
        %scan3A_128 = arith.constant 0 : i32
        %scan3A_129 = arith.constant 26 : i32
        %scan3A_130 = arith.addi %scan3A_128, %scan3A_129 : i32
        %scan3A_131 = arith.constant 1 : i32
        %scan3A_132:21 = scf.for %scan3A_182 = %scan3A_128 to %scan3A_130 step %scan3A_131 iter_args(%scan3A_183 = %broadcast_in_dim3A_127, %scan3A_184 = %broadcast_in_dim3A_127, %scan3A_185 = %broadcast_in_dim3A_127, %scan3A_186 = %broadcast_in_dim3A_127, %scan3A_187 = %broadcast_in_dim3A_127, %scan3A_188 = %broadcast_in_dim3A_127, %scan3A_189 = %broadcast_in_dim3A_127, %scan3A_190 = %broadcast_in_dim3A_127, %scan3A_191 = %broadcast_in_dim3A_127, %scan3A_192 = %broadcast_in_dim3A_127, %scan3A_193 = %broadcast_in_dim3A_127, %scan3A_194 = %broadcast_in_dim3A_127, %scan3A_195 = %broadcast_in_dim3A_127, %scan3A_196 = %broadcast_in_dim3A_127, %scan3A_197 = %broadcast_in_dim3A_127, %scan3A_198 = %broadcast_in_dim3A_127, %scan3A_199 = %broadcast_in_dim3A_127, %scan3A_200 = %broadcast_in_dim3A_127, %scan3A_201 = %broadcast_in_dim3A_127, %scan3A_202 = %broadcast_in_dim3A_127, %scan3A_203 = %broadcast_in_dim3A_127) -> (vector<16xf32>, vector<16xf32>, vector<16xf32>, vector<16xf32>, vector<16xf32>, vector<16xf32>, vector<16xf32>, vector<16xf32>, vector<16xf32>, vector<16xf32>, vector<16xf32>, vector<16xf32>, vector<16xf32>, vector<16xf32>, vector<16xf32>, vector<16xf32>, vector<16xf32>, vector<16xf32>, vector<16xf32>, vector<16xf32>, vector<16xf32>)  : i32 {
          %add3A_204 = vector.broadcast %scan3A_182 : i32 to vector<16xi32>
          %add3A_205 = arith.addi %mul3A_125, %add3A_204 : vector<16xi32>
          %gather3A = arith.constant 0 : i32
          %gather3A_206 = tpu.memref_slice %arg8[%add3A_108, %gather3A] : memref<16x832xf32, #tpu.memory_space<vmem>> -> memref<1x832xf32, #tpu.memory_space<vmem>>
          %gather3A_207 = tpu.memref_squeeze %gather3A_206 : memref<1x832xf32, #tpu.memory_space<vmem>> -> memref<832xf32, #tpu.memory_space<vmem>>
          %gather3A_208 = tpu.vector_load_idx %gather3A_207[%add3A_205] : memref<832xf32, #tpu.memory_space<vmem>>[vector<16xi32>], vector<16xf32>,
          %gather3A_209 = arith.constant 1 : i32
          %gather3A_210 = arith.constant 0 : i32
          %gather3A_211 = arith.constant 0 : i32
          %gather3A_212 = tpu.memref_slice %arg9[%gather3A_209, %gather3A_210, %gather3A_211] : memref<2x832x16xf32, #tpu.memory_space<vmem>> -> memref<1x832x16xf32, #tpu.memory_space<vmem>>
          %gather3A_213 = tpu.memref_squeeze %gather3A_212 : memref<1x832x16xf32, #tpu.memory_space<vmem>> -> memref<832x16xf32, #tpu.memory_space<vmem>>
          %gather3A_214 = tpu.vector_load_idx %gather3A_213[%add3A_205, %broadcast_in_dim3A_26] : memref<832x16xf32, #tpu.memory_space<vmem>>[vector<16xi32>, vector<16xi32>], vector<16xf32>,
          %mul3A_215 = arith.mulf %gather3A_208, %gather3A_214 : vector<16xf32>
          %add3A_216 = arith.addf %scan3A_183, %mul3A_215 : vector<16xf32>
          %gather3A_217 = arith.constant 1 : i32
          %gather3A_218 = arith.constant 0 : i32
          %gather3A_219 = arith.constant 0 : i32
          %gather3A_220 = tpu.memref_slice %arg9[%gather3A_217, %gather3A_218, %gather3A_219] : memref<2x832x16xf32, #tpu.memory_space<vmem>> -> memref<1x832x16xf32, #tpu.memory_space<vmem>>
          %gather3A_221 = tpu.memref_squeeze %gather3A_220 : memref<1x832x16xf32, #tpu.memory_space<vmem>> -> memref<832x16xf32, #tpu.memory_space<vmem>>
          %gather3A_222 = tpu.vector_load_idx %gather3A_221[%add3A_205, %broadcast_in_dim3A_6] : memref<832x16xf32, #tpu.memory_space<vmem>>[vector<16xi32>, vector<16xi32>], vector<16xf32>,
          %mul3A_223 = arith.mulf %gather3A_208, %gather3A_222 : vector<16xf32>
          %add3A_224 = arith.addf %scan3A_184, %mul3A_223 : vector<16xf32>
          %mul3A_225 = arith.mulf %mul3A_223, %mul3A_223 : vector<16xf32>
          %add3A_226 = arith.addf %scan3A_194, %mul3A_225 : vector<16xf32>
          %gather3A_227 = arith.constant 1 : i32
          %gather3A_228 = arith.constant 0 : i32
          %gather3A_229 = arith.constant 0 : i32
          %gather3A_230 = tpu.memref_slice %arg9[%gather3A_227, %gather3A_228, %gather3A_229] : memref<2x832x16xf32, #tpu.memory_space<vmem>> -> memref<1x832x16xf32, #tpu.memory_space<vmem>>
          %gather3A_231 = tpu.memref_squeeze %gather3A_230 : memref<1x832x16xf32, #tpu.memory_space<vmem>> -> memref<832x16xf32, #tpu.memory_space<vmem>>
          %gather3A_232 = tpu.vector_load_idx %gather3A_231[%add3A_205, %broadcast_in_dim3A_8] : memref<832x16xf32, #tpu.memory_space<vmem>>[vector<16xi32>, vector<16xi32>], vector<16xf32>,
          %mul3A_233 = arith.mulf %gather3A_208, %gather3A_232 : vector<16xf32>
          %add3A_234 = arith.addf %scan3A_185, %mul3A_233 : vector<16xf32>
          %mul3A_235 = arith.mulf %mul3A_233, %mul3A_233 : vector<16xf32>
          %add3A_236 = arith.addf %scan3A_195, %mul3A_235 : vector<16xf32>
          %gather3A_237 = arith.constant 1 : i32
          %gather3A_238 = arith.constant 0 : i32
          %gather3A_239 = arith.constant 0 : i32
          %gather3A_240 = tpu.memref_slice %arg9[%gather3A_237, %gather3A_238, %gather3A_239] : memref<2x832x16xf32, #tpu.memory_space<vmem>> -> memref<1x832x16xf32, #tpu.memory_space<vmem>>
          %gather3A_241 = tpu.memref_squeeze %gather3A_240 : memref<1x832x16xf32, #tpu.memory_space<vmem>> -> memref<832x16xf32, #tpu.memory_space<vmem>>
          %gather3A_242 = tpu.vector_load_idx %gather3A_241[%add3A_205, %broadcast_in_dim3A_10] : memref<832x16xf32, #tpu.memory_space<vmem>>[vector<16xi32>, vector<16xi32>], vector<16xf32>,
          %mul3A_243 = arith.mulf %gather3A_208, %gather3A_242 : vector<16xf32>
          %add3A_244 = arith.addf %scan3A_186, %mul3A_243 : vector<16xf32>
          %mul3A_245 = arith.mulf %mul3A_243, %mul3A_243 : vector<16xf32>
          %add3A_246 = arith.addf %scan3A_196, %mul3A_245 : vector<16xf32>
          %gather3A_247 = arith.constant 1 : i32
          %gather3A_248 = arith.constant 0 : i32
          %gather3A_249 = arith.constant 0 : i32
          %gather3A_250 = tpu.memref_slice %arg9[%gather3A_247, %gather3A_248, %gather3A_249] : memref<2x832x16xf32, #tpu.memory_space<vmem>> -> memref<1x832x16xf32, #tpu.memory_space<vmem>>
          %gather3A_251 = tpu.memref_squeeze %gather3A_250 : memref<1x832x16xf32, #tpu.memory_space<vmem>> -> memref<832x16xf32, #tpu.memory_space<vmem>>
          %gather3A_252 = tpu.vector_load_idx %gather3A_251[%add3A_205, %broadcast_in_dim3A_12] : memref<832x16xf32, #tpu.memory_space<vmem>>[vector<16xi32>, vector<16xi32>], vector<16xf32>,
          %mul3A_253 = arith.mulf %gather3A_208, %gather3A_252 : vector<16xf32>
          %add3A_254 = arith.addf %scan3A_187, %mul3A_253 : vector<16xf32>
          %mul3A_255 = arith.mulf %mul3A_253, %mul3A_253 : vector<16xf32>
          %add3A_256 = arith.addf %scan3A_197, %mul3A_255 : vector<16xf32>
          %gather3A_257 = arith.constant 1 : i32
          %gather3A_258 = arith.constant 0 : i32
          %gather3A_259 = arith.constant 0 : i32
          %gather3A_260 = tpu.memref_slice %arg9[%gather3A_257, %gather3A_258, %gather3A_259] : memref<2x832x16xf32, #tpu.memory_space<vmem>> -> memref<1x832x16xf32, #tpu.memory_space<vmem>>
          %gather3A_261 = tpu.memref_squeeze %gather3A_260 : memref<1x832x16xf32, #tpu.memory_space<vmem>> -> memref<832x16xf32, #tpu.memory_space<vmem>>
          %gather3A_262 = tpu.vector_load_idx %gather3A_261[%add3A_205, %broadcast_in_dim3A_14] : memref<832x16xf32, #tpu.memory_space<vmem>>[vector<16xi32>, vector<16xi32>], vector<16xf32>,
          %mul3A_263 = arith.mulf %gather3A_208, %gather3A_262 : vector<16xf32>
          %add3A_264 = arith.addf %scan3A_188, %mul3A_263 : vector<16xf32>
          %mul3A_265 = arith.mulf %mul3A_263, %mul3A_263 : vector<16xf32>
          %add3A_266 = arith.addf %scan3A_198, %mul3A_265 : vector<16xf32>
          %gather3A_267 = arith.constant 1 : i32
          %gather3A_268 = arith.constant 0 : i32
          %gather3A_269 = arith.constant 0 : i32
          %gather3A_270 = tpu.memref_slice %arg9[%gather3A_267, %gather3A_268, %gather3A_269] : memref<2x832x16xf32, #tpu.memory_space<vmem>> -> memref<1x832x16xf32, #tpu.memory_space<vmem>>
          %gather3A_271 = tpu.memref_squeeze %gather3A_270 : memref<1x832x16xf32, #tpu.memory_space<vmem>> -> memref<832x16xf32, #tpu.memory_space<vmem>>
          %gather3A_272 = tpu.vector_load_idx %gather3A_271[%add3A_205, %broadcast_in_dim3A_16] : memref<832x16xf32, #tpu.memory_space<vmem>>[vector<16xi32>, vector<16xi32>], vector<16xf32>,
          %mul3A_273 = arith.mulf %gather3A_208, %gather3A_272 : vector<16xf32>
          %add3A_274 = arith.addf %scan3A_189, %mul3A_273 : vector<16xf32>
          %mul3A_275 = arith.mulf %mul3A_273, %mul3A_273 : vector<16xf32>
          %add3A_276 = arith.addf %scan3A_199, %mul3A_275 : vector<16xf32>
          %gather3A_277 = arith.constant 1 : i32
          %gather3A_278 = arith.constant 0 : i32
          %gather3A_279 = arith.constant 0 : i32
          %gather3A_280 = tpu.memref_slice %arg9[%gather3A_277, %gather3A_278, %gather3A_279] : memref<2x832x16xf32, #tpu.memory_space<vmem>> -> memref<1x832x16xf32, #tpu.memory_space<vmem>>
          %gather3A_281 = tpu.memref_squeeze %gather3A_280 : memref<1x832x16xf32, #tpu.memory_space<vmem>> -> memref<832x16xf32, #tpu.memory_space<vmem>>
          %gather3A_282 = tpu.vector_load_idx %gather3A_281[%add3A_205, %broadcast_in_dim3A_18] : memref<832x16xf32, #tpu.memory_space<vmem>>[vector<16xi32>, vector<16xi32>], vector<16xf32>,
          %mul3A_283 = arith.mulf %gather3A_208, %gather3A_282 : vector<16xf32>
          %add3A_284 = arith.addf %scan3A_190, %mul3A_283 : vector<16xf32>
          %mul3A_285 = arith.mulf %mul3A_283, %mul3A_283 : vector<16xf32>
          %add3A_286 = arith.addf %scan3A_200, %mul3A_285 : vector<16xf32>
          %gather3A_287 = arith.constant 1 : i32
          %gather3A_288 = arith.constant 0 : i32
          %gather3A_289 = arith.constant 0 : i32
          %gather3A_290 = tpu.memref_slice %arg9[%gather3A_287, %gather3A_288, %gather3A_289] : memref<2x832x16xf32, #tpu.memory_space<vmem>> -> memref<1x832x16xf32, #tpu.memory_space<vmem>>
          %gather3A_291 = tpu.memref_squeeze %gather3A_290 : memref<1x832x16xf32, #tpu.memory_space<vmem>> -> memref<832x16xf32, #tpu.memory_space<vmem>>
          %gather3A_292 = tpu.vector_load_idx %gather3A_291[%add3A_205, %broadcast_in_dim3A_20] : memref<832x16xf32, #tpu.memory_space<vmem>>[vector<16xi32>, vector<16xi32>], vector<16xf32>,
          %mul3A_293 = arith.mulf %gather3A_208, %gather3A_292 : vector<16xf32>
          %add3A_294 = arith.addf %scan3A_191, %mul3A_293 : vector<16xf32>
          %mul3A_295 = arith.mulf %mul3A_293, %mul3A_293 : vector<16xf32>
          %add3A_296 = arith.addf %scan3A_201, %mul3A_295 : vector<16xf32>
          %gather3A_297 = arith.constant 1 : i32
          %gather3A_298 = arith.constant 0 : i32
          %gather3A_299 = arith.constant 0 : i32
          %gather3A_300 = tpu.memref_slice %arg9[%gather3A_297, %gather3A_298, %gather3A_299] : memref<2x832x16xf32, #tpu.memory_space<vmem>> -> memref<1x832x16xf32, #tpu.memory_space<vmem>>
          %gather3A_301 = tpu.memref_squeeze %gather3A_300 : memref<1x832x16xf32, #tpu.memory_space<vmem>> -> memref<832x16xf32, #tpu.memory_space<vmem>>
          %gather3A_302 = tpu.vector_load_idx %gather3A_301[%add3A_205, %broadcast_in_dim3A_22] : memref<832x16xf32, #tpu.memory_space<vmem>>[vector<16xi32>, vector<16xi32>], vector<16xf32>,
          %mul3A_303 = arith.mulf %gather3A_208, %gather3A_302 : vector<16xf32>
          %add3A_304 = arith.addf %scan3A_192, %mul3A_303 : vector<16xf32>
          %mul3A_305 = arith.mulf %mul3A_303, %mul3A_303 : vector<16xf32>
          %add3A_306 = arith.addf %scan3A_202, %mul3A_305 : vector<16xf32>
          %gather3A_307 = arith.constant 1 : i32
          %gather3A_308 = arith.constant 0 : i32
          %gather3A_309 = arith.constant 0 : i32
          %gather3A_310 = tpu.memref_slice %arg9[%gather3A_307, %gather3A_308, %gather3A_309] : memref<2x832x16xf32, #tpu.memory_space<vmem>> -> memref<1x832x16xf32, #tpu.memory_space<vmem>>
          %gather3A_311 = tpu.memref_squeeze %gather3A_310 : memref<1x832x16xf32, #tpu.memory_space<vmem>> -> memref<832x16xf32, #tpu.memory_space<vmem>>
          %gather3A_312 = tpu.vector_load_idx %gather3A_311[%add3A_205, %broadcast_in_dim3A_24] : memref<832x16xf32, #tpu.memory_space<vmem>>[vector<16xi32>, vector<16xi32>], vector<16xf32>,
          %mul3A_313 = arith.mulf %gather3A_208, %gather3A_312 : vector<16xf32>
          %add3A_314 = arith.addf %scan3A_193, %mul3A_313 : vector<16xf32>
          %mul3A_315 = arith.mulf %mul3A_313, %mul3A_313 : vector<16xf32>
          %add3A_316 = arith.addf %scan3A_203, %mul3A_315 : vector<16xf32>
          scf.yield %add3A_216, %add3A_224, %add3A_234, %add3A_244, %add3A_254, %add3A_264, %add3A_274, %add3A_284, %add3A_294, %add3A_304, %add3A_314, %add3A_226, %add3A_236, %add3A_246, %add3A_256, %add3A_266, %add3A_276, %add3A_286, %add3A_296, %add3A_306, %add3A_316 : vector<16xf32>, vector<16xf32>, vector<16xf32>, vector<16xf32>, vector<16xf32>, vector<16xf32>, vector<16xf32>, vector<16xf32>, vector<16xf32>, vector<16xf32>, vector<16xf32>, vector<16xf32>, vector<16xf32>, vector<16xf32>, vector<16xf32>, vector<16xf32>, vector<16xf32>, vector<16xf32>, vector<16xf32>, vector<16xf32>, vector<16xf32>
        }
        %scan3A_133 = arith.constant 26 : i32
        %mul3A_134 = arith.mulf %scan3A_132#1, %scan3A_132#1 : vector<16xf32>
        %sub3A = arith.subf %mul3A_134, %scan3A_132#11 : vector<16xf32>
        %add3A_135 = arith.addf %broadcast_in_dim3A_127, %sub3A : vector<16xf32>
        %mul3A_136 = arith.mulf %scan3A_132#2, %scan3A_132#2 : vector<16xf32>
        %sub3A_137 = arith.subf %mul3A_136, %scan3A_132#12 : vector<16xf32>
        %add3A_138 = arith.addf %add3A_135, %sub3A_137 : vector<16xf32>
        %mul3A_139 = arith.mulf %scan3A_132#3, %scan3A_132#3 : vector<16xf32>
        %sub3A_140 = arith.subf %mul3A_139, %scan3A_132#13 : vector<16xf32>
        %add3A_141 = arith.addf %add3A_138, %sub3A_140 : vector<16xf32>
        %mul3A_142 = arith.mulf %scan3A_132#4, %scan3A_132#4 : vector<16xf32>
        %sub3A_143 = arith.subf %mul3A_142, %scan3A_132#14 : vector<16xf32>
        %add3A_144 = arith.addf %add3A_141, %sub3A_143 : vector<16xf32>
        %mul3A_145 = arith.mulf %scan3A_132#5, %scan3A_132#5 : vector<16xf32>
        %sub3A_146 = arith.subf %mul3A_145, %scan3A_132#15 : vector<16xf32>
        %add3A_147 = arith.addf %add3A_144, %sub3A_146 : vector<16xf32>
        %mul3A_148 = arith.mulf %scan3A_132#6, %scan3A_132#6 : vector<16xf32>
        %sub3A_149 = arith.subf %mul3A_148, %scan3A_132#16 : vector<16xf32>
        %add3A_150 = arith.addf %add3A_147, %sub3A_149 : vector<16xf32>
        %mul3A_151 = arith.mulf %scan3A_132#7, %scan3A_132#7 : vector<16xf32>
        %sub3A_152 = arith.subf %mul3A_151, %scan3A_132#17 : vector<16xf32>
        %add3A_153 = arith.addf %add3A_150, %sub3A_152 : vector<16xf32>
        %mul3A_154 = arith.mulf %scan3A_132#8, %scan3A_132#8 : vector<16xf32>
        %sub3A_155 = arith.subf %mul3A_154, %scan3A_132#18 : vector<16xf32>
        %add3A_156 = arith.addf %add3A_153, %sub3A_155 : vector<16xf32>
        %mul3A_157 = arith.mulf %scan3A_132#9, %scan3A_132#9 : vector<16xf32>
        %sub3A_158 = arith.subf %mul3A_157, %scan3A_132#19 : vector<16xf32>
        %add3A_159 = arith.addf %add3A_156, %sub3A_158 : vector<16xf32>
        %mul3A_160 = arith.mulf %scan3A_132#10, %scan3A_132#10 : vector<16xf32>
        %sub3A_161 = arith.subf %mul3A_160, %scan3A_132#20 : vector<16xf32>
        %add3A_162 = arith.addf %add3A_159, %sub3A_161 : vector<16xf32>
        %add3A_163 = arith.addf %scan3A_132#0, %get3A_5 : vector<16xf32>
        %mul3A_164 = arith.constant 5.000000e-01 : f32
        %mul3A_165 = vector.broadcast %mul3A_164 : f32 to vector<16xf32>
        %mul3A_166 = arith.mulf %mul3A_165, %add3A_162 : vector<16xf32>
        %add3A_167 = arith.addf %add3A_163, %mul3A_166 : vector<16xf32>
        %neg3A = arith.constant 0.000000e+00 : f32
        %neg3A_168 = vector.broadcast %neg3A : f32 to vector<16xf32>
        %neg3A_169 = arith.subf %neg3A_168, %add3A_167 : vector<16xf32>
        %exp3A = math.exp %neg3A_169 : vector<16xf32>
        %add3A_170 = arith.constant 1.000000e+00 : f32
        %add3A_171 = vector.broadcast %add3A_170 : f32 to vector<16xf32>
        %add3A_172 = arith.addf %add3A_171, %exp3A : vector<16xf32>
        %div3A = arith.constant 1.000000e+00 : f32
        %div3A_173 = vector.broadcast %div3A : f32 to vector<16xf32>
        %div3A_174 = arith.divf %div3A_173, %add3A_172 : vector<16xf32>
        %mul3A_175 = arith.constant 32 : i32
        %mul3A_176 = arith.muli %add3A_108, %mul3A_175 : i32
        %mul3A_177 = arith.constant 16 : i32
        %mul3A_178 = arith.muli %scan3A_117, %mul3A_177 : i32
        %add3A_179 = arith.addi %mul3A_176, %mul3A_178 : i32
        %swap3A = arith.index_cast %add3A_179 : i32 to index
        %swap3A_180 = tpu.vector_load %arg11[%swap3A] {strides = array<i32>} : memref<512xf32, #tpu.memory_space<vmem>>, vector<16xf32>,
        tpu.vector_store %arg11[%swap3A], %div3A_174 {strides = array<i32>} : memref<512xf32, #tpu.memory_space<vmem>>, vector<16xf32>,
        %scan3A_181 = arith.constant 0 : i32
        scf.yield %scan3A_181 : i32
      }
      %scan3A_115 = arith.constant 2 : i32
      %scan3A_116 = arith.constant 0 : i32
      scf.yield %scan3A_116 : i32
    }
    %scan3A_46 = arith.constant 8 : i32
    %mul3A_47 = arith.constant 512 : i32
    %mul3A_48 = arith.muli %add3A, %mul3A_47 : i32
    "tpu.region"() ({
      %run_scoped3A = tpu.sem_alloc : memref<!tpu.dma_semaphore, #tpu.memory_space<semaphore_mem>>
      %dma_start3A_49 = tpu.memref_slice %arg6[%mul3A_48] : memref<16384xf32, #tpu.memory_space<hbm>> -> memref<512xf32, #tpu.memory_space<hbm>>
      %dma_start3A_50 = tpu.memref_slice %arg6[%mul3A_48] : memref<16384xf32, #tpu.memory_space<hbm>> -> memref<512xf32, #tpu.memory_space<hbm>>
      tpu.enqueue_dma source(%arg11 : memref<512xf32, #tpu.memory_space<vmem>>) target(%dma_start3A_50 : memref<512xf32, #tpu.memory_space<hbm>>) target_semaphore(%run_scoped3A : memref<!tpu.dma_semaphore, #tpu.memory_space<semaphore_mem>>)
      %dma_wait3A = tpu.memref_slice %arg6[%mul3A_48] : memref<16384xf32, #tpu.memory_space<hbm>> -> memref<512xf32, #tpu.memory_space<hbm>>
      %dma_wait3A_51 = tpu.memref_slice %arg6[%mul3A_48] : memref<16384xf32, #tpu.memory_space<hbm>> -> memref<512xf32, #tpu.memory_space<hbm>>
      tpu.wait_dma2 semaphore(%run_scoped3A : memref<!tpu.dma_semaphore, #tpu.memory_space<semaphore_mem>>) src(%arg11 : memref<512xf32, #tpu.memory_space<vmem>>) dst(%dma_wait3A_51 : memref<512xf32, #tpu.memory_space<hbm>>)
      tpu.yield
    }) : () -> ()
    return
  }
}

#map = affine_map<(d0, d1) -> (0)>
module attributes {stable_mosaic.version = 14 : i64} {
  func.func @_pack_body(%arg0: i32, %arg1: i32, %arg2: memref<1000000xf32, #tpu.memory_space<hbm>>, %arg3: memref<1000000xf32, #tpu.memory_space<hbm>>, %arg4: memref<1000000xf32, #tpu.memory_space<hbm>>, %arg5: memref<1000000xf32, #tpu.memory_space<hbm>>, %arg6: memref<1000000xf32, #tpu.memory_space<hbm>>, %arg7: memref<1000000xf32, #tpu.memory_space<hbm>>, %arg8: memref<1000000xf32, #tpu.memory_space<hbm>>, %arg9: memref<1000000xf32, #tpu.memory_space<hbm>>, %arg10: memref<1000000xf32, #tpu.memory_space<hbm>>, %arg11: memref<1000000xf32, #tpu.memory_space<hbm>>, %arg12: memref<1000000xf32, #tpu.memory_space<hbm>>, %arg13: memref<16000000xf32, #tpu.memory_space<hbm>>, %arg14: memref<2x11x2000xf32, #tpu.memory_space<vmem>>, %arg15: memref<2x32000xf32, #tpu.memory_space<vmem>>, %arg16: memref<2x!tpu.dma_semaphore, #tpu.memory_space<semaphore_mem>>, %arg17: memref<2x!tpu.dma_semaphore, #tpu.memory_space<semaphore_mem>>) attributes {dimension_semantics = [#tpu.dimension_semantics<core_parallel>, #tpu.dimension_semantics<subcore_parallel>], iteration_bounds = array<i64: 2, 16>, scalar_prefetch = 0 : i64, scratch_operands = 4 : i64, tpu.core_type = #tpu.core_type<sc_vector_subcore>, window_params = [{transform_indices = #map}, {transform_indices = #map}, {transform_indices = #map}, {transform_indices = #map}, {transform_indices = #map}, {transform_indices = #map}, {transform_indices = #map}, {transform_indices = #map}, {transform_indices = #map}, {transform_indices = #map}, {transform_indices = #map}, {transform_indices = #map}]} {
    %mul3A = arith.constant 2 : i32
    %mul3A_0 = arith.muli %arg1, %mul3A : i32
    %add3A = arith.addi %mul3A_0, %arg0 : i32
    %iota3A = tpu.iota {dimensions = array<i32: 0>} : vector<16xi32>
    %lt3A = arith.constant 500 : i32
    %lt3A_1 = arith.cmpi slt, %add3A, %lt3A : i32
    %convert_element_type3A = arith.extui %lt3A_1 : i1 to i32
    %cond3A = arith.constant 0 : i32
    %cond3A_2 = arith.cmpi ne, %convert_element_type3A, %cond3A : i32
    scf.if %cond3A_2 {
      %mul3A_36 = arith.constant 2000 : i32
      %mul3A_37 = arith.muli %add3A, %mul3A_36 : i32
      %dma_start3A = arith.constant 0 : i32
      %dma_start3A_38 = arith.constant 0 : i32
      %dma_start3A_39 = arith.constant 0 : i32
      %dma_start3A_40 = arith.constant 0 : i32
      %dma_start3A_41 = tpu.memref_slice %arg14[%dma_start3A, %dma_start3A_38, %dma_start3A_40] : memref<2x11x2000xf32, #tpu.memory_space<vmem>> -> memref<1x1x2000xf32, #tpu.memory_space<vmem>>
      %dma_start3A_42 = tpu.memref_squeeze %dma_start3A_41 : memref<1x1x2000xf32, #tpu.memory_space<vmem>> -> memref<2000xf32, #tpu.memory_space<vmem>>
      %dma_start3A_43 = tpu.memref_slice %arg2[%mul3A_37] : memref<1000000xf32, #tpu.memory_space<hbm>> -> memref<2000xf32, #tpu.memory_space<hbm>>
      %dma_start3A_44 = tpu.memref_slice %arg16[%dma_start3A_39] : memref<2x!tpu.dma_semaphore, #tpu.memory_space<semaphore_mem>> -> memref<1x!tpu.dma_semaphore, #tpu.memory_space<semaphore_mem>>
      %dma_start3A_45 = tpu.memref_squeeze %dma_start3A_44 : memref<1x!tpu.dma_semaphore, #tpu.memory_space<semaphore_mem>> -> memref<!tpu.dma_semaphore, #tpu.memory_space<semaphore_mem>>
      %dma_start3A_46 = arith.constant 0 : i32
      %dma_start3A_47 = tpu.memref_slice %arg14[%dma_start3A, %dma_start3A_38, %dma_start3A_46] : memref<2x11x2000xf32, #tpu.memory_space<vmem>> -> memref<1x1x2000xf32, #tpu.memory_space<vmem>>
      %dma_start3A_48 = tpu.memref_squeeze %dma_start3A_47 : memref<1x1x2000xf32, #tpu.memory_space<vmem>> -> memref<2000xf32, #tpu.memory_space<vmem>>
      %dma_start3A_49 = tpu.memref_slice %arg2[%mul3A_37] : memref<1000000xf32, #tpu.memory_space<hbm>> -> memref<2000xf32, #tpu.memory_space<hbm>>
      tpu.enqueue_dma source(%dma_start3A_49 : memref<2000xf32, #tpu.memory_space<hbm>>) target(%dma_start3A_48 : memref<2000xf32, #tpu.memory_space<vmem>>) target_semaphore(%dma_start3A_45 : memref<!tpu.dma_semaphore, #tpu.memory_space<semaphore_mem>>)
      %dma_start3A_50 = arith.constant 0 : i32
      %dma_start3A_51 = arith.constant 1 : i32
      %dma_start3A_52 = arith.constant 0 : i32
      %dma_start3A_53 = arith.constant 0 : i32
      %dma_start3A_54 = tpu.memref_slice %arg14[%dma_start3A_50, %dma_start3A_51, %dma_start3A_53] : memref<2x11x2000xf32, #tpu.memory_space<vmem>> -> memref<1x1x2000xf32, #tpu.memory_space<vmem>>
      %dma_start3A_55 = tpu.memref_squeeze %dma_start3A_54 : memref<1x1x2000xf32, #tpu.memory_space<vmem>> -> memref<2000xf32, #tpu.memory_space<vmem>>
      %dma_start3A_56 = tpu.memref_slice %arg3[%mul3A_37] : memref<1000000xf32, #tpu.memory_space<hbm>> -> memref<2000xf32, #tpu.memory_space<hbm>>
      %dma_start3A_57 = tpu.memref_slice %arg16[%dma_start3A_52] : memref<2x!tpu.dma_semaphore, #tpu.memory_space<semaphore_mem>> -> memref<1x!tpu.dma_semaphore, #tpu.memory_space<semaphore_mem>>
      %dma_start3A_58 = tpu.memref_squeeze %dma_start3A_57 : memref<1x!tpu.dma_semaphore, #tpu.memory_space<semaphore_mem>> -> memref<!tpu.dma_semaphore, #tpu.memory_space<semaphore_mem>>
      %dma_start3A_59 = arith.constant 0 : i32
      %dma_start3A_60 = tpu.memref_slice %arg14[%dma_start3A_50, %dma_start3A_51, %dma_start3A_59] : memref<2x11x2000xf32, #tpu.memory_space<vmem>> -> memref<1x1x2000xf32, #tpu.memory_space<vmem>>
      %dma_start3A_61 = tpu.memref_squeeze %dma_start3A_60 : memref<1x1x2000xf32, #tpu.memory_space<vmem>> -> memref<2000xf32, #tpu.memory_space<vmem>>
      %dma_start3A_62 = tpu.memref_slice %arg3[%mul3A_37] : memref<1000000xf32, #tpu.memory_space<hbm>> -> memref<2000xf32, #tpu.memory_space<hbm>>
      tpu.enqueue_dma source(%dma_start3A_62 : memref<2000xf32, #tpu.memory_space<hbm>>) target(%dma_start3A_61 : memref<2000xf32, #tpu.memory_space<vmem>>) target_semaphore(%dma_start3A_58 : memref<!tpu.dma_semaphore, #tpu.memory_space<semaphore_mem>>)
      %dma_start3A_63 = arith.constant 0 : i32
      %dma_start3A_64 = arith.constant 2 : i32
      %dma_start3A_65 = arith.constant 0 : i32
      %dma_start3A_66 = arith.constant 0 : i32
      %dma_start3A_67 = tpu.memref_slice %arg14[%dma_start3A_63, %dma_start3A_64, %dma_start3A_66] : memref<2x11x2000xf32, #tpu.memory_space<vmem>> -> memref<1x1x2000xf32, #tpu.memory_space<vmem>>
      %dma_start3A_68 = tpu.memref_squeeze %dma_start3A_67 : memref<1x1x2000xf32, #tpu.memory_space<vmem>> -> memref<2000xf32, #tpu.memory_space<vmem>>
      %dma_start3A_69 = tpu.memref_slice %arg4[%mul3A_37] : memref<1000000xf32, #tpu.memory_space<hbm>> -> memref<2000xf32, #tpu.memory_space<hbm>>
      %dma_start3A_70 = tpu.memref_slice %arg16[%dma_start3A_65] : memref<2x!tpu.dma_semaphore, #tpu.memory_space<semaphore_mem>> -> memref<1x!tpu.dma_semaphore, #tpu.memory_space<semaphore_mem>>
      %dma_start3A_71 = tpu.memref_squeeze %dma_start3A_70 : memref<1x!tpu.dma_semaphore, #tpu.memory_space<semaphore_mem>> -> memref<!tpu.dma_semaphore, #tpu.memory_space<semaphore_mem>>
      %dma_start3A_72 = arith.constant 0 : i32
      %dma_start3A_73 = tpu.memref_slice %arg14[%dma_start3A_63, %dma_start3A_64, %dma_start3A_72] : memref<2x11x2000xf32, #tpu.memory_space<vmem>> -> memref<1x1x2000xf32, #tpu.memory_space<vmem>>
      %dma_start3A_74 = tpu.memref_squeeze %dma_start3A_73 : memref<1x1x2000xf32, #tpu.memory_space<vmem>> -> memref<2000xf32, #tpu.memory_space<vmem>>
      %dma_start3A_75 = tpu.memref_slice %arg4[%mul3A_37] : memref<1000000xf32, #tpu.memory_space<hbm>> -> memref<2000xf32, #tpu.memory_space<hbm>>
      tpu.enqueue_dma source(%dma_start3A_75 : memref<2000xf32, #tpu.memory_space<hbm>>) target(%dma_start3A_74 : memref<2000xf32, #tpu.memory_space<vmem>>) target_semaphore(%dma_start3A_71 : memref<!tpu.dma_semaphore, #tpu.memory_space<semaphore_mem>>)
      %dma_start3A_76 = arith.constant 0 : i32
      %dma_start3A_77 = arith.constant 3 : i32
      %dma_start3A_78 = arith.constant 0 : i32
      %dma_start3A_79 = arith.constant 0 : i32
      %dma_start3A_80 = tpu.memref_slice %arg14[%dma_start3A_76, %dma_start3A_77, %dma_start3A_79] : memref<2x11x2000xf32, #tpu.memory_space<vmem>> -> memref<1x1x2000xf32, #tpu.memory_space<vmem>>
      %dma_start3A_81 = tpu.memref_squeeze %dma_start3A_80 : memref<1x1x2000xf32, #tpu.memory_space<vmem>> -> memref<2000xf32, #tpu.memory_space<vmem>>
      %dma_start3A_82 = tpu.memref_slice %arg5[%mul3A_37] : memref<1000000xf32, #tpu.memory_space<hbm>> -> memref<2000xf32, #tpu.memory_space<hbm>>
      %dma_start3A_83 = tpu.memref_slice %arg16[%dma_start3A_78] : memref<2x!tpu.dma_semaphore, #tpu.memory_space<semaphore_mem>> -> memref<1x!tpu.dma_semaphore, #tpu.memory_space<semaphore_mem>>
      %dma_start3A_84 = tpu.memref_squeeze %dma_start3A_83 : memref<1x!tpu.dma_semaphore, #tpu.memory_space<semaphore_mem>> -> memref<!tpu.dma_semaphore, #tpu.memory_space<semaphore_mem>>
      %dma_start3A_85 = arith.constant 0 : i32
      %dma_start3A_86 = tpu.memref_slice %arg14[%dma_start3A_76, %dma_start3A_77, %dma_start3A_85] : memref<2x11x2000xf32, #tpu.memory_space<vmem>> -> memref<1x1x2000xf32, #tpu.memory_space<vmem>>
      %dma_start3A_87 = tpu.memref_squeeze %dma_start3A_86 : memref<1x1x2000xf32, #tpu.memory_space<vmem>> -> memref<2000xf32, #tpu.memory_space<vmem>>
      %dma_start3A_88 = tpu.memref_slice %arg5[%mul3A_37] : memref<1000000xf32, #tpu.memory_space<hbm>> -> memref<2000xf32, #tpu.memory_space<hbm>>
      tpu.enqueue_dma source(%dma_start3A_88 : memref<2000xf32, #tpu.memory_space<hbm>>) target(%dma_start3A_87 : memref<2000xf32, #tpu.memory_space<vmem>>) target_semaphore(%dma_start3A_84 : memref<!tpu.dma_semaphore, #tpu.memory_space<semaphore_mem>>)
      %dma_start3A_89 = arith.constant 0 : i32
      %dma_start3A_90 = arith.constant 4 : i32
      %dma_start3A_91 = arith.constant 0 : i32
      %dma_start3A_92 = arith.constant 0 : i32
      %dma_start3A_93 = tpu.memref_slice %arg14[%dma_start3A_89, %dma_start3A_90, %dma_start3A_92] : memref<2x11x2000xf32, #tpu.memory_space<vmem>> -> memref<1x1x2000xf32, #tpu.memory_space<vmem>>
      %dma_start3A_94 = tpu.memref_squeeze %dma_start3A_93 : memref<1x1x2000xf32, #tpu.memory_space<vmem>> -> memref<2000xf32, #tpu.memory_space<vmem>>
      %dma_start3A_95 = tpu.memref_slice %arg6[%mul3A_37] : memref<1000000xf32, #tpu.memory_space<hbm>> -> memref<2000xf32, #tpu.memory_space<hbm>>
      %dma_start3A_96 = tpu.memref_slice %arg16[%dma_start3A_91] : memref<2x!tpu.dma_semaphore, #tpu.memory_space<semaphore_mem>> -> memref<1x!tpu.dma_semaphore, #tpu.memory_space<semaphore_mem>>
      %dma_start3A_97 = tpu.memref_squeeze %dma_start3A_96 : memref<1x!tpu.dma_semaphore, #tpu.memory_space<semaphore_mem>> -> memref<!tpu.dma_semaphore, #tpu.memory_space<semaphore_mem>>
      %dma_start3A_98 = arith.constant 0 : i32
      %dma_start3A_99 = tpu.memref_slice %arg14[%dma_start3A_89, %dma_start3A_90, %dma_start3A_98] : memref<2x11x2000xf32, #tpu.memory_space<vmem>> -> memref<1x1x2000xf32, #tpu.memory_space<vmem>>
      %dma_start3A_100 = tpu.memref_squeeze %dma_start3A_99 : memref<1x1x2000xf32, #tpu.memory_space<vmem>> -> memref<2000xf32, #tpu.memory_space<vmem>>
      %dma_start3A_101 = tpu.memref_slice %arg6[%mul3A_37] : memref<1000000xf32, #tpu.memory_space<hbm>> -> memref<2000xf32, #tpu.memory_space<hbm>>
      tpu.enqueue_dma source(%dma_start3A_101 : memref<2000xf32, #tpu.memory_space<hbm>>) target(%dma_start3A_100 : memref<2000xf32, #tpu.memory_space<vmem>>) target_semaphore(%dma_start3A_97 : memref<!tpu.dma_semaphore, #tpu.memory_space<semaphore_mem>>)
      %dma_start3A_102 = arith.constant 0 : i32
      %dma_start3A_103 = arith.constant 5 : i32
      %dma_start3A_104 = arith.constant 0 : i32
      %dma_start3A_105 = arith.constant 0 : i32
      %dma_start3A_106 = tpu.memref_slice %arg14[%dma_start3A_102, %dma_start3A_103, %dma_start3A_105] : memref<2x11x2000xf32, #tpu.memory_space<vmem>> -> memref<1x1x2000xf32, #tpu.memory_space<vmem>>
      %dma_start3A_107 = tpu.memref_squeeze %dma_start3A_106 : memref<1x1x2000xf32, #tpu.memory_space<vmem>> -> memref<2000xf32, #tpu.memory_space<vmem>>
      %dma_start3A_108 = tpu.memref_slice %arg7[%mul3A_37] : memref<1000000xf32, #tpu.memory_space<hbm>> -> memref<2000xf32, #tpu.memory_space<hbm>>
      %dma_start3A_109 = tpu.memref_slice %arg16[%dma_start3A_104] : memref<2x!tpu.dma_semaphore, #tpu.memory_space<semaphore_mem>> -> memref<1x!tpu.dma_semaphore, #tpu.memory_space<semaphore_mem>>
      %dma_start3A_110 = tpu.memref_squeeze %dma_start3A_109 : memref<1x!tpu.dma_semaphore, #tpu.memory_space<semaphore_mem>> -> memref<!tpu.dma_semaphore, #tpu.memory_space<semaphore_mem>>
      %dma_start3A_111 = arith.constant 0 : i32
      %dma_start3A_112 = tpu.memref_slice %arg14[%dma_start3A_102, %dma_start3A_103, %dma_start3A_111] : memref<2x11x2000xf32, #tpu.memory_space<vmem>> -> memref<1x1x2000xf32, #tpu.memory_space<vmem>>
      %dma_start3A_113 = tpu.memref_squeeze %dma_start3A_112 : memref<1x1x2000xf32, #tpu.memory_space<vmem>> -> memref<2000xf32, #tpu.memory_space<vmem>>
      %dma_start3A_114 = tpu.memref_slice %arg7[%mul3A_37] : memref<1000000xf32, #tpu.memory_space<hbm>> -> memref<2000xf32, #tpu.memory_space<hbm>>
      tpu.enqueue_dma source(%dma_start3A_114 : memref<2000xf32, #tpu.memory_space<hbm>>) target(%dma_start3A_113 : memref<2000xf32, #tpu.memory_space<vmem>>) target_semaphore(%dma_start3A_110 : memref<!tpu.dma_semaphore, #tpu.memory_space<semaphore_mem>>)
      %dma_start3A_115 = arith.constant 0 : i32
      %dma_start3A_116 = arith.constant 6 : i32
      %dma_start3A_117 = arith.constant 0 : i32
      %dma_start3A_118 = arith.constant 0 : i32
      %dma_start3A_119 = tpu.memref_slice %arg14[%dma_start3A_115, %dma_start3A_116, %dma_start3A_118] : memref<2x11x2000xf32, #tpu.memory_space<vmem>> -> memref<1x1x2000xf32, #tpu.memory_space<vmem>>
      %dma_start3A_120 = tpu.memref_squeeze %dma_start3A_119 : memref<1x1x2000xf32, #tpu.memory_space<vmem>> -> memref<2000xf32, #tpu.memory_space<vmem>>
      %dma_start3A_121 = tpu.memref_slice %arg8[%mul3A_37] : memref<1000000xf32, #tpu.memory_space<hbm>> -> memref<2000xf32, #tpu.memory_space<hbm>>
      %dma_start3A_122 = tpu.memref_slice %arg16[%dma_start3A_117] : memref<2x!tpu.dma_semaphore, #tpu.memory_space<semaphore_mem>> -> memref<1x!tpu.dma_semaphore, #tpu.memory_space<semaphore_mem>>
      %dma_start3A_123 = tpu.memref_squeeze %dma_start3A_122 : memref<1x!tpu.dma_semaphore, #tpu.memory_space<semaphore_mem>> -> memref<!tpu.dma_semaphore, #tpu.memory_space<semaphore_mem>>
      %dma_start3A_124 = arith.constant 0 : i32
      %dma_start3A_125 = tpu.memref_slice %arg14[%dma_start3A_115, %dma_start3A_116, %dma_start3A_124] : memref<2x11x2000xf32, #tpu.memory_space<vmem>> -> memref<1x1x2000xf32, #tpu.memory_space<vmem>>
      %dma_start3A_126 = tpu.memref_squeeze %dma_start3A_125 : memref<1x1x2000xf32, #tpu.memory_space<vmem>> -> memref<2000xf32, #tpu.memory_space<vmem>>
      %dma_start3A_127 = tpu.memref_slice %arg8[%mul3A_37] : memref<1000000xf32, #tpu.memory_space<hbm>> -> memref<2000xf32, #tpu.memory_space<hbm>>
      tpu.enqueue_dma source(%dma_start3A_127 : memref<2000xf32, #tpu.memory_space<hbm>>) target(%dma_start3A_126 : memref<2000xf32, #tpu.memory_space<vmem>>) target_semaphore(%dma_start3A_123 : memref<!tpu.dma_semaphore, #tpu.memory_space<semaphore_mem>>)
      %dma_start3A_128 = arith.constant 0 : i32
      %dma_start3A_129 = arith.constant 7 : i32
      %dma_start3A_130 = arith.constant 0 : i32
      %dma_start3A_131 = arith.constant 0 : i32
      %dma_start3A_132 = tpu.memref_slice %arg14[%dma_start3A_128, %dma_start3A_129, %dma_start3A_131] : memref<2x11x2000xf32, #tpu.memory_space<vmem>> -> memref<1x1x2000xf32, #tpu.memory_space<vmem>>
      %dma_start3A_133 = tpu.memref_squeeze %dma_start3A_132 : memref<1x1x2000xf32, #tpu.memory_space<vmem>> -> memref<2000xf32, #tpu.memory_space<vmem>>
      %dma_start3A_134 = tpu.memref_slice %arg9[%mul3A_37] : memref<1000000xf32, #tpu.memory_space<hbm>> -> memref<2000xf32, #tpu.memory_space<hbm>>
      %dma_start3A_135 = tpu.memref_slice %arg16[%dma_start3A_130] : memref<2x!tpu.dma_semaphore, #tpu.memory_space<semaphore_mem>> -> memref<1x!tpu.dma_semaphore, #tpu.memory_space<semaphore_mem>>
      %dma_start3A_136 = tpu.memref_squeeze %dma_start3A_135 : memref<1x!tpu.dma_semaphore, #tpu.memory_space<semaphore_mem>> -> memref<!tpu.dma_semaphore, #tpu.memory_space<semaphore_mem>>
      %dma_start3A_137 = arith.constant 0 : i32
      %dma_start3A_138 = tpu.memref_slice %arg14[%dma_start3A_128, %dma_start3A_129, %dma_start3A_137] : memref<2x11x2000xf32, #tpu.memory_space<vmem>> -> memref<1x1x2000xf32, #tpu.memory_space<vmem>>
      %dma_start3A_139 = tpu.memref_squeeze %dma_start3A_138 : memref<1x1x2000xf32, #tpu.memory_space<vmem>> -> memref<2000xf32, #tpu.memory_space<vmem>>
      %dma_start3A_140 = tpu.memref_slice %arg9[%mul3A_37] : memref<1000000xf32, #tpu.memory_space<hbm>> -> memref<2000xf32, #tpu.memory_space<hbm>>
      tpu.enqueue_dma source(%dma_start3A_140 : memref<2000xf32, #tpu.memory_space<hbm>>) target(%dma_start3A_139 : memref<2000xf32, #tpu.memory_space<vmem>>) target_semaphore(%dma_start3A_136 : memref<!tpu.dma_semaphore, #tpu.memory_space<semaphore_mem>>)
      %dma_start3A_141 = arith.constant 0 : i32
      %dma_start3A_142 = arith.constant 8 : i32
      %dma_start3A_143 = arith.constant 0 : i32
      %dma_start3A_144 = arith.constant 0 : i32
      %dma_start3A_145 = tpu.memref_slice %arg14[%dma_start3A_141, %dma_start3A_142, %dma_start3A_144] : memref<2x11x2000xf32, #tpu.memory_space<vmem>> -> memref<1x1x2000xf32, #tpu.memory_space<vmem>>
      %dma_start3A_146 = tpu.memref_squeeze %dma_start3A_145 : memref<1x1x2000xf32, #tpu.memory_space<vmem>> -> memref<2000xf32, #tpu.memory_space<vmem>>
      %dma_start3A_147 = tpu.memref_slice %arg10[%mul3A_37] : memref<1000000xf32, #tpu.memory_space<hbm>> -> memref<2000xf32, #tpu.memory_space<hbm>>
      %dma_start3A_148 = tpu.memref_slice %arg16[%dma_start3A_143] : memref<2x!tpu.dma_semaphore, #tpu.memory_space<semaphore_mem>> -> memref<1x!tpu.dma_semaphore, #tpu.memory_space<semaphore_mem>>
      %dma_start3A_149 = tpu.memref_squeeze %dma_start3A_148 : memref<1x!tpu.dma_semaphore, #tpu.memory_space<semaphore_mem>> -> memref<!tpu.dma_semaphore, #tpu.memory_space<semaphore_mem>>
      %dma_start3A_150 = arith.constant 0 : i32
      %dma_start3A_151 = tpu.memref_slice %arg14[%dma_start3A_141, %dma_start3A_142, %dma_start3A_150] : memref<2x11x2000xf32, #tpu.memory_space<vmem>> -> memref<1x1x2000xf32, #tpu.memory_space<vmem>>
      %dma_start3A_152 = tpu.memref_squeeze %dma_start3A_151 : memref<1x1x2000xf32, #tpu.memory_space<vmem>> -> memref<2000xf32, #tpu.memory_space<vmem>>
      %dma_start3A_153 = tpu.memref_slice %arg10[%mul3A_37] : memref<1000000xf32, #tpu.memory_space<hbm>> -> memref<2000xf32, #tpu.memory_space<hbm>>
      tpu.enqueue_dma source(%dma_start3A_153 : memref<2000xf32, #tpu.memory_space<hbm>>) target(%dma_start3A_152 : memref<2000xf32, #tpu.memory_space<vmem>>) target_semaphore(%dma_start3A_149 : memref<!tpu.dma_semaphore, #tpu.memory_space<semaphore_mem>>)
      %dma_start3A_154 = arith.constant 0 : i32
      %dma_start3A_155 = arith.constant 9 : i32
      %dma_start3A_156 = arith.constant 0 : i32
      %dma_start3A_157 = arith.constant 0 : i32
      %dma_start3A_158 = tpu.memref_slice %arg14[%dma_start3A_154, %dma_start3A_155, %dma_start3A_157] : memref<2x11x2000xf32, #tpu.memory_space<vmem>> -> memref<1x1x2000xf32, #tpu.memory_space<vmem>>
      %dma_start3A_159 = tpu.memref_squeeze %dma_start3A_158 : memref<1x1x2000xf32, #tpu.memory_space<vmem>> -> memref<2000xf32, #tpu.memory_space<vmem>>
      %dma_start3A_160 = tpu.memref_slice %arg11[%mul3A_37] : memref<1000000xf32, #tpu.memory_space<hbm>> -> memref<2000xf32, #tpu.memory_space<hbm>>
      %dma_start3A_161 = tpu.memref_slice %arg16[%dma_start3A_156] : memref<2x!tpu.dma_semaphore, #tpu.memory_space<semaphore_mem>> -> memref<1x!tpu.dma_semaphore, #tpu.memory_space<semaphore_mem>>
      %dma_start3A_162 = tpu.memref_squeeze %dma_start3A_161 : memref<1x!tpu.dma_semaphore, #tpu.memory_space<semaphore_mem>> -> memref<!tpu.dma_semaphore, #tpu.memory_space<semaphore_mem>>
      %dma_start3A_163 = arith.constant 0 : i32
      %dma_start3A_164 = tpu.memref_slice %arg14[%dma_start3A_154, %dma_start3A_155, %dma_start3A_163] : memref<2x11x2000xf32, #tpu.memory_space<vmem>> -> memref<1x1x2000xf32, #tpu.memory_space<vmem>>
      %dma_start3A_165 = tpu.memref_squeeze %dma_start3A_164 : memref<1x1x2000xf32, #tpu.memory_space<vmem>> -> memref<2000xf32, #tpu.memory_space<vmem>>
      %dma_start3A_166 = tpu.memref_slice %arg11[%mul3A_37] : memref<1000000xf32, #tpu.memory_space<hbm>> -> memref<2000xf32, #tpu.memory_space<hbm>>
      tpu.enqueue_dma source(%dma_start3A_166 : memref<2000xf32, #tpu.memory_space<hbm>>) target(%dma_start3A_165 : memref<2000xf32, #tpu.memory_space<vmem>>) target_semaphore(%dma_start3A_162 : memref<!tpu.dma_semaphore, #tpu.memory_space<semaphore_mem>>)
      %dma_start3A_167 = arith.constant 0 : i32
      %dma_start3A_168 = arith.constant 10 : i32
      %dma_start3A_169 = arith.constant 0 : i32
      %dma_start3A_170 = arith.constant 0 : i32
      %dma_start3A_171 = tpu.memref_slice %arg14[%dma_start3A_167, %dma_start3A_168, %dma_start3A_170] : memref<2x11x2000xf32, #tpu.memory_space<vmem>> -> memref<1x1x2000xf32, #tpu.memory_space<vmem>>
      %dma_start3A_172 = tpu.memref_squeeze %dma_start3A_171 : memref<1x1x2000xf32, #tpu.memory_space<vmem>> -> memref<2000xf32, #tpu.memory_space<vmem>>
      %dma_start3A_173 = tpu.memref_slice %arg12[%mul3A_37] : memref<1000000xf32, #tpu.memory_space<hbm>> -> memref<2000xf32, #tpu.memory_space<hbm>>
      %dma_start3A_174 = tpu.memref_slice %arg16[%dma_start3A_169] : memref<2x!tpu.dma_semaphore, #tpu.memory_space<semaphore_mem>> -> memref<1x!tpu.dma_semaphore, #tpu.memory_space<semaphore_mem>>
      %dma_start3A_175 = tpu.memref_squeeze %dma_start3A_174 : memref<1x!tpu.dma_semaphore, #tpu.memory_space<semaphore_mem>> -> memref<!tpu.dma_semaphore, #tpu.memory_space<semaphore_mem>>
      %dma_start3A_176 = arith.constant 0 : i32
      %dma_start3A_177 = tpu.memref_slice %arg14[%dma_start3A_167, %dma_start3A_168, %dma_start3A_176] : memref<2x11x2000xf32, #tpu.memory_space<vmem>> -> memref<1x1x2000xf32, #tpu.memory_space<vmem>>
      %dma_start3A_178 = tpu.memref_squeeze %dma_start3A_177 : memref<1x1x2000xf32, #tpu.memory_space<vmem>> -> memref<2000xf32, #tpu.memory_space<vmem>>
      %dma_start3A_179 = tpu.memref_slice %arg12[%mul3A_37] : memref<1000000xf32, #tpu.memory_space<hbm>> -> memref<2000xf32, #tpu.memory_space<hbm>>
      tpu.enqueue_dma source(%dma_start3A_179 : memref<2000xf32, #tpu.memory_space<hbm>>) target(%dma_start3A_178 : memref<2000xf32, #tpu.memory_space<vmem>>) target_semaphore(%dma_start3A_175 : memref<!tpu.dma_semaphore, #tpu.memory_space<semaphore_mem>>)
    } else {
    }
    %scan3A = arith.constant 0 : i32
    %scan3A_3 = arith.constant 0 : i32
    %scan3A_4 = arith.constant 8 : i32
    %scan3A_5 = arith.addi %scan3A_3, %scan3A_4 : i32
    %scan3A_6 = arith.constant 1 : i32
    %scan3A_7 = scf.for %scan3A_36 = %scan3A_3 to %scan3A_5 step %scan3A_6 iter_args(%scan3A_37 = %scan3A) -> (i32)  : i32 {
      %mul3A_38 = arith.constant 2 : i32
      %mul3A_39 = arith.muli %mul3A_38, %scan3A_36 : i32
      %mul3A_40 = arith.constant 32 : i32
      %mul3A_41 = arith.muli %mul3A_39, %mul3A_40 : i32
      %add3A_42 = arith.addi %mul3A_41, %add3A : i32
      %mul3A_43 = arith.constant 2 : i32
      %mul3A_44 = arith.muli %mul3A_43, %scan3A_36 : i32
      %add3A_45 = arith.constant 1 : i32
      %add3A_46 = arith.addi %mul3A_44, %add3A_45 : i32
      %mul3A_47 = arith.constant 32 : i32
      %mul3A_48 = arith.muli %add3A_46, %mul3A_47 : i32
      %add3A_49 = arith.addi %mul3A_48, %add3A : i32
      %lt3A_50 = arith.constant 500 : i32
      %lt3A_51 = arith.cmpi slt, %add3A_49, %lt3A_50 : i32
      %convert_element_type3A_52 = arith.extui %lt3A_51 : i1 to i32
      %cond3A_53 = arith.constant 0 : i32
      %cond3A_54 = arith.cmpi ne, %convert_element_type3A_52, %cond3A_53 : i32
      scf.if %cond3A_54 {
        %mul3A_74 = arith.constant 2000 : i32
        %mul3A_75 = arith.muli %add3A_49, %mul3A_74 : i32
        %dma_start3A = arith.constant 1 : i32
        %dma_start3A_76 = arith.constant 0 : i32
        %dma_start3A_77 = arith.constant 1 : i32
        %dma_start3A_78 = arith.constant 0 : i32
        %dma_start3A_79 = tpu.memref_slice %arg14[%dma_start3A, %dma_start3A_76, %dma_start3A_78] : memref<2x11x2000xf32, #tpu.memory_space<vmem>> -> memref<1x1x2000xf32, #tpu.memory_space<vmem>>
        %dma_start3A_80 = tpu.memref_squeeze %dma_start3A_79 : memref<1x1x2000xf32, #tpu.memory_space<vmem>> -> memref<2000xf32, #tpu.memory_space<vmem>>
        %dma_start3A_81 = tpu.memref_slice %arg2[%mul3A_75] : memref<1000000xf32, #tpu.memory_space<hbm>> -> memref<2000xf32, #tpu.memory_space<hbm>>
        %dma_start3A_82 = tpu.memref_slice %arg16[%dma_start3A_77] : memref<2x!tpu.dma_semaphore, #tpu.memory_space<semaphore_mem>> -> memref<1x!tpu.dma_semaphore, #tpu.memory_space<semaphore_mem>>
        %dma_start3A_83 = tpu.memref_squeeze %dma_start3A_82 : memref<1x!tpu.dma_semaphore, #tpu.memory_space<semaphore_mem>> -> memref<!tpu.dma_semaphore, #tpu.memory_space<semaphore_mem>>
        %dma_start3A_84 = arith.constant 0 : i32
        %dma_start3A_85 = tpu.memref_slice %arg14[%dma_start3A, %dma_start3A_76, %dma_start3A_84] : memref<2x11x2000xf32, #tpu.memory_space<vmem>> -> memref<1x1x2000xf32, #tpu.memory_space<vmem>>
        %dma_start3A_86 = tpu.memref_squeeze %dma_start3A_85 : memref<1x1x2000xf32, #tpu.memory_space<vmem>> -> memref<2000xf32, #tpu.memory_space<vmem>>
        %dma_start3A_87 = tpu.memref_slice %arg2[%mul3A_75] : memref<1000000xf32, #tpu.memory_space<hbm>> -> memref<2000xf32, #tpu.memory_space<hbm>>
        tpu.enqueue_dma source(%dma_start3A_87 : memref<2000xf32, #tpu.memory_space<hbm>>) target(%dma_start3A_86 : memref<2000xf32, #tpu.memory_space<vmem>>) target_semaphore(%dma_start3A_83 : memref<!tpu.dma_semaphore, #tpu.memory_space<semaphore_mem>>)
        %dma_start3A_88 = arith.constant 1 : i32
        %dma_start3A_89 = arith.constant 1 : i32
        %dma_start3A_90 = arith.constant 1 : i32
        %dma_start3A_91 = arith.constant 0 : i32
        %dma_start3A_92 = tpu.memref_slice %arg14[%dma_start3A_88, %dma_start3A_89, %dma_start3A_91] : memref<2x11x2000xf32, #tpu.memory_space<vmem>> -> memref<1x1x2000xf32, #tpu.memory_space<vmem>>
        %dma_start3A_93 = tpu.memref_squeeze %dma_start3A_92 : memref<1x1x2000xf32, #tpu.memory_space<vmem>> -> memref<2000xf32, #tpu.memory_space<vmem>>
        %dma_start3A_94 = tpu.memref_slice %arg3[%mul3A_75] : memref<1000000xf32, #tpu.memory_space<hbm>> -> memref<2000xf32, #tpu.memory_space<hbm>>
        %dma_start3A_95 = tpu.memref_slice %arg16[%dma_start3A_90] : memref<2x!tpu.dma_semaphore, #tpu.memory_space<semaphore_mem>> -> memref<1x!tpu.dma_semaphore, #tpu.memory_space<semaphore_mem>>
        %dma_start3A_96 = tpu.memref_squeeze %dma_start3A_95 : memref<1x!tpu.dma_semaphore, #tpu.memory_space<semaphore_mem>> -> memref<!tpu.dma_semaphore, #tpu.memory_space<semaphore_mem>>
        %dma_start3A_97 = arith.constant 0 : i32
        %dma_start3A_98 = tpu.memref_slice %arg14[%dma_start3A_88, %dma_start3A_89, %dma_start3A_97] : memref<2x11x2000xf32, #tpu.memory_space<vmem>> -> memref<1x1x2000xf32, #tpu.memory_space<vmem>>
        %dma_start3A_99 = tpu.memref_squeeze %dma_start3A_98 : memref<1x1x2000xf32, #tpu.memory_space<vmem>> -> memref<2000xf32, #tpu.memory_space<vmem>>
        %dma_start3A_100 = tpu.memref_slice %arg3[%mul3A_75] : memref<1000000xf32, #tpu.memory_space<hbm>> -> memref<2000xf32, #tpu.memory_space<hbm>>
        tpu.enqueue_dma source(%dma_start3A_100 : memref<2000xf32, #tpu.memory_space<hbm>>) target(%dma_start3A_99 : memref<2000xf32, #tpu.memory_space<vmem>>) target_semaphore(%dma_start3A_96 : memref<!tpu.dma_semaphore, #tpu.memory_space<semaphore_mem>>)
        %dma_start3A_101 = arith.constant 1 : i32
        %dma_start3A_102 = arith.constant 2 : i32
        %dma_start3A_103 = arith.constant 1 : i32
        %dma_start3A_104 = arith.constant 0 : i32
        %dma_start3A_105 = tpu.memref_slice %arg14[%dma_start3A_101, %dma_start3A_102, %dma_start3A_104] : memref<2x11x2000xf32, #tpu.memory_space<vmem>> -> memref<1x1x2000xf32, #tpu.memory_space<vmem>>
        %dma_start3A_106 = tpu.memref_squeeze %dma_start3A_105 : memref<1x1x2000xf32, #tpu.memory_space<vmem>> -> memref<2000xf32, #tpu.memory_space<vmem>>
        %dma_start3A_107 = tpu.memref_slice %arg4[%mul3A_75] : memref<1000000xf32, #tpu.memory_space<hbm>> -> memref<2000xf32, #tpu.memory_space<hbm>>
        %dma_start3A_108 = tpu.memref_slice %arg16[%dma_start3A_103] : memref<2x!tpu.dma_semaphore, #tpu.memory_space<semaphore_mem>> -> memref<1x!tpu.dma_semaphore, #tpu.memory_space<semaphore_mem>>
        %dma_start3A_109 = tpu.memref_squeeze %dma_start3A_108 : memref<1x!tpu.dma_semaphore, #tpu.memory_space<semaphore_mem>> -> memref<!tpu.dma_semaphore, #tpu.memory_space<semaphore_mem>>
        %dma_start3A_110 = arith.constant 0 : i32
        %dma_start3A_111 = tpu.memref_slice %arg14[%dma_start3A_101, %dma_start3A_102, %dma_start3A_110] : memref<2x11x2000xf32, #tpu.memory_space<vmem>> -> memref<1x1x2000xf32, #tpu.memory_space<vmem>>
        %dma_start3A_112 = tpu.memref_squeeze %dma_start3A_111 : memref<1x1x2000xf32, #tpu.memory_space<vmem>> -> memref<2000xf32, #tpu.memory_space<vmem>>
        %dma_start3A_113 = tpu.memref_slice %arg4[%mul3A_75] : memref<1000000xf32, #tpu.memory_space<hbm>> -> memref<2000xf32, #tpu.memory_space<hbm>>
        tpu.enqueue_dma source(%dma_start3A_113 : memref<2000xf32, #tpu.memory_space<hbm>>) target(%dma_start3A_112 : memref<2000xf32, #tpu.memory_space<vmem>>) target_semaphore(%dma_start3A_109 : memref<!tpu.dma_semaphore, #tpu.memory_space<semaphore_mem>>)
        %dma_start3A_114 = arith.constant 1 : i32
        %dma_start3A_115 = arith.constant 3 : i32
        %dma_start3A_116 = arith.constant 1 : i32
        %dma_start3A_117 = arith.constant 0 : i32
        %dma_start3A_118 = tpu.memref_slice %arg14[%dma_start3A_114, %dma_start3A_115, %dma_start3A_117] : memref<2x11x2000xf32, #tpu.memory_space<vmem>> -> memref<1x1x2000xf32, #tpu.memory_space<vmem>>
        %dma_start3A_119 = tpu.memref_squeeze %dma_start3A_118 : memref<1x1x2000xf32, #tpu.memory_space<vmem>> -> memref<2000xf32, #tpu.memory_space<vmem>>
        %dma_start3A_120 = tpu.memref_slice %arg5[%mul3A_75] : memref<1000000xf32, #tpu.memory_space<hbm>> -> memref<2000xf32, #tpu.memory_space<hbm>>
        %dma_start3A_121 = tpu.memref_slice %arg16[%dma_start3A_116] : memref<2x!tpu.dma_semaphore, #tpu.memory_space<semaphore_mem>> -> memref<1x!tpu.dma_semaphore, #tpu.memory_space<semaphore_mem>>
        %dma_start3A_122 = tpu.memref_squeeze %dma_start3A_121 : memref<1x!tpu.dma_semaphore, #tpu.memory_space<semaphore_mem>> -> memref<!tpu.dma_semaphore, #tpu.memory_space<semaphore_mem>>
        %dma_start3A_123 = arith.constant 0 : i32
        %dma_start3A_124 = tpu.memref_slice %arg14[%dma_start3A_114, %dma_start3A_115, %dma_start3A_123] : memref<2x11x2000xf32, #tpu.memory_space<vmem>> -> memref<1x1x2000xf32, #tpu.memory_space<vmem>>
        %dma_start3A_125 = tpu.memref_squeeze %dma_start3A_124 : memref<1x1x2000xf32, #tpu.memory_space<vmem>> -> memref<2000xf32, #tpu.memory_space<vmem>>
        %dma_start3A_126 = tpu.memref_slice %arg5[%mul3A_75] : memref<1000000xf32, #tpu.memory_space<hbm>> -> memref<2000xf32, #tpu.memory_space<hbm>>
        tpu.enqueue_dma source(%dma_start3A_126 : memref<2000xf32, #tpu.memory_space<hbm>>) target(%dma_start3A_125 : memref<2000xf32, #tpu.memory_space<vmem>>) target_semaphore(%dma_start3A_122 : memref<!tpu.dma_semaphore, #tpu.memory_space<semaphore_mem>>)
        %dma_start3A_127 = arith.constant 1 : i32
        %dma_start3A_128 = arith.constant 4 : i32
        %dma_start3A_129 = arith.constant 1 : i32
        %dma_start3A_130 = arith.constant 0 : i32
        %dma_start3A_131 = tpu.memref_slice %arg14[%dma_start3A_127, %dma_start3A_128, %dma_start3A_130] : memref<2x11x2000xf32, #tpu.memory_space<vmem>> -> memref<1x1x2000xf32, #tpu.memory_space<vmem>>
        %dma_start3A_132 = tpu.memref_squeeze %dma_start3A_131 : memref<1x1x2000xf32, #tpu.memory_space<vmem>> -> memref<2000xf32, #tpu.memory_space<vmem>>
        %dma_start3A_133 = tpu.memref_slice %arg6[%mul3A_75] : memref<1000000xf32, #tpu.memory_space<hbm>> -> memref<2000xf32, #tpu.memory_space<hbm>>
        %dma_start3A_134 = tpu.memref_slice %arg16[%dma_start3A_129] : memref<2x!tpu.dma_semaphore, #tpu.memory_space<semaphore_mem>> -> memref<1x!tpu.dma_semaphore, #tpu.memory_space<semaphore_mem>>
        %dma_start3A_135 = tpu.memref_squeeze %dma_start3A_134 : memref<1x!tpu.dma_semaphore, #tpu.memory_space<semaphore_mem>> -> memref<!tpu.dma_semaphore, #tpu.memory_space<semaphore_mem>>
        %dma_start3A_136 = arith.constant 0 : i32
        %dma_start3A_137 = tpu.memref_slice %arg14[%dma_start3A_127, %dma_start3A_128, %dma_start3A_136] : memref<2x11x2000xf32, #tpu.memory_space<vmem>> -> memref<1x1x2000xf32, #tpu.memory_space<vmem>>
        %dma_start3A_138 = tpu.memref_squeeze %dma_start3A_137 : memref<1x1x2000xf32, #tpu.memory_space<vmem>> -> memref<2000xf32, #tpu.memory_space<vmem>>
        %dma_start3A_139 = tpu.memref_slice %arg6[%mul3A_75] : memref<1000000xf32, #tpu.memory_space<hbm>> -> memref<2000xf32, #tpu.memory_space<hbm>>
        tpu.enqueue_dma source(%dma_start3A_139 : memref<2000xf32, #tpu.memory_space<hbm>>) target(%dma_start3A_138 : memref<2000xf32, #tpu.memory_space<vmem>>) target_semaphore(%dma_start3A_135 : memref<!tpu.dma_semaphore, #tpu.memory_space<semaphore_mem>>)
        %dma_start3A_140 = arith.constant 1 : i32
        %dma_start3A_141 = arith.constant 5 : i32
        %dma_start3A_142 = arith.constant 1 : i32
        %dma_start3A_143 = arith.constant 0 : i32
        %dma_start3A_144 = tpu.memref_slice %arg14[%dma_start3A_140, %dma_start3A_141, %dma_start3A_143] : memref<2x11x2000xf32, #tpu.memory_space<vmem>> -> memref<1x1x2000xf32, #tpu.memory_space<vmem>>
        %dma_start3A_145 = tpu.memref_squeeze %dma_start3A_144 : memref<1x1x2000xf32, #tpu.memory_space<vmem>> -> memref<2000xf32, #tpu.memory_space<vmem>>
        %dma_start3A_146 = tpu.memref_slice %arg7[%mul3A_75] : memref<1000000xf32, #tpu.memory_space<hbm>> -> memref<2000xf32, #tpu.memory_space<hbm>>
        %dma_start3A_147 = tpu.memref_slice %arg16[%dma_start3A_142] : memref<2x!tpu.dma_semaphore, #tpu.memory_space<semaphore_mem>> -> memref<1x!tpu.dma_semaphore, #tpu.memory_space<semaphore_mem>>
        %dma_start3A_148 = tpu.memref_squeeze %dma_start3A_147 : memref<1x!tpu.dma_semaphore, #tpu.memory_space<semaphore_mem>> -> memref<!tpu.dma_semaphore, #tpu.memory_space<semaphore_mem>>
        %dma_start3A_149 = arith.constant 0 : i32
        %dma_start3A_150 = tpu.memref_slice %arg14[%dma_start3A_140, %dma_start3A_141, %dma_start3A_149] : memref<2x11x2000xf32, #tpu.memory_space<vmem>> -> memref<1x1x2000xf32, #tpu.memory_space<vmem>>
        %dma_start3A_151 = tpu.memref_squeeze %dma_start3A_150 : memref<1x1x2000xf32, #tpu.memory_space<vmem>> -> memref<2000xf32, #tpu.memory_space<vmem>>
        %dma_start3A_152 = tpu.memref_slice %arg7[%mul3A_75] : memref<1000000xf32, #tpu.memory_space<hbm>> -> memref<2000xf32, #tpu.memory_space<hbm>>
        tpu.enqueue_dma source(%dma_start3A_152 : memref<2000xf32, #tpu.memory_space<hbm>>) target(%dma_start3A_151 : memref<2000xf32, #tpu.memory_space<vmem>>) target_semaphore(%dma_start3A_148 : memref<!tpu.dma_semaphore, #tpu.memory_space<semaphore_mem>>)
        %dma_start3A_153 = arith.constant 1 : i32
        %dma_start3A_154 = arith.constant 6 : i32
        %dma_start3A_155 = arith.constant 1 : i32
        %dma_start3A_156 = arith.constant 0 : i32
        %dma_start3A_157 = tpu.memref_slice %arg14[%dma_start3A_153, %dma_start3A_154, %dma_start3A_156] : memref<2x11x2000xf32, #tpu.memory_space<vmem>> -> memref<1x1x2000xf32, #tpu.memory_space<vmem>>
        %dma_start3A_158 = tpu.memref_squeeze %dma_start3A_157 : memref<1x1x2000xf32, #tpu.memory_space<vmem>> -> memref<2000xf32, #tpu.memory_space<vmem>>
        %dma_start3A_159 = tpu.memref_slice %arg8[%mul3A_75] : memref<1000000xf32, #tpu.memory_space<hbm>> -> memref<2000xf32, #tpu.memory_space<hbm>>
        %dma_start3A_160 = tpu.memref_slice %arg16[%dma_start3A_155] : memref<2x!tpu.dma_semaphore, #tpu.memory_space<semaphore_mem>> -> memref<1x!tpu.dma_semaphore, #tpu.memory_space<semaphore_mem>>
        %dma_start3A_161 = tpu.memref_squeeze %dma_start3A_160 : memref<1x!tpu.dma_semaphore, #tpu.memory_space<semaphore_mem>> -> memref<!tpu.dma_semaphore, #tpu.memory_space<semaphore_mem>>
        %dma_start3A_162 = arith.constant 0 : i32
        %dma_start3A_163 = tpu.memref_slice %arg14[%dma_start3A_153, %dma_start3A_154, %dma_start3A_162] : memref<2x11x2000xf32, #tpu.memory_space<vmem>> -> memref<1x1x2000xf32, #tpu.memory_space<vmem>>
        %dma_start3A_164 = tpu.memref_squeeze %dma_start3A_163 : memref<1x1x2000xf32, #tpu.memory_space<vmem>> -> memref<2000xf32, #tpu.memory_space<vmem>>
        %dma_start3A_165 = tpu.memref_slice %arg8[%mul3A_75] : memref<1000000xf32, #tpu.memory_space<hbm>> -> memref<2000xf32, #tpu.memory_space<hbm>>
        tpu.enqueue_dma source(%dma_start3A_165 : memref<2000xf32, #tpu.memory_space<hbm>>) target(%dma_start3A_164 : memref<2000xf32, #tpu.memory_space<vmem>>) target_semaphore(%dma_start3A_161 : memref<!tpu.dma_semaphore, #tpu.memory_space<semaphore_mem>>)
        %dma_start3A_166 = arith.constant 1 : i32
        %dma_start3A_167 = arith.constant 7 : i32
        %dma_start3A_168 = arith.constant 1 : i32
        %dma_start3A_169 = arith.constant 0 : i32
        %dma_start3A_170 = tpu.memref_slice %arg14[%dma_start3A_166, %dma_start3A_167, %dma_start3A_169] : memref<2x11x2000xf32, #tpu.memory_space<vmem>> -> memref<1x1x2000xf32, #tpu.memory_space<vmem>>
        %dma_start3A_171 = tpu.memref_squeeze %dma_start3A_170 : memref<1x1x2000xf32, #tpu.memory_space<vmem>> -> memref<2000xf32, #tpu.memory_space<vmem>>
        %dma_start3A_172 = tpu.memref_slice %arg9[%mul3A_75] : memref<1000000xf32, #tpu.memory_space<hbm>> -> memref<2000xf32, #tpu.memory_space<hbm>>
        %dma_start3A_173 = tpu.memref_slice %arg16[%dma_start3A_168] : memref<2x!tpu.dma_semaphore, #tpu.memory_space<semaphore_mem>> -> memref<1x!tpu.dma_semaphore, #tpu.memory_space<semaphore_mem>>
        %dma_start3A_174 = tpu.memref_squeeze %dma_start3A_173 : memref<1x!tpu.dma_semaphore, #tpu.memory_space<semaphore_mem>> -> memref<!tpu.dma_semaphore, #tpu.memory_space<semaphore_mem>>
        %dma_start3A_175 = arith.constant 0 : i32
        %dma_start3A_176 = tpu.memref_slice %arg14[%dma_start3A_166, %dma_start3A_167, %dma_start3A_175] : memref<2x11x2000xf32, #tpu.memory_space<vmem>> -> memref<1x1x2000xf32, #tpu.memory_space<vmem>>
        %dma_start3A_177 = tpu.memref_squeeze %dma_start3A_176 : memref<1x1x2000xf32, #tpu.memory_space<vmem>> -> memref<2000xf32, #tpu.memory_space<vmem>>
        %dma_start3A_178 = tpu.memref_slice %arg9[%mul3A_75] : memref<1000000xf32, #tpu.memory_space<hbm>> -> memref<2000xf32, #tpu.memory_space<hbm>>
        tpu.enqueue_dma source(%dma_start3A_178 : memref<2000xf32, #tpu.memory_space<hbm>>) target(%dma_start3A_177 : memref<2000xf32, #tpu.memory_space<vmem>>) target_semaphore(%dma_start3A_174 : memref<!tpu.dma_semaphore, #tpu.memory_space<semaphore_mem>>)
        %dma_start3A_179 = arith.constant 1 : i32
        %dma_start3A_180 = arith.constant 8 : i32
        %dma_start3A_181 = arith.constant 1 : i32
        %dma_start3A_182 = arith.constant 0 : i32
        %dma_start3A_183 = tpu.memref_slice %arg14[%dma_start3A_179, %dma_start3A_180, %dma_start3A_182] : memref<2x11x2000xf32, #tpu.memory_space<vmem>> -> memref<1x1x2000xf32, #tpu.memory_space<vmem>>
        %dma_start3A_184 = tpu.memref_squeeze %dma_start3A_183 : memref<1x1x2000xf32, #tpu.memory_space<vmem>> -> memref<2000xf32, #tpu.memory_space<vmem>>
        %dma_start3A_185 = tpu.memref_slice %arg10[%mul3A_75] : memref<1000000xf32, #tpu.memory_space<hbm>> -> memref<2000xf32, #tpu.memory_space<hbm>>
        %dma_start3A_186 = tpu.memref_slice %arg16[%dma_start3A_181] : memref<2x!tpu.dma_semaphore, #tpu.memory_space<semaphore_mem>> -> memref<1x!tpu.dma_semaphore, #tpu.memory_space<semaphore_mem>>
        %dma_start3A_187 = tpu.memref_squeeze %dma_start3A_186 : memref<1x!tpu.dma_semaphore, #tpu.memory_space<semaphore_mem>> -> memref<!tpu.dma_semaphore, #tpu.memory_space<semaphore_mem>>
        %dma_start3A_188 = arith.constant 0 : i32
        %dma_start3A_189 = tpu.memref_slice %arg14[%dma_start3A_179, %dma_start3A_180, %dma_start3A_188] : memref<2x11x2000xf32, #tpu.memory_space<vmem>> -> memref<1x1x2000xf32, #tpu.memory_space<vmem>>
        %dma_start3A_190 = tpu.memref_squeeze %dma_start3A_189 : memref<1x1x2000xf32, #tpu.memory_space<vmem>> -> memref<2000xf32, #tpu.memory_space<vmem>>
        %dma_start3A_191 = tpu.memref_slice %arg10[%mul3A_75] : memref<1000000xf32, #tpu.memory_space<hbm>> -> memref<2000xf32, #tpu.memory_space<hbm>>
        tpu.enqueue_dma source(%dma_start3A_191 : memref<2000xf32, #tpu.memory_space<hbm>>) target(%dma_start3A_190 : memref<2000xf32, #tpu.memory_space<vmem>>) target_semaphore(%dma_start3A_187 : memref<!tpu.dma_semaphore, #tpu.memory_space<semaphore_mem>>)
        %dma_start3A_192 = arith.constant 1 : i32
        %dma_start3A_193 = arith.constant 9 : i32
        %dma_start3A_194 = arith.constant 1 : i32
        %dma_start3A_195 = arith.constant 0 : i32
        %dma_start3A_196 = tpu.memref_slice %arg14[%dma_start3A_192, %dma_start3A_193, %dma_start3A_195] : memref<2x11x2000xf32, #tpu.memory_space<vmem>> -> memref<1x1x2000xf32, #tpu.memory_space<vmem>>
        %dma_start3A_197 = tpu.memref_squeeze %dma_start3A_196 : memref<1x1x2000xf32, #tpu.memory_space<vmem>> -> memref<2000xf32, #tpu.memory_space<vmem>>
        %dma_start3A_198 = tpu.memref_slice %arg11[%mul3A_75] : memref<1000000xf32, #tpu.memory_space<hbm>> -> memref<2000xf32, #tpu.memory_space<hbm>>
        %dma_start3A_199 = tpu.memref_slice %arg16[%dma_start3A_194] : memref<2x!tpu.dma_semaphore, #tpu.memory_space<semaphore_mem>> -> memref<1x!tpu.dma_semaphore, #tpu.memory_space<semaphore_mem>>
        %dma_start3A_200 = tpu.memref_squeeze %dma_start3A_199 : memref<1x!tpu.dma_semaphore, #tpu.memory_space<semaphore_mem>> -> memref<!tpu.dma_semaphore, #tpu.memory_space<semaphore_mem>>
        %dma_start3A_201 = arith.constant 0 : i32
        %dma_start3A_202 = tpu.memref_slice %arg14[%dma_start3A_192, %dma_start3A_193, %dma_start3A_201] : memref<2x11x2000xf32, #tpu.memory_space<vmem>> -> memref<1x1x2000xf32, #tpu.memory_space<vmem>>
        %dma_start3A_203 = tpu.memref_squeeze %dma_start3A_202 : memref<1x1x2000xf32, #tpu.memory_space<vmem>> -> memref<2000xf32, #tpu.memory_space<vmem>>
        %dma_start3A_204 = tpu.memref_slice %arg11[%mul3A_75] : memref<1000000xf32, #tpu.memory_space<hbm>> -> memref<2000xf32, #tpu.memory_space<hbm>>
        tpu.enqueue_dma source(%dma_start3A_204 : memref<2000xf32, #tpu.memory_space<hbm>>) target(%dma_start3A_203 : memref<2000xf32, #tpu.memory_space<vmem>>) target_semaphore(%dma_start3A_200 : memref<!tpu.dma_semaphore, #tpu.memory_space<semaphore_mem>>)
        %dma_start3A_205 = arith.constant 1 : i32
        %dma_start3A_206 = arith.constant 10 : i32
        %dma_start3A_207 = arith.constant 1 : i32
        %dma_start3A_208 = arith.constant 0 : i32
        %dma_start3A_209 = tpu.memref_slice %arg14[%dma_start3A_205, %dma_start3A_206, %dma_start3A_208] : memref<2x11x2000xf32, #tpu.memory_space<vmem>> -> memref<1x1x2000xf32, #tpu.memory_space<vmem>>
        %dma_start3A_210 = tpu.memref_squeeze %dma_start3A_209 : memref<1x1x2000xf32, #tpu.memory_space<vmem>> -> memref<2000xf32, #tpu.memory_space<vmem>>
        %dma_start3A_211 = tpu.memref_slice %arg12[%mul3A_75] : memref<1000000xf32, #tpu.memory_space<hbm>> -> memref<2000xf32, #tpu.memory_space<hbm>>
        %dma_start3A_212 = tpu.memref_slice %arg16[%dma_start3A_207] : memref<2x!tpu.dma_semaphore, #tpu.memory_space<semaphore_mem>> -> memref<1x!tpu.dma_semaphore, #tpu.memory_space<semaphore_mem>>
        %dma_start3A_213 = tpu.memref_squeeze %dma_start3A_212 : memref<1x!tpu.dma_semaphore, #tpu.memory_space<semaphore_mem>> -> memref<!tpu.dma_semaphore, #tpu.memory_space<semaphore_mem>>
        %dma_start3A_214 = arith.constant 0 : i32
        %dma_start3A_215 = tpu.memref_slice %arg14[%dma_start3A_205, %dma_start3A_206, %dma_start3A_214] : memref<2x11x2000xf32, #tpu.memory_space<vmem>> -> memref<1x1x2000xf32, #tpu.memory_space<vmem>>
        %dma_start3A_216 = tpu.memref_squeeze %dma_start3A_215 : memref<1x1x2000xf32, #tpu.memory_space<vmem>> -> memref<2000xf32, #tpu.memory_space<vmem>>
        %dma_start3A_217 = tpu.memref_slice %arg12[%mul3A_75] : memref<1000000xf32, #tpu.memory_space<hbm>> -> memref<2000xf32, #tpu.memory_space<hbm>>
        tpu.enqueue_dma source(%dma_start3A_217 : memref<2000xf32, #tpu.memory_space<hbm>>) target(%dma_start3A_216 : memref<2000xf32, #tpu.memory_space<vmem>>) target_semaphore(%dma_start3A_213 : memref<!tpu.dma_semaphore, #tpu.memory_space<semaphore_mem>>)
      } else {
      }
      %eq3A = arith.constant 0 : i32
      %eq3A_55 = arith.cmpi eq, %scan3A_36, %eq3A : i32
      %lt3A_56 = arith.constant 500 : i32
      %lt3A_57 = arith.cmpi slt, %add3A_42, %lt3A_56 : i32
      %convert_element_type3A_58 = arith.extui %lt3A_57 : i1 to i32
      %cond3A_59 = arith.constant 0 : i32
      %cond3A_60 = arith.cmpi ne, %convert_element_type3A_58, %cond3A_59 : i32
      scf.if %cond3A_60 {
        %mul3A_74 = arith.constant 2000 : i32
        %mul3A_75 = arith.muli %add3A_42, %mul3A_74 : i32
        %dma_wait3A_76 = arith.constant 0 : i32
        %dma_wait3A_77 = arith.constant 0 : i32
        %dma_wait3A_78 = arith.constant 0 : i32
        %dma_wait3A_79 = arith.constant 0 : i32
        %dma_wait3A_80 = tpu.memref_slice %arg14[%dma_wait3A_76, %dma_wait3A_77, %dma_wait3A_79] : memref<2x11x2000xf32, #tpu.memory_space<vmem>> -> memref<1x1x2000xf32, #tpu.memory_space<vmem>>
        %dma_wait3A_81 = tpu.memref_squeeze %dma_wait3A_80 : memref<1x1x2000xf32, #tpu.memory_space<vmem>> -> memref<2000xf32, #tpu.memory_space<vmem>>
        %dma_wait3A_82 = tpu.memref_slice %arg2[%mul3A_75] : memref<1000000xf32, #tpu.memory_space<hbm>> -> memref<2000xf32, #tpu.memory_space<hbm>>
        %dma_wait3A_83 = tpu.memref_slice %arg16[%dma_wait3A_78] : memref<2x!tpu.dma_semaphore, #tpu.memory_space<semaphore_mem>> -> memref<1x!tpu.dma_semaphore, #tpu.memory_space<semaphore_mem>>
        %dma_wait3A_84 = tpu.memref_squeeze %dma_wait3A_83 : memref<1x!tpu.dma_semaphore, #tpu.memory_space<semaphore_mem>> -> memref<!tpu.dma_semaphore, #tpu.memory_space<semaphore_mem>>
        %dma_wait3A_85 = arith.constant 0 : i32
        %dma_wait3A_86 = tpu.memref_slice %arg14[%dma_wait3A_76, %dma_wait3A_77, %dma_wait3A_85] : memref<2x11x2000xf32, #tpu.memory_space<vmem>> -> memref<1x1x2000xf32, #tpu.memory_space<vmem>>
        %dma_wait3A_87 = tpu.memref_squeeze %dma_wait3A_86 : memref<1x1x2000xf32, #tpu.memory_space<vmem>> -> memref<2000xf32, #tpu.memory_space<vmem>>
        %dma_wait3A_88 = tpu.memref_slice %arg2[%mul3A_75] : memref<1000000xf32, #tpu.memory_space<hbm>> -> memref<2000xf32, #tpu.memory_space<hbm>>
        tpu.wait_dma2 semaphore(%dma_wait3A_84 : memref<!tpu.dma_semaphore, #tpu.memory_space<semaphore_mem>>) src(%dma_wait3A_88 : memref<2000xf32, #tpu.memory_space<hbm>>) dst(%dma_wait3A_87 : memref<2000xf32, #tpu.memory_space<vmem>>)
        %dma_wait3A_89 = arith.constant 0 : i32
        %dma_wait3A_90 = arith.constant 1 : i32
        %dma_wait3A_91 = arith.constant 0 : i32
        %dma_wait3A_92 = arith.constant 0 : i32
        %dma_wait3A_93 = tpu.memref_slice %arg14[%dma_wait3A_89, %dma_wait3A_90, %dma_wait3A_92] : memref<2x11x2000xf32, #tpu.memory_space<vmem>> -> memref<1x1x2000xf32, #tpu.memory_space<vmem>>
        %dma_wait3A_94 = tpu.memref_squeeze %dma_wait3A_93 : memref<1x1x2000xf32, #tpu.memory_space<vmem>> -> memref<2000xf32, #tpu.memory_space<vmem>>
        %dma_wait3A_95 = tpu.memref_slice %arg3[%mul3A_75] : memref<1000000xf32, #tpu.memory_space<hbm>> -> memref<2000xf32, #tpu.memory_space<hbm>>
        %dma_wait3A_96 = tpu.memref_slice %arg16[%dma_wait3A_91] : memref<2x!tpu.dma_semaphore, #tpu.memory_space<semaphore_mem>> -> memref<1x!tpu.dma_semaphore, #tpu.memory_space<semaphore_mem>>
        %dma_wait3A_97 = tpu.memref_squeeze %dma_wait3A_96 : memref<1x!tpu.dma_semaphore, #tpu.memory_space<semaphore_mem>> -> memref<!tpu.dma_semaphore, #tpu.memory_space<semaphore_mem>>
        %dma_wait3A_98 = arith.constant 0 : i32
        %dma_wait3A_99 = tpu.memref_slice %arg14[%dma_wait3A_89, %dma_wait3A_90, %dma_wait3A_98] : memref<2x11x2000xf32, #tpu.memory_space<vmem>> -> memref<1x1x2000xf32, #tpu.memory_space<vmem>>
        %dma_wait3A_100 = tpu.memref_squeeze %dma_wait3A_99 : memref<1x1x2000xf32, #tpu.memory_space<vmem>> -> memref<2000xf32, #tpu.memory_space<vmem>>
        %dma_wait3A_101 = tpu.memref_slice %arg3[%mul3A_75] : memref<1000000xf32, #tpu.memory_space<hbm>> -> memref<2000xf32, #tpu.memory_space<hbm>>
        tpu.wait_dma2 semaphore(%dma_wait3A_97 : memref<!tpu.dma_semaphore, #tpu.memory_space<semaphore_mem>>) src(%dma_wait3A_101 : memref<2000xf32, #tpu.memory_space<hbm>>) dst(%dma_wait3A_100 : memref<2000xf32, #tpu.memory_space<vmem>>)
        %dma_wait3A_102 = arith.constant 0 : i32
        %dma_wait3A_103 = arith.constant 2 : i32
        %dma_wait3A_104 = arith.constant 0 : i32
        %dma_wait3A_105 = arith.constant 0 : i32
        %dma_wait3A_106 = tpu.memref_slice %arg14[%dma_wait3A_102, %dma_wait3A_103, %dma_wait3A_105] : memref<2x11x2000xf32, #tpu.memory_space<vmem>> -> memref<1x1x2000xf32, #tpu.memory_space<vmem>>
        %dma_wait3A_107 = tpu.memref_squeeze %dma_wait3A_106 : memref<1x1x2000xf32, #tpu.memory_space<vmem>> -> memref<2000xf32, #tpu.memory_space<vmem>>
        %dma_wait3A_108 = tpu.memref_slice %arg4[%mul3A_75] : memref<1000000xf32, #tpu.memory_space<hbm>> -> memref<2000xf32, #tpu.memory_space<hbm>>
        %dma_wait3A_109 = tpu.memref_slice %arg16[%dma_wait3A_104] : memref<2x!tpu.dma_semaphore, #tpu.memory_space<semaphore_mem>> -> memref<1x!tpu.dma_semaphore, #tpu.memory_space<semaphore_mem>>
        %dma_wait3A_110 = tpu.memref_squeeze %dma_wait3A_109 : memref<1x!tpu.dma_semaphore, #tpu.memory_space<semaphore_mem>> -> memref<!tpu.dma_semaphore, #tpu.memory_space<semaphore_mem>>
        %dma_wait3A_111 = arith.constant 0 : i32
        %dma_wait3A_112 = tpu.memref_slice %arg14[%dma_wait3A_102, %dma_wait3A_103, %dma_wait3A_111] : memref<2x11x2000xf32, #tpu.memory_space<vmem>> -> memref<1x1x2000xf32, #tpu.memory_space<vmem>>
        %dma_wait3A_113 = tpu.memref_squeeze %dma_wait3A_112 : memref<1x1x2000xf32, #tpu.memory_space<vmem>> -> memref<2000xf32, #tpu.memory_space<vmem>>
        %dma_wait3A_114 = tpu.memref_slice %arg4[%mul3A_75] : memref<1000000xf32, #tpu.memory_space<hbm>> -> memref<2000xf32, #tpu.memory_space<hbm>>
        tpu.wait_dma2 semaphore(%dma_wait3A_110 : memref<!tpu.dma_semaphore, #tpu.memory_space<semaphore_mem>>) src(%dma_wait3A_114 : memref<2000xf32, #tpu.memory_space<hbm>>) dst(%dma_wait3A_113 : memref<2000xf32, #tpu.memory_space<vmem>>)
        %dma_wait3A_115 = arith.constant 0 : i32
        %dma_wait3A_116 = arith.constant 3 : i32
        %dma_wait3A_117 = arith.constant 0 : i32
        %dma_wait3A_118 = arith.constant 0 : i32
        %dma_wait3A_119 = tpu.memref_slice %arg14[%dma_wait3A_115, %dma_wait3A_116, %dma_wait3A_118] : memref<2x11x2000xf32, #tpu.memory_space<vmem>> -> memref<1x1x2000xf32, #tpu.memory_space<vmem>>
        %dma_wait3A_120 = tpu.memref_squeeze %dma_wait3A_119 : memref<1x1x2000xf32, #tpu.memory_space<vmem>> -> memref<2000xf32, #tpu.memory_space<vmem>>
        %dma_wait3A_121 = tpu.memref_slice %arg5[%mul3A_75] : memref<1000000xf32, #tpu.memory_space<hbm>> -> memref<2000xf32, #tpu.memory_space<hbm>>
        %dma_wait3A_122 = tpu.memref_slice %arg16[%dma_wait3A_117] : memref<2x!tpu.dma_semaphore, #tpu.memory_space<semaphore_mem>> -> memref<1x!tpu.dma_semaphore, #tpu.memory_space<semaphore_mem>>
        %dma_wait3A_123 = tpu.memref_squeeze %dma_wait3A_122 : memref<1x!tpu.dma_semaphore, #tpu.memory_space<semaphore_mem>> -> memref<!tpu.dma_semaphore, #tpu.memory_space<semaphore_mem>>
        %dma_wait3A_124 = arith.constant 0 : i32
        %dma_wait3A_125 = tpu.memref_slice %arg14[%dma_wait3A_115, %dma_wait3A_116, %dma_wait3A_124] : memref<2x11x2000xf32, #tpu.memory_space<vmem>> -> memref<1x1x2000xf32, #tpu.memory_space<vmem>>
        %dma_wait3A_126 = tpu.memref_squeeze %dma_wait3A_125 : memref<1x1x2000xf32, #tpu.memory_space<vmem>> -> memref<2000xf32, #tpu.memory_space<vmem>>
        %dma_wait3A_127 = tpu.memref_slice %arg5[%mul3A_75] : memref<1000000xf32, #tpu.memory_space<hbm>> -> memref<2000xf32, #tpu.memory_space<hbm>>
        tpu.wait_dma2 semaphore(%dma_wait3A_123 : memref<!tpu.dma_semaphore, #tpu.memory_space<semaphore_mem>>) src(%dma_wait3A_127 : memref<2000xf32, #tpu.memory_space<hbm>>) dst(%dma_wait3A_126 : memref<2000xf32, #tpu.memory_space<vmem>>)
        %dma_wait3A_128 = arith.constant 0 : i32
        %dma_wait3A_129 = arith.constant 4 : i32
        %dma_wait3A_130 = arith.constant 0 : i32
        %dma_wait3A_131 = arith.constant 0 : i32
        %dma_wait3A_132 = tpu.memref_slice %arg14[%dma_wait3A_128, %dma_wait3A_129, %dma_wait3A_131] : memref<2x11x2000xf32, #tpu.memory_space<vmem>> -> memref<1x1x2000xf32, #tpu.memory_space<vmem>>
        %dma_wait3A_133 = tpu.memref_squeeze %dma_wait3A_132 : memref<1x1x2000xf32, #tpu.memory_space<vmem>> -> memref<2000xf32, #tpu.memory_space<vmem>>
        %dma_wait3A_134 = tpu.memref_slice %arg6[%mul3A_75] : memref<1000000xf32, #tpu.memory_space<hbm>> -> memref<2000xf32, #tpu.memory_space<hbm>>
        %dma_wait3A_135 = tpu.memref_slice %arg16[%dma_wait3A_130] : memref<2x!tpu.dma_semaphore, #tpu.memory_space<semaphore_mem>> -> memref<1x!tpu.dma_semaphore, #tpu.memory_space<semaphore_mem>>
        %dma_wait3A_136 = tpu.memref_squeeze %dma_wait3A_135 : memref<1x!tpu.dma_semaphore, #tpu.memory_space<semaphore_mem>> -> memref<!tpu.dma_semaphore, #tpu.memory_space<semaphore_mem>>
        %dma_wait3A_137 = arith.constant 0 : i32
        %dma_wait3A_138 = tpu.memref_slice %arg14[%dma_wait3A_128, %dma_wait3A_129, %dma_wait3A_137] : memref<2x11x2000xf32, #tpu.memory_space<vmem>> -> memref<1x1x2000xf32, #tpu.memory_space<vmem>>
        %dma_wait3A_139 = tpu.memref_squeeze %dma_wait3A_138 : memref<1x1x2000xf32, #tpu.memory_space<vmem>> -> memref<2000xf32, #tpu.memory_space<vmem>>
        %dma_wait3A_140 = tpu.memref_slice %arg6[%mul3A_75] : memref<1000000xf32, #tpu.memory_space<hbm>> -> memref<2000xf32, #tpu.memory_space<hbm>>
        tpu.wait_dma2 semaphore(%dma_wait3A_136 : memref<!tpu.dma_semaphore, #tpu.memory_space<semaphore_mem>>) src(%dma_wait3A_140 : memref<2000xf32, #tpu.memory_space<hbm>>) dst(%dma_wait3A_139 : memref<2000xf32, #tpu.memory_space<vmem>>)
        %dma_wait3A_141 = arith.constant 0 : i32
        %dma_wait3A_142 = arith.constant 5 : i32
        %dma_wait3A_143 = arith.constant 0 : i32
        %dma_wait3A_144 = arith.constant 0 : i32
        %dma_wait3A_145 = tpu.memref_slice %arg14[%dma_wait3A_141, %dma_wait3A_142, %dma_wait3A_144] : memref<2x11x2000xf32, #tpu.memory_space<vmem>> -> memref<1x1x2000xf32, #tpu.memory_space<vmem>>
        %dma_wait3A_146 = tpu.memref_squeeze %dma_wait3A_145 : memref<1x1x2000xf32, #tpu.memory_space<vmem>> -> memref<2000xf32, #tpu.memory_space<vmem>>
        %dma_wait3A_147 = tpu.memref_slice %arg7[%mul3A_75] : memref<1000000xf32, #tpu.memory_space<hbm>> -> memref<2000xf32, #tpu.memory_space<hbm>>
        %dma_wait3A_148 = tpu.memref_slice %arg16[%dma_wait3A_143] : memref<2x!tpu.dma_semaphore, #tpu.memory_space<semaphore_mem>> -> memref<1x!tpu.dma_semaphore, #tpu.memory_space<semaphore_mem>>
        %dma_wait3A_149 = tpu.memref_squeeze %dma_wait3A_148 : memref<1x!tpu.dma_semaphore, #tpu.memory_space<semaphore_mem>> -> memref<!tpu.dma_semaphore, #tpu.memory_space<semaphore_mem>>
        %dma_wait3A_150 = arith.constant 0 : i32
        %dma_wait3A_151 = tpu.memref_slice %arg14[%dma_wait3A_141, %dma_wait3A_142, %dma_wait3A_150] : memref<2x11x2000xf32, #tpu.memory_space<vmem>> -> memref<1x1x2000xf32, #tpu.memory_space<vmem>>
        %dma_wait3A_152 = tpu.memref_squeeze %dma_wait3A_151 : memref<1x1x2000xf32, #tpu.memory_space<vmem>> -> memref<2000xf32, #tpu.memory_space<vmem>>
        %dma_wait3A_153 = tpu.memref_slice %arg7[%mul3A_75] : memref<1000000xf32, #tpu.memory_space<hbm>> -> memref<2000xf32, #tpu.memory_space<hbm>>
        tpu.wait_dma2 semaphore(%dma_wait3A_149 : memref<!tpu.dma_semaphore, #tpu.memory_space<semaphore_mem>>) src(%dma_wait3A_153 : memref<2000xf32, #tpu.memory_space<hbm>>) dst(%dma_wait3A_152 : memref<2000xf32, #tpu.memory_space<vmem>>)
        %dma_wait3A_154 = arith.constant 0 : i32
        %dma_wait3A_155 = arith.constant 6 : i32
        %dma_wait3A_156 = arith.constant 0 : i32
        %dma_wait3A_157 = arith.constant 0 : i32
        %dma_wait3A_158 = tpu.memref_slice %arg14[%dma_wait3A_154, %dma_wait3A_155, %dma_wait3A_157] : memref<2x11x2000xf32, #tpu.memory_space<vmem>> -> memref<1x1x2000xf32, #tpu.memory_space<vmem>>
        %dma_wait3A_159 = tpu.memref_squeeze %dma_wait3A_158 : memref<1x1x2000xf32, #tpu.memory_space<vmem>> -> memref<2000xf32, #tpu.memory_space<vmem>>
        %dma_wait3A_160 = tpu.memref_slice %arg8[%mul3A_75] : memref<1000000xf32, #tpu.memory_space<hbm>> -> memref<2000xf32, #tpu.memory_space<hbm>>
        %dma_wait3A_161 = tpu.memref_slice %arg16[%dma_wait3A_156] : memref<2x!tpu.dma_semaphore, #tpu.memory_space<semaphore_mem>> -> memref<1x!tpu.dma_semaphore, #tpu.memory_space<semaphore_mem>>
        %dma_wait3A_162 = tpu.memref_squeeze %dma_wait3A_161 : memref<1x!tpu.dma_semaphore, #tpu.memory_space<semaphore_mem>> -> memref<!tpu.dma_semaphore, #tpu.memory_space<semaphore_mem>>
        %dma_wait3A_163 = arith.constant 0 : i32
        %dma_wait3A_164 = tpu.memref_slice %arg14[%dma_wait3A_154, %dma_wait3A_155, %dma_wait3A_163] : memref<2x11x2000xf32, #tpu.memory_space<vmem>> -> memref<1x1x2000xf32, #tpu.memory_space<vmem>>
        %dma_wait3A_165 = tpu.memref_squeeze %dma_wait3A_164 : memref<1x1x2000xf32, #tpu.memory_space<vmem>> -> memref<2000xf32, #tpu.memory_space<vmem>>
        %dma_wait3A_166 = tpu.memref_slice %arg8[%mul3A_75] : memref<1000000xf32, #tpu.memory_space<hbm>> -> memref<2000xf32, #tpu.memory_space<hbm>>
        tpu.wait_dma2 semaphore(%dma_wait3A_162 : memref<!tpu.dma_semaphore, #tpu.memory_space<semaphore_mem>>) src(%dma_wait3A_166 : memref<2000xf32, #tpu.memory_space<hbm>>) dst(%dma_wait3A_165 : memref<2000xf32, #tpu.memory_space<vmem>>)
        %dma_wait3A_167 = arith.constant 0 : i32
        %dma_wait3A_168 = arith.constant 7 : i32
        %dma_wait3A_169 = arith.constant 0 : i32
        %dma_wait3A_170 = arith.constant 0 : i32
        %dma_wait3A_171 = tpu.memref_slice %arg14[%dma_wait3A_167, %dma_wait3A_168, %dma_wait3A_170] : memref<2x11x2000xf32, #tpu.memory_space<vmem>> -> memref<1x1x2000xf32, #tpu.memory_space<vmem>>
        %dma_wait3A_172 = tpu.memref_squeeze %dma_wait3A_171 : memref<1x1x2000xf32, #tpu.memory_space<vmem>> -> memref<2000xf32, #tpu.memory_space<vmem>>
        %dma_wait3A_173 = tpu.memref_slice %arg9[%mul3A_75] : memref<1000000xf32, #tpu.memory_space<hbm>> -> memref<2000xf32, #tpu.memory_space<hbm>>
        %dma_wait3A_174 = tpu.memref_slice %arg16[%dma_wait3A_169] : memref<2x!tpu.dma_semaphore, #tpu.memory_space<semaphore_mem>> -> memref<1x!tpu.dma_semaphore, #tpu.memory_space<semaphore_mem>>
        %dma_wait3A_175 = tpu.memref_squeeze %dma_wait3A_174 : memref<1x!tpu.dma_semaphore, #tpu.memory_space<semaphore_mem>> -> memref<!tpu.dma_semaphore, #tpu.memory_space<semaphore_mem>>
        %dma_wait3A_176 = arith.constant 0 : i32
        %dma_wait3A_177 = tpu.memref_slice %arg14[%dma_wait3A_167, %dma_wait3A_168, %dma_wait3A_176] : memref<2x11x2000xf32, #tpu.memory_space<vmem>> -> memref<1x1x2000xf32, #tpu.memory_space<vmem>>
        %dma_wait3A_178 = tpu.memref_squeeze %dma_wait3A_177 : memref<1x1x2000xf32, #tpu.memory_space<vmem>> -> memref<2000xf32, #tpu.memory_space<vmem>>
        %dma_wait3A_179 = tpu.memref_slice %arg9[%mul3A_75] : memref<1000000xf32, #tpu.memory_space<hbm>> -> memref<2000xf32, #tpu.memory_space<hbm>>
        tpu.wait_dma2 semaphore(%dma_wait3A_175 : memref<!tpu.dma_semaphore, #tpu.memory_space<semaphore_mem>>) src(%dma_wait3A_179 : memref<2000xf32, #tpu.memory_space<hbm>>) dst(%dma_wait3A_178 : memref<2000xf32, #tpu.memory_space<vmem>>)
        %dma_wait3A_180 = arith.constant 0 : i32
        %dma_wait3A_181 = arith.constant 8 : i32
        %dma_wait3A_182 = arith.constant 0 : i32
        %dma_wait3A_183 = arith.constant 0 : i32
        %dma_wait3A_184 = tpu.memref_slice %arg14[%dma_wait3A_180, %dma_wait3A_181, %dma_wait3A_183] : memref<2x11x2000xf32, #tpu.memory_space<vmem>> -> memref<1x1x2000xf32, #tpu.memory_space<vmem>>
        %dma_wait3A_185 = tpu.memref_squeeze %dma_wait3A_184 : memref<1x1x2000xf32, #tpu.memory_space<vmem>> -> memref<2000xf32, #tpu.memory_space<vmem>>
        %dma_wait3A_186 = tpu.memref_slice %arg10[%mul3A_75] : memref<1000000xf32, #tpu.memory_space<hbm>> -> memref<2000xf32, #tpu.memory_space<hbm>>
        %dma_wait3A_187 = tpu.memref_slice %arg16[%dma_wait3A_182] : memref<2x!tpu.dma_semaphore, #tpu.memory_space<semaphore_mem>> -> memref<1x!tpu.dma_semaphore, #tpu.memory_space<semaphore_mem>>
        %dma_wait3A_188 = tpu.memref_squeeze %dma_wait3A_187 : memref<1x!tpu.dma_semaphore, #tpu.memory_space<semaphore_mem>> -> memref<!tpu.dma_semaphore, #tpu.memory_space<semaphore_mem>>
        %dma_wait3A_189 = arith.constant 0 : i32
        %dma_wait3A_190 = tpu.memref_slice %arg14[%dma_wait3A_180, %dma_wait3A_181, %dma_wait3A_189] : memref<2x11x2000xf32, #tpu.memory_space<vmem>> -> memref<1x1x2000xf32, #tpu.memory_space<vmem>>
        %dma_wait3A_191 = tpu.memref_squeeze %dma_wait3A_190 : memref<1x1x2000xf32, #tpu.memory_space<vmem>> -> memref<2000xf32, #tpu.memory_space<vmem>>
        %dma_wait3A_192 = tpu.memref_slice %arg10[%mul3A_75] : memref<1000000xf32, #tpu.memory_space<hbm>> -> memref<2000xf32, #tpu.memory_space<hbm>>
        tpu.wait_dma2 semaphore(%dma_wait3A_188 : memref<!tpu.dma_semaphore, #tpu.memory_space<semaphore_mem>>) src(%dma_wait3A_192 : memref<2000xf32, #tpu.memory_space<hbm>>) dst(%dma_wait3A_191 : memref<2000xf32, #tpu.memory_space<vmem>>)
        %dma_wait3A_193 = arith.constant 0 : i32
        %dma_wait3A_194 = arith.constant 9 : i32
        %dma_wait3A_195 = arith.constant 0 : i32
        %dma_wait3A_196 = arith.constant 0 : i32
        %dma_wait3A_197 = tpu.memref_slice %arg14[%dma_wait3A_193, %dma_wait3A_194, %dma_wait3A_196] : memref<2x11x2000xf32, #tpu.memory_space<vmem>> -> memref<1x1x2000xf32, #tpu.memory_space<vmem>>
        %dma_wait3A_198 = tpu.memref_squeeze %dma_wait3A_197 : memref<1x1x2000xf32, #tpu.memory_space<vmem>> -> memref<2000xf32, #tpu.memory_space<vmem>>
        %dma_wait3A_199 = tpu.memref_slice %arg11[%mul3A_75] : memref<1000000xf32, #tpu.memory_space<hbm>> -> memref<2000xf32, #tpu.memory_space<hbm>>
        %dma_wait3A_200 = tpu.memref_slice %arg16[%dma_wait3A_195] : memref<2x!tpu.dma_semaphore, #tpu.memory_space<semaphore_mem>> -> memref<1x!tpu.dma_semaphore, #tpu.memory_space<semaphore_mem>>
        %dma_wait3A_201 = tpu.memref_squeeze %dma_wait3A_200 : memref<1x!tpu.dma_semaphore, #tpu.memory_space<semaphore_mem>> -> memref<!tpu.dma_semaphore, #tpu.memory_space<semaphore_mem>>
        %dma_wait3A_202 = arith.constant 0 : i32
        %dma_wait3A_203 = tpu.memref_slice %arg14[%dma_wait3A_193, %dma_wait3A_194, %dma_wait3A_202] : memref<2x11x2000xf32, #tpu.memory_space<vmem>> -> memref<1x1x2000xf32, #tpu.memory_space<vmem>>
        %dma_wait3A_204 = tpu.memref_squeeze %dma_wait3A_203 : memref<1x1x2000xf32, #tpu.memory_space<vmem>> -> memref<2000xf32, #tpu.memory_space<vmem>>
        %dma_wait3A_205 = tpu.memref_slice %arg11[%mul3A_75] : memref<1000000xf32, #tpu.memory_space<hbm>> -> memref<2000xf32, #tpu.memory_space<hbm>>
        tpu.wait_dma2 semaphore(%dma_wait3A_201 : memref<!tpu.dma_semaphore, #tpu.memory_space<semaphore_mem>>) src(%dma_wait3A_205 : memref<2000xf32, #tpu.memory_space<hbm>>) dst(%dma_wait3A_204 : memref<2000xf32, #tpu.memory_space<vmem>>)
        %dma_wait3A_206 = arith.constant 0 : i32
        %dma_wait3A_207 = arith.constant 10 : i32
        %dma_wait3A_208 = arith.constant 0 : i32
        %dma_wait3A_209 = arith.constant 0 : i32
        %dma_wait3A_210 = tpu.memref_slice %arg14[%dma_wait3A_206, %dma_wait3A_207, %dma_wait3A_209] : memref<2x11x2000xf32, #tpu.memory_space<vmem>> -> memref<1x1x2000xf32, #tpu.memory_space<vmem>>
        %dma_wait3A_211 = tpu.memref_squeeze %dma_wait3A_210 : memref<1x1x2000xf32, #tpu.memory_space<vmem>> -> memref<2000xf32, #tpu.memory_space<vmem>>
        %dma_wait3A_212 = tpu.memref_slice %arg12[%mul3A_75] : memref<1000000xf32, #tpu.memory_space<hbm>> -> memref<2000xf32, #tpu.memory_space<hbm>>
        %dma_wait3A_213 = tpu.memref_slice %arg16[%dma_wait3A_208] : memref<2x!tpu.dma_semaphore, #tpu.memory_space<semaphore_mem>> -> memref<1x!tpu.dma_semaphore, #tpu.memory_space<semaphore_mem>>
        %dma_wait3A_214 = tpu.memref_squeeze %dma_wait3A_213 : memref<1x!tpu.dma_semaphore, #tpu.memory_space<semaphore_mem>> -> memref<!tpu.dma_semaphore, #tpu.memory_space<semaphore_mem>>
        %dma_wait3A_215 = arith.constant 0 : i32
        %dma_wait3A_216 = tpu.memref_slice %arg14[%dma_wait3A_206, %dma_wait3A_207, %dma_wait3A_215] : memref<2x11x2000xf32, #tpu.memory_space<vmem>> -> memref<1x1x2000xf32, #tpu.memory_space<vmem>>
        %dma_wait3A_217 = tpu.memref_squeeze %dma_wait3A_216 : memref<1x1x2000xf32, #tpu.memory_space<vmem>> -> memref<2000xf32, #tpu.memory_space<vmem>>
        %dma_wait3A_218 = tpu.memref_slice %arg12[%mul3A_75] : memref<1000000xf32, #tpu.memory_space<hbm>> -> memref<2000xf32, #tpu.memory_space<hbm>>
        tpu.wait_dma2 semaphore(%dma_wait3A_214 : memref<!tpu.dma_semaphore, #tpu.memory_space<semaphore_mem>>) src(%dma_wait3A_218 : memref<2000xf32, #tpu.memory_space<hbm>>) dst(%dma_wait3A_217 : memref<2000xf32, #tpu.memory_space<vmem>>)
        %not3A = arith.constant true
        %not3A_219 = arith.xori %eq3A_55, %not3A : i1
        %convert_element_type3A_220 = arith.extui %not3A_219 : i1 to i32
        %cond3A_221 = arith.constant 0 : i32
        %cond3A_222 = arith.cmpi ne, %convert_element_type3A_220, %cond3A_221 : i32
        scf.if %cond3A_222 {
          %dma_wait3A_243 = arith.constant 0 : i32
          %dma_wait3A_244 = arith.constant 0 : i32
          %dma_wait3A_245 = arith.constant 0 : i32
          %dma_wait3A_246 = tpu.memref_slice %arg15[%dma_wait3A_243, %dma_wait3A_245] : memref<2x32000xf32, #tpu.memory_space<vmem>> -> memref<1x32000xf32, #tpu.memory_space<vmem>>
          %dma_wait3A_247 = tpu.memref_squeeze %dma_wait3A_246 : memref<1x32000xf32, #tpu.memory_space<vmem>> -> memref<32000xf32, #tpu.memory_space<vmem>>
          %dma_wait3A_248 = arith.constant 0 : i32
          %dma_wait3A_249 = tpu.memref_slice %arg13[%dma_wait3A_248] : memref<16000000xf32, #tpu.memory_space<hbm>> -> memref<32000xf32, #tpu.memory_space<hbm>>
          %dma_wait3A_250 = tpu.memref_slice %arg17[%dma_wait3A_244] : memref<2x!tpu.dma_semaphore, #tpu.memory_space<semaphore_mem>> -> memref<1x!tpu.dma_semaphore, #tpu.memory_space<semaphore_mem>>
          %dma_wait3A_251 = tpu.memref_squeeze %dma_wait3A_250 : memref<1x!tpu.dma_semaphore, #tpu.memory_space<semaphore_mem>> -> memref<!tpu.dma_semaphore, #tpu.memory_space<semaphore_mem>>
          %dma_wait3A_252 = arith.constant 0 : i32
          %dma_wait3A_253 = tpu.memref_slice %arg13[%dma_wait3A_252] : memref<16000000xf32, #tpu.memory_space<hbm>> -> memref<32000xf32, #tpu.memory_space<hbm>>
          %dma_wait3A_254 = arith.constant 0 : i32
          %dma_wait3A_255 = tpu.memref_slice %arg15[%dma_wait3A_243, %dma_wait3A_254] : memref<2x32000xf32, #tpu.memory_space<vmem>> -> memref<1x32000xf32, #tpu.memory_space<vmem>>
          %dma_wait3A_256 = tpu.memref_squeeze %dma_wait3A_255 : memref<1x32000xf32, #tpu.memory_space<vmem>> -> memref<32000xf32, #tpu.memory_space<vmem>>
          tpu.wait_dma2 semaphore(%dma_wait3A_251 : memref<!tpu.dma_semaphore, #tpu.memory_space<semaphore_mem>>) src(%dma_wait3A_256 : memref<32000xf32, #tpu.memory_space<vmem>>) dst(%dma_wait3A_253 : memref<32000xf32, #tpu.memory_space<hbm>>)
        } else {
        }
        %scan3A_223 = arith.constant 0 : i32
        %scan3A_224 = arith.constant 0 : i32
        %scan3A_225 = arith.constant 125 : i32
        %scan3A_226 = arith.addi %scan3A_224, %scan3A_225 : i32
        %scan3A_227 = arith.constant 1 : i32
        %scan3A_228 = scf.for %scan3A_243 = %scan3A_224 to %scan3A_226 step %scan3A_227 iter_args(%scan3A_244 = %scan3A_223) -> (i32)  : i32 {
          %mul3A_245 = arith.constant 16 : i32
          %mul3A_246 = arith.muli %scan3A_243, %mul3A_245 : i32
          %add3A_247 = vector.broadcast %mul3A_246 : i32 to vector<16xi32>
          %add3A_248 = arith.addi %add3A_247, %iota3A : vector<16xi32>
          %mul3A_249 = arith.constant 16 : i32
          %mul3A_250 = vector.broadcast %mul3A_249 : i32 to vector<16xi32>
          %mul3A_251 = arith.muli %add3A_248, %mul3A_250 : vector<16xi32>
          %mul3A_252 = arith.constant 16 : i32
          %mul3A_253 = arith.muli %scan3A_243, %mul3A_252 : i32
          %get3A = arith.constant 0 : i32
          %get3A_254 = arith.constant 0 : i32
          %get3A_255 = arith.index_cast %get3A : i32 to index
          %get3A_256 = arith.index_cast %get3A_254 : i32 to index
          %get3A_257 = arith.index_cast %mul3A_253 : i32 to index
          %get3A_258 = tpu.vector_load %arg14[%get3A_255, %get3A_256, %get3A_257] {strides = array<i32>} : memref<2x11x2000xf32, #tpu.memory_space<vmem>>, vector<16xf32>,
          %add3A_259 = arith.constant 0 : i32
          %add3A_260 = vector.broadcast %add3A_259 : i32 to vector<16xi32>
          %add3A_261 = arith.addi %mul3A_251, %add3A_260 : vector<16xi32>
          %scatter3A = arith.constant 0 : i32
          %scatter3A_262 = arith.constant 0 : i32
          %scatter3A_263 = tpu.memref_slice %arg15[%scatter3A, %scatter3A_262] : memref<2x32000xf32, #tpu.memory_space<vmem>> -> memref<1x32000xf32, #tpu.memory_space<vmem>>
          %scatter3A_264 = tpu.memref_squeeze %scatter3A_263 : memref<1x32000xf32, #tpu.memory_space<vmem>> -> memref<32000xf32, #tpu.memory_space<vmem>>
          tpu.vector_store_idx %scatter3A_264[%add3A_261], %get3A_258 : memref<32000xf32, #tpu.memory_space<vmem>>[vector<16xi32>], vector<16xf32>,
          %mul3A_265 = arith.constant 16 : i32
          %mul3A_266 = arith.muli %scan3A_243, %mul3A_265 : i32
          %get3A_267 = arith.constant 0 : i32
          %get3A_268 = arith.constant 1 : i32
          %get3A_269 = arith.index_cast %get3A_267 : i32 to index
          %get3A_270 = arith.index_cast %get3A_268 : i32 to index
          %get3A_271 = arith.index_cast %mul3A_266 : i32 to index
          %get3A_272 = tpu.vector_load %arg14[%get3A_269, %get3A_270, %get3A_271] {strides = array<i32>} : memref<2x11x2000xf32, #tpu.memory_space<vmem>>, vector<16xf32>,
          %add3A_273 = arith.constant 1 : i32
          %add3A_274 = vector.broadcast %add3A_273 : i32 to vector<16xi32>
          %add3A_275 = arith.addi %mul3A_251, %add3A_274 : vector<16xi32>
          %scatter3A_276 = arith.constant 0 : i32
          %scatter3A_277 = arith.constant 0 : i32
          %scatter3A_278 = tpu.memref_slice %arg15[%scatter3A_276, %scatter3A_277] : memref<2x32000xf32, #tpu.memory_space<vmem>> -> memref<1x32000xf32, #tpu.memory_space<vmem>>
          %scatter3A_279 = tpu.memref_squeeze %scatter3A_278 : memref<1x32000xf32, #tpu.memory_space<vmem>> -> memref<32000xf32, #tpu.memory_space<vmem>>
          tpu.vector_store_idx %scatter3A_279[%add3A_275], %get3A_272 : memref<32000xf32, #tpu.memory_space<vmem>>[vector<16xi32>], vector<16xf32>,
          %mul3A_280 = arith.constant 16 : i32
          %mul3A_281 = arith.muli %scan3A_243, %mul3A_280 : i32
          %get3A_282 = arith.constant 0 : i32
          %get3A_283 = arith.constant 2 : i32
          %get3A_284 = arith.index_cast %get3A_282 : i32 to index
          %get3A_285 = arith.index_cast %get3A_283 : i32 to index
          %get3A_286 = arith.index_cast %mul3A_281 : i32 to index
          %get3A_287 = tpu.vector_load %arg14[%get3A_284, %get3A_285, %get3A_286] {strides = array<i32>} : memref<2x11x2000xf32, #tpu.memory_space<vmem>>, vector<16xf32>,
          %add3A_288 = arith.constant 2 : i32
          %add3A_289 = vector.broadcast %add3A_288 : i32 to vector<16xi32>
          %add3A_290 = arith.addi %mul3A_251, %add3A_289 : vector<16xi32>
          %scatter3A_291 = arith.constant 0 : i32
          %scatter3A_292 = arith.constant 0 : i32
          %scatter3A_293 = tpu.memref_slice %arg15[%scatter3A_291, %scatter3A_292] : memref<2x32000xf32, #tpu.memory_space<vmem>> -> memref<1x32000xf32, #tpu.memory_space<vmem>>
          %scatter3A_294 = tpu.memref_squeeze %scatter3A_293 : memref<1x32000xf32, #tpu.memory_space<vmem>> -> memref<32000xf32, #tpu.memory_space<vmem>>
          tpu.vector_store_idx %scatter3A_294[%add3A_290], %get3A_287 : memref<32000xf32, #tpu.memory_space<vmem>>[vector<16xi32>], vector<16xf32>,
          %mul3A_295 = arith.constant 16 : i32
          %mul3A_296 = arith.muli %scan3A_243, %mul3A_295 : i32
          %get3A_297 = arith.constant 0 : i32
          %get3A_298 = arith.constant 3 : i32
          %get3A_299 = arith.index_cast %get3A_297 : i32 to index
          %get3A_300 = arith.index_cast %get3A_298 : i32 to index
          %get3A_301 = arith.index_cast %mul3A_296 : i32 to index
          %get3A_302 = tpu.vector_load %arg14[%get3A_299, %get3A_300, %get3A_301] {strides = array<i32>} : memref<2x11x2000xf32, #tpu.memory_space<vmem>>, vector<16xf32>,
          %add3A_303 = arith.constant 3 : i32
          %add3A_304 = vector.broadcast %add3A_303 : i32 to vector<16xi32>
          %add3A_305 = arith.addi %mul3A_251, %add3A_304 : vector<16xi32>
          %scatter3A_306 = arith.constant 0 : i32
          %scatter3A_307 = arith.constant 0 : i32
          %scatter3A_308 = tpu.memref_slice %arg15[%scatter3A_306, %scatter3A_307] : memref<2x32000xf32, #tpu.memory_space<vmem>> -> memref<1x32000xf32, #tpu.memory_space<vmem>>
          %scatter3A_309 = tpu.memref_squeeze %scatter3A_308 : memref<1x32000xf32, #tpu.memory_space<vmem>> -> memref<32000xf32, #tpu.memory_space<vmem>>
          tpu.vector_store_idx %scatter3A_309[%add3A_305], %get3A_302 : memref<32000xf32, #tpu.memory_space<vmem>>[vector<16xi32>], vector<16xf32>,
          %mul3A_310 = arith.constant 16 : i32
          %mul3A_311 = arith.muli %scan3A_243, %mul3A_310 : i32
          %get3A_312 = arith.constant 0 : i32
          %get3A_313 = arith.constant 4 : i32
          %get3A_314 = arith.index_cast %get3A_312 : i32 to index
          %get3A_315 = arith.index_cast %get3A_313 : i32 to index
          %get3A_316 = arith.index_cast %mul3A_311 : i32 to index
          %get3A_317 = tpu.vector_load %arg14[%get3A_314, %get3A_315, %get3A_316] {strides = array<i32>} : memref<2x11x2000xf32, #tpu.memory_space<vmem>>, vector<16xf32>,
          %add3A_318 = arith.constant 4 : i32
          %add3A_319 = vector.broadcast %add3A_318 : i32 to vector<16xi32>
          %add3A_320 = arith.addi %mul3A_251, %add3A_319 : vector<16xi32>
          %scatter3A_321 = arith.constant 0 : i32
          %scatter3A_322 = arith.constant 0 : i32
          %scatter3A_323 = tpu.memref_slice %arg15[%scatter3A_321, %scatter3A_322] : memref<2x32000xf32, #tpu.memory_space<vmem>> -> memref<1x32000xf32, #tpu.memory_space<vmem>>
          %scatter3A_324 = tpu.memref_squeeze %scatter3A_323 : memref<1x32000xf32, #tpu.memory_space<vmem>> -> memref<32000xf32, #tpu.memory_space<vmem>>
          tpu.vector_store_idx %scatter3A_324[%add3A_320], %get3A_317 : memref<32000xf32, #tpu.memory_space<vmem>>[vector<16xi32>], vector<16xf32>,
          %mul3A_325 = arith.constant 16 : i32
          %mul3A_326 = arith.muli %scan3A_243, %mul3A_325 : i32
          %get3A_327 = arith.constant 0 : i32
          %get3A_328 = arith.constant 5 : i32
          %get3A_329 = arith.index_cast %get3A_327 : i32 to index
          %get3A_330 = arith.index_cast %get3A_328 : i32 to index
          %get3A_331 = arith.index_cast %mul3A_326 : i32 to index
          %get3A_332 = tpu.vector_load %arg14[%get3A_329, %get3A_330, %get3A_331] {strides = array<i32>} : memref<2x11x2000xf32, #tpu.memory_space<vmem>>, vector<16xf32>,
          %add3A_333 = arith.constant 5 : i32
          %add3A_334 = vector.broadcast %add3A_333 : i32 to vector<16xi32>
          %add3A_335 = arith.addi %mul3A_251, %add3A_334 : vector<16xi32>
          %scatter3A_336 = arith.constant 0 : i32
          %scatter3A_337 = arith.constant 0 : i32
          %scatter3A_338 = tpu.memref_slice %arg15[%scatter3A_336, %scatter3A_337] : memref<2x32000xf32, #tpu.memory_space<vmem>> -> memref<1x32000xf32, #tpu.memory_space<vmem>>
          %scatter3A_339 = tpu.memref_squeeze %scatter3A_338 : memref<1x32000xf32, #tpu.memory_space<vmem>> -> memref<32000xf32, #tpu.memory_space<vmem>>
          tpu.vector_store_idx %scatter3A_339[%add3A_335], %get3A_332 : memref<32000xf32, #tpu.memory_space<vmem>>[vector<16xi32>], vector<16xf32>,
          %mul3A_340 = arith.constant 16 : i32
          %mul3A_341 = arith.muli %scan3A_243, %mul3A_340 : i32
          %get3A_342 = arith.constant 0 : i32
          %get3A_343 = arith.constant 6 : i32
          %get3A_344 = arith.index_cast %get3A_342 : i32 to index
          %get3A_345 = arith.index_cast %get3A_343 : i32 to index
          %get3A_346 = arith.index_cast %mul3A_341 : i32 to index
          %get3A_347 = tpu.vector_load %arg14[%get3A_344, %get3A_345, %get3A_346] {strides = array<i32>} : memref<2x11x2000xf32, #tpu.memory_space<vmem>>, vector<16xf32>,
          %add3A_348 = arith.constant 6 : i32
          %add3A_349 = vector.broadcast %add3A_348 : i32 to vector<16xi32>
          %add3A_350 = arith.addi %mul3A_251, %add3A_349 : vector<16xi32>
          %scatter3A_351 = arith.constant 0 : i32
          %scatter3A_352 = arith.constant 0 : i32
          %scatter3A_353 = tpu.memref_slice %arg15[%scatter3A_351, %scatter3A_352] : memref<2x32000xf32, #tpu.memory_space<vmem>> -> memref<1x32000xf32, #tpu.memory_space<vmem>>
          %scatter3A_354 = tpu.memref_squeeze %scatter3A_353 : memref<1x32000xf32, #tpu.memory_space<vmem>> -> memref<32000xf32, #tpu.memory_space<vmem>>
          tpu.vector_store_idx %scatter3A_354[%add3A_350], %get3A_347 : memref<32000xf32, #tpu.memory_space<vmem>>[vector<16xi32>], vector<16xf32>,
          %mul3A_355 = arith.constant 16 : i32
          %mul3A_356 = arith.muli %scan3A_243, %mul3A_355 : i32
          %get3A_357 = arith.constant 0 : i32
          %get3A_358 = arith.constant 7 : i32
          %get3A_359 = arith.index_cast %get3A_357 : i32 to index
          %get3A_360 = arith.index_cast %get3A_358 : i32 to index
          %get3A_361 = arith.index_cast %mul3A_356 : i32 to index
          %get3A_362 = tpu.vector_load %arg14[%get3A_359, %get3A_360, %get3A_361] {strides = array<i32>} : memref<2x11x2000xf32, #tpu.memory_space<vmem>>, vector<16xf32>,
          %add3A_363 = arith.constant 7 : i32
          %add3A_364 = vector.broadcast %add3A_363 : i32 to vector<16xi32>
          %add3A_365 = arith.addi %mul3A_251, %add3A_364 : vector<16xi32>
          %scatter3A_366 = arith.constant 0 : i32
          %scatter3A_367 = arith.constant 0 : i32
          %scatter3A_368 = tpu.memref_slice %arg15[%scatter3A_366, %scatter3A_367] : memref<2x32000xf32, #tpu.memory_space<vmem>> -> memref<1x32000xf32, #tpu.memory_space<vmem>>
          %scatter3A_369 = tpu.memref_squeeze %scatter3A_368 : memref<1x32000xf32, #tpu.memory_space<vmem>> -> memref<32000xf32, #tpu.memory_space<vmem>>
          tpu.vector_store_idx %scatter3A_369[%add3A_365], %get3A_362 : memref<32000xf32, #tpu.memory_space<vmem>>[vector<16xi32>], vector<16xf32>,
          %mul3A_370 = arith.constant 16 : i32
          %mul3A_371 = arith.muli %scan3A_243, %mul3A_370 : i32
          %get3A_372 = arith.constant 0 : i32
          %get3A_373 = arith.constant 8 : i32
          %get3A_374 = arith.index_cast %get3A_372 : i32 to index
          %get3A_375 = arith.index_cast %get3A_373 : i32 to index
          %get3A_376 = arith.index_cast %mul3A_371 : i32 to index
          %get3A_377 = tpu.vector_load %arg14[%get3A_374, %get3A_375, %get3A_376] {strides = array<i32>} : memref<2x11x2000xf32, #tpu.memory_space<vmem>>, vector<16xf32>,
          %add3A_378 = arith.constant 8 : i32
          %add3A_379 = vector.broadcast %add3A_378 : i32 to vector<16xi32>
          %add3A_380 = arith.addi %mul3A_251, %add3A_379 : vector<16xi32>
          %scatter3A_381 = arith.constant 0 : i32
          %scatter3A_382 = arith.constant 0 : i32
          %scatter3A_383 = tpu.memref_slice %arg15[%scatter3A_381, %scatter3A_382] : memref<2x32000xf32, #tpu.memory_space<vmem>> -> memref<1x32000xf32, #tpu.memory_space<vmem>>
          %scatter3A_384 = tpu.memref_squeeze %scatter3A_383 : memref<1x32000xf32, #tpu.memory_space<vmem>> -> memref<32000xf32, #tpu.memory_space<vmem>>
          tpu.vector_store_idx %scatter3A_384[%add3A_380], %get3A_377 : memref<32000xf32, #tpu.memory_space<vmem>>[vector<16xi32>], vector<16xf32>,
          %mul3A_385 = arith.constant 16 : i32
          %mul3A_386 = arith.muli %scan3A_243, %mul3A_385 : i32
          %get3A_387 = arith.constant 0 : i32
          %get3A_388 = arith.constant 9 : i32
          %get3A_389 = arith.index_cast %get3A_387 : i32 to index
          %get3A_390 = arith.index_cast %get3A_388 : i32 to index
          %get3A_391 = arith.index_cast %mul3A_386 : i32 to index
          %get3A_392 = tpu.vector_load %arg14[%get3A_389, %get3A_390, %get3A_391] {strides = array<i32>} : memref<2x11x2000xf32, #tpu.memory_space<vmem>>, vector<16xf32>,
          %add3A_393 = arith.constant 9 : i32
          %add3A_394 = vector.broadcast %add3A_393 : i32 to vector<16xi32>
          %add3A_395 = arith.addi %mul3A_251, %add3A_394 : vector<16xi32>
          %scatter3A_396 = arith.constant 0 : i32
          %scatter3A_397 = arith.constant 0 : i32
          %scatter3A_398 = tpu.memref_slice %arg15[%scatter3A_396, %scatter3A_397] : memref<2x32000xf32, #tpu.memory_space<vmem>> -> memref<1x32000xf32, #tpu.memory_space<vmem>>
          %scatter3A_399 = tpu.memref_squeeze %scatter3A_398 : memref<1x32000xf32, #tpu.memory_space<vmem>> -> memref<32000xf32, #tpu.memory_space<vmem>>
          tpu.vector_store_idx %scatter3A_399[%add3A_395], %get3A_392 : memref<32000xf32, #tpu.memory_space<vmem>>[vector<16xi32>], vector<16xf32>,
          %mul3A_400 = arith.constant 16 : i32
          %mul3A_401 = arith.muli %scan3A_243, %mul3A_400 : i32
          %get3A_402 = arith.constant 0 : i32
          %get3A_403 = arith.constant 10 : i32
          %get3A_404 = arith.index_cast %get3A_402 : i32 to index
          %get3A_405 = arith.index_cast %get3A_403 : i32 to index
          %get3A_406 = arith.index_cast %mul3A_401 : i32 to index
          %get3A_407 = tpu.vector_load %arg14[%get3A_404, %get3A_405, %get3A_406] {strides = array<i32>} : memref<2x11x2000xf32, #tpu.memory_space<vmem>>, vector<16xf32>,
          %add3A_408 = arith.constant 10 : i32
          %add3A_409 = vector.broadcast %add3A_408 : i32 to vector<16xi32>
          %add3A_410 = arith.addi %mul3A_251, %add3A_409 : vector<16xi32>
          %scatter3A_411 = arith.constant 0 : i32
          %scatter3A_412 = arith.constant 0 : i32
          %scatter3A_413 = tpu.memref_slice %arg15[%scatter3A_411, %scatter3A_412] : memref<2x32000xf32, #tpu.memory_space<vmem>> -> memref<1x32000xf32, #tpu.memory_space<vmem>>
          %scatter3A_414 = tpu.memref_squeeze %scatter3A_413 : memref<1x32000xf32, #tpu.memory_space<vmem>> -> memref<32000xf32, #tpu.memory_space<vmem>>
          tpu.vector_store_idx %scatter3A_414[%add3A_410], %get3A_407 : memref<32000xf32, #tpu.memory_space<vmem>>[vector<16xi32>], vector<16xf32>,
          %scan3A_415 = arith.constant 0 : i32
          scf.yield %scan3A_415 : i32
        }
        %scan3A_229 = arith.constant 125 : i32
        %mul3A_230 = arith.constant 16 : i32
        %mul3A_231 = arith.muli %mul3A_75, %mul3A_230 : i32
        %dma_start3A = arith.constant 0 : i32
        %dma_start3A_232 = arith.constant 0 : i32
        %dma_start3A_233 = arith.constant 0 : i32
        %dma_start3A_234 = tpu.memref_slice %arg15[%dma_start3A, %dma_start3A_233] : memref<2x32000xf32, #tpu.memory_space<vmem>> -> memref<1x32000xf32, #tpu.memory_space<vmem>>
        %dma_start3A_235 = tpu.memref_squeeze %dma_start3A_234 : memref<1x32000xf32, #tpu.memory_space<vmem>> -> memref<32000xf32, #tpu.memory_space<vmem>>
        %dma_start3A_236 = tpu.memref_slice %arg13[%mul3A_231] : memref<16000000xf32, #tpu.memory_space<hbm>> -> memref<32000xf32, #tpu.memory_space<hbm>>
        %dma_start3A_237 = tpu.memref_slice %arg17[%dma_start3A_232] : memref<2x!tpu.dma_semaphore, #tpu.memory_space<semaphore_mem>> -> memref<1x!tpu.dma_semaphore, #tpu.memory_space<semaphore_mem>>
        %dma_start3A_238 = tpu.memref_squeeze %dma_start3A_237 : memref<1x!tpu.dma_semaphore, #tpu.memory_space<semaphore_mem>> -> memref<!tpu.dma_semaphore, #tpu.memory_space<semaphore_mem>>
        %dma_start3A_239 = tpu.memref_slice %arg13[%mul3A_231] : memref<16000000xf32, #tpu.memory_space<hbm>> -> memref<32000xf32, #tpu.memory_space<hbm>>
        %dma_start3A_240 = arith.constant 0 : i32
        %dma_start3A_241 = tpu.memref_slice %arg15[%dma_start3A, %dma_start3A_240] : memref<2x32000xf32, #tpu.memory_space<vmem>> -> memref<1x32000xf32, #tpu.memory_space<vmem>>
        %dma_start3A_242 = tpu.memref_squeeze %dma_start3A_241 : memref<1x32000xf32, #tpu.memory_space<vmem>> -> memref<32000xf32, #tpu.memory_space<vmem>>
        tpu.enqueue_dma source(%dma_start3A_242 : memref<32000xf32, #tpu.memory_space<vmem>>) target(%dma_start3A_239 : memref<32000xf32, #tpu.memory_space<hbm>>) target_semaphore(%dma_start3A_238 : memref<!tpu.dma_semaphore, #tpu.memory_space<semaphore_mem>>)
      } else {
      }
      %lt3A_61 = arith.constant 7 : i32
      %lt3A_62 = arith.cmpi slt, %scan3A_36, %lt3A_61 : i32
      %convert_element_type3A_63 = arith.extui %lt3A_62 : i1 to i32
      %cond3A_64 = arith.constant 0 : i32
      %cond3A_65 = arith.cmpi ne, %convert_element_type3A_63, %cond3A_64 : i32
      scf.if %cond3A_65 {
        %mul3A_74 = arith.constant 2 : i32
        %mul3A_75 = arith.muli %mul3A_74, %scan3A_36 : i32
        %add3A_76 = arith.constant 2 : i32
        %add3A_77 = arith.addi %mul3A_75, %add3A_76 : i32
        %mul3A_78 = arith.constant 32 : i32
        %mul3A_79 = arith.muli %add3A_77, %mul3A_78 : i32
        %add3A_80 = arith.addi %mul3A_79, %add3A : i32
        %lt3A_81 = arith.constant 500 : i32
        %lt3A_82 = arith.cmpi slt, %add3A_80, %lt3A_81 : i32
        %convert_element_type3A_83 = arith.extui %lt3A_82 : i1 to i32
        %cond3A_84 = arith.constant 0 : i32
        %cond3A_85 = arith.cmpi ne, %convert_element_type3A_83, %cond3A_84 : i32
        scf.if %cond3A_85 {
          %mul3A_86 = arith.constant 2000 : i32
          %mul3A_87 = arith.muli %add3A_80, %mul3A_86 : i32
          %dma_start3A = arith.constant 0 : i32
          %dma_start3A_88 = arith.constant 0 : i32
          %dma_start3A_89 = arith.constant 0 : i32
          %dma_start3A_90 = arith.constant 0 : i32
          %dma_start3A_91 = tpu.memref_slice %arg14[%dma_start3A, %dma_start3A_88, %dma_start3A_90] : memref<2x11x2000xf32, #tpu.memory_space<vmem>> -> memref<1x1x2000xf32, #tpu.memory_space<vmem>>
          %dma_start3A_92 = tpu.memref_squeeze %dma_start3A_91 : memref<1x1x2000xf32, #tpu.memory_space<vmem>> -> memref<2000xf32, #tpu.memory_space<vmem>>
          %dma_start3A_93 = tpu.memref_slice %arg2[%mul3A_87] : memref<1000000xf32, #tpu.memory_space<hbm>> -> memref<2000xf32, #tpu.memory_space<hbm>>
          %dma_start3A_94 = tpu.memref_slice %arg16[%dma_start3A_89] : memref<2x!tpu.dma_semaphore, #tpu.memory_space<semaphore_mem>> -> memref<1x!tpu.dma_semaphore, #tpu.memory_space<semaphore_mem>>
          %dma_start3A_95 = tpu.memref_squeeze %dma_start3A_94 : memref<1x!tpu.dma_semaphore, #tpu.memory_space<semaphore_mem>> -> memref<!tpu.dma_semaphore, #tpu.memory_space<semaphore_mem>>
          %dma_start3A_96 = arith.constant 0 : i32
          %dma_start3A_97 = tpu.memref_slice %arg14[%dma_start3A, %dma_start3A_88, %dma_start3A_96] : memref<2x11x2000xf32, #tpu.memory_space<vmem>> -> memref<1x1x2000xf32, #tpu.memory_space<vmem>>
          %dma_start3A_98 = tpu.memref_squeeze %dma_start3A_97 : memref<1x1x2000xf32, #tpu.memory_space<vmem>> -> memref<2000xf32, #tpu.memory_space<vmem>>
          %dma_start3A_99 = tpu.memref_slice %arg2[%mul3A_87] : memref<1000000xf32, #tpu.memory_space<hbm>> -> memref<2000xf32, #tpu.memory_space<hbm>>
          tpu.enqueue_dma source(%dma_start3A_99 : memref<2000xf32, #tpu.memory_space<hbm>>) target(%dma_start3A_98 : memref<2000xf32, #tpu.memory_space<vmem>>) target_semaphore(%dma_start3A_95 : memref<!tpu.dma_semaphore, #tpu.memory_space<semaphore_mem>>)
          %dma_start3A_100 = arith.constant 0 : i32
          %dma_start3A_101 = arith.constant 1 : i32
          %dma_start3A_102 = arith.constant 0 : i32
          %dma_start3A_103 = arith.constant 0 : i32
          %dma_start3A_104 = tpu.memref_slice %arg14[%dma_start3A_100, %dma_start3A_101, %dma_start3A_103] : memref<2x11x2000xf32, #tpu.memory_space<vmem>> -> memref<1x1x2000xf32, #tpu.memory_space<vmem>>
          %dma_start3A_105 = tpu.memref_squeeze %dma_start3A_104 : memref<1x1x2000xf32, #tpu.memory_space<vmem>> -> memref<2000xf32, #tpu.memory_space<vmem>>
          %dma_start3A_106 = tpu.memref_slice %arg3[%mul3A_87] : memref<1000000xf32, #tpu.memory_space<hbm>> -> memref<2000xf32, #tpu.memory_space<hbm>>
          %dma_start3A_107 = tpu.memref_slice %arg16[%dma_start3A_102] : memref<2x!tpu.dma_semaphore, #tpu.memory_space<semaphore_mem>> -> memref<1x!tpu.dma_semaphore, #tpu.memory_space<semaphore_mem>>
          %dma_start3A_108 = tpu.memref_squeeze %dma_start3A_107 : memref<1x!tpu.dma_semaphore, #tpu.memory_space<semaphore_mem>> -> memref<!tpu.dma_semaphore, #tpu.memory_space<semaphore_mem>>
          %dma_start3A_109 = arith.constant 0 : i32
          %dma_start3A_110 = tpu.memref_slice %arg14[%dma_start3A_100, %dma_start3A_101, %dma_start3A_109] : memref<2x11x2000xf32, #tpu.memory_space<vmem>> -> memref<1x1x2000xf32, #tpu.memory_space<vmem>>
          %dma_start3A_111 = tpu.memref_squeeze %dma_start3A_110 : memref<1x1x2000xf32, #tpu.memory_space<vmem>> -> memref<2000xf32, #tpu.memory_space<vmem>>
          %dma_start3A_112 = tpu.memref_slice %arg3[%mul3A_87] : memref<1000000xf32, #tpu.memory_space<hbm>> -> memref<2000xf32, #tpu.memory_space<hbm>>
          tpu.enqueue_dma source(%dma_start3A_112 : memref<2000xf32, #tpu.memory_space<hbm>>) target(%dma_start3A_111 : memref<2000xf32, #tpu.memory_space<vmem>>) target_semaphore(%dma_start3A_108 : memref<!tpu.dma_semaphore, #tpu.memory_space<semaphore_mem>>)
          %dma_start3A_113 = arith.constant 0 : i32
          %dma_start3A_114 = arith.constant 2 : i32
          %dma_start3A_115 = arith.constant 0 : i32
          %dma_start3A_116 = arith.constant 0 : i32
          %dma_start3A_117 = tpu.memref_slice %arg14[%dma_start3A_113, %dma_start3A_114, %dma_start3A_116] : memref<2x11x2000xf32, #tpu.memory_space<vmem>> -> memref<1x1x2000xf32, #tpu.memory_space<vmem>>
          %dma_start3A_118 = tpu.memref_squeeze %dma_start3A_117 : memref<1x1x2000xf32, #tpu.memory_space<vmem>> -> memref<2000xf32, #tpu.memory_space<vmem>>
          %dma_start3A_119 = tpu.memref_slice %arg4[%mul3A_87] : memref<1000000xf32, #tpu.memory_space<hbm>> -> memref<2000xf32, #tpu.memory_space<hbm>>
          %dma_start3A_120 = tpu.memref_slice %arg16[%dma_start3A_115] : memref<2x!tpu.dma_semaphore, #tpu.memory_space<semaphore_mem>> -> memref<1x!tpu.dma_semaphore, #tpu.memory_space<semaphore_mem>>
          %dma_start3A_121 = tpu.memref_squeeze %dma_start3A_120 : memref<1x!tpu.dma_semaphore, #tpu.memory_space<semaphore_mem>> -> memref<!tpu.dma_semaphore, #tpu.memory_space<semaphore_mem>>
          %dma_start3A_122 = arith.constant 0 : i32
          %dma_start3A_123 = tpu.memref_slice %arg14[%dma_start3A_113, %dma_start3A_114, %dma_start3A_122] : memref<2x11x2000xf32, #tpu.memory_space<vmem>> -> memref<1x1x2000xf32, #tpu.memory_space<vmem>>
          %dma_start3A_124 = tpu.memref_squeeze %dma_start3A_123 : memref<1x1x2000xf32, #tpu.memory_space<vmem>> -> memref<2000xf32, #tpu.memory_space<vmem>>
          %dma_start3A_125 = tpu.memref_slice %arg4[%mul3A_87] : memref<1000000xf32, #tpu.memory_space<hbm>> -> memref<2000xf32, #tpu.memory_space<hbm>>
          tpu.enqueue_dma source(%dma_start3A_125 : memref<2000xf32, #tpu.memory_space<hbm>>) target(%dma_start3A_124 : memref<2000xf32, #tpu.memory_space<vmem>>) target_semaphore(%dma_start3A_121 : memref<!tpu.dma_semaphore, #tpu.memory_space<semaphore_mem>>)
          %dma_start3A_126 = arith.constant 0 : i32
          %dma_start3A_127 = arith.constant 3 : i32
          %dma_start3A_128 = arith.constant 0 : i32
          %dma_start3A_129 = arith.constant 0 : i32
          %dma_start3A_130 = tpu.memref_slice %arg14[%dma_start3A_126, %dma_start3A_127, %dma_start3A_129] : memref<2x11x2000xf32, #tpu.memory_space<vmem>> -> memref<1x1x2000xf32, #tpu.memory_space<vmem>>
          %dma_start3A_131 = tpu.memref_squeeze %dma_start3A_130 : memref<1x1x2000xf32, #tpu.memory_space<vmem>> -> memref<2000xf32, #tpu.memory_space<vmem>>
          %dma_start3A_132 = tpu.memref_slice %arg5[%mul3A_87] : memref<1000000xf32, #tpu.memory_space<hbm>> -> memref<2000xf32, #tpu.memory_space<hbm>>
          %dma_start3A_133 = tpu.memref_slice %arg16[%dma_start3A_128] : memref<2x!tpu.dma_semaphore, #tpu.memory_space<semaphore_mem>> -> memref<1x!tpu.dma_semaphore, #tpu.memory_space<semaphore_mem>>
          %dma_start3A_134 = tpu.memref_squeeze %dma_start3A_133 : memref<1x!tpu.dma_semaphore, #tpu.memory_space<semaphore_mem>> -> memref<!tpu.dma_semaphore, #tpu.memory_space<semaphore_mem>>
          %dma_start3A_135 = arith.constant 0 : i32
          %dma_start3A_136 = tpu.memref_slice %arg14[%dma_start3A_126, %dma_start3A_127, %dma_start3A_135] : memref<2x11x2000xf32, #tpu.memory_space<vmem>> -> memref<1x1x2000xf32, #tpu.memory_space<vmem>>
          %dma_start3A_137 = tpu.memref_squeeze %dma_start3A_136 : memref<1x1x2000xf32, #tpu.memory_space<vmem>> -> memref<2000xf32, #tpu.memory_space<vmem>>
          %dma_start3A_138 = tpu.memref_slice %arg5[%mul3A_87] : memref<1000000xf32, #tpu.memory_space<hbm>> -> memref<2000xf32, #tpu.memory_space<hbm>>
          tpu.enqueue_dma source(%dma_start3A_138 : memref<2000xf32, #tpu.memory_space<hbm>>) target(%dma_start3A_137 : memref<2000xf32, #tpu.memory_space<vmem>>) target_semaphore(%dma_start3A_134 : memref<!tpu.dma_semaphore, #tpu.memory_space<semaphore_mem>>)
          %dma_start3A_139 = arith.constant 0 : i32
          %dma_start3A_140 = arith.constant 4 : i32
          %dma_start3A_141 = arith.constant 0 : i32
          %dma_start3A_142 = arith.constant 0 : i32
          %dma_start3A_143 = tpu.memref_slice %arg14[%dma_start3A_139, %dma_start3A_140, %dma_start3A_142] : memref<2x11x2000xf32, #tpu.memory_space<vmem>> -> memref<1x1x2000xf32, #tpu.memory_space<vmem>>
          %dma_start3A_144 = tpu.memref_squeeze %dma_start3A_143 : memref<1x1x2000xf32, #tpu.memory_space<vmem>> -> memref<2000xf32, #tpu.memory_space<vmem>>
          %dma_start3A_145 = tpu.memref_slice %arg6[%mul3A_87] : memref<1000000xf32, #tpu.memory_space<hbm>> -> memref<2000xf32, #tpu.memory_space<hbm>>
          %dma_start3A_146 = tpu.memref_slice %arg16[%dma_start3A_141] : memref<2x!tpu.dma_semaphore, #tpu.memory_space<semaphore_mem>> -> memref<1x!tpu.dma_semaphore, #tpu.memory_space<semaphore_mem>>
          %dma_start3A_147 = tpu.memref_squeeze %dma_start3A_146 : memref<1x!tpu.dma_semaphore, #tpu.memory_space<semaphore_mem>> -> memref<!tpu.dma_semaphore, #tpu.memory_space<semaphore_mem>>
          %dma_start3A_148 = arith.constant 0 : i32
          %dma_start3A_149 = tpu.memref_slice %arg14[%dma_start3A_139, %dma_start3A_140, %dma_start3A_148] : memref<2x11x2000xf32, #tpu.memory_space<vmem>> -> memref<1x1x2000xf32, #tpu.memory_space<vmem>>
          %dma_start3A_150 = tpu.memref_squeeze %dma_start3A_149 : memref<1x1x2000xf32, #tpu.memory_space<vmem>> -> memref<2000xf32, #tpu.memory_space<vmem>>
          %dma_start3A_151 = tpu.memref_slice %arg6[%mul3A_87] : memref<1000000xf32, #tpu.memory_space<hbm>> -> memref<2000xf32, #tpu.memory_space<hbm>>
          tpu.enqueue_dma source(%dma_start3A_151 : memref<2000xf32, #tpu.memory_space<hbm>>) target(%dma_start3A_150 : memref<2000xf32, #tpu.memory_space<vmem>>) target_semaphore(%dma_start3A_147 : memref<!tpu.dma_semaphore, #tpu.memory_space<semaphore_mem>>)
          %dma_start3A_152 = arith.constant 0 : i32
          %dma_start3A_153 = arith.constant 5 : i32
          %dma_start3A_154 = arith.constant 0 : i32
          %dma_start3A_155 = arith.constant 0 : i32
          %dma_start3A_156 = tpu.memref_slice %arg14[%dma_start3A_152, %dma_start3A_153, %dma_start3A_155] : memref<2x11x2000xf32, #tpu.memory_space<vmem>> -> memref<1x1x2000xf32, #tpu.memory_space<vmem>>
          %dma_start3A_157 = tpu.memref_squeeze %dma_start3A_156 : memref<1x1x2000xf32, #tpu.memory_space<vmem>> -> memref<2000xf32, #tpu.memory_space<vmem>>
          %dma_start3A_158 = tpu.memref_slice %arg7[%mul3A_87] : memref<1000000xf32, #tpu.memory_space<hbm>> -> memref<2000xf32, #tpu.memory_space<hbm>>
          %dma_start3A_159 = tpu.memref_slice %arg16[%dma_start3A_154] : memref<2x!tpu.dma_semaphore, #tpu.memory_space<semaphore_mem>> -> memref<1x!tpu.dma_semaphore, #tpu.memory_space<semaphore_mem>>
          %dma_start3A_160 = tpu.memref_squeeze %dma_start3A_159 : memref<1x!tpu.dma_semaphore, #tpu.memory_space<semaphore_mem>> -> memref<!tpu.dma_semaphore, #tpu.memory_space<semaphore_mem>>
          %dma_start3A_161 = arith.constant 0 : i32
          %dma_start3A_162 = tpu.memref_slice %arg14[%dma_start3A_152, %dma_start3A_153, %dma_start3A_161] : memref<2x11x2000xf32, #tpu.memory_space<vmem>> -> memref<1x1x2000xf32, #tpu.memory_space<vmem>>
          %dma_start3A_163 = tpu.memref_squeeze %dma_start3A_162 : memref<1x1x2000xf32, #tpu.memory_space<vmem>> -> memref<2000xf32, #tpu.memory_space<vmem>>
          %dma_start3A_164 = tpu.memref_slice %arg7[%mul3A_87] : memref<1000000xf32, #tpu.memory_space<hbm>> -> memref<2000xf32, #tpu.memory_space<hbm>>
          tpu.enqueue_dma source(%dma_start3A_164 : memref<2000xf32, #tpu.memory_space<hbm>>) target(%dma_start3A_163 : memref<2000xf32, #tpu.memory_space<vmem>>) target_semaphore(%dma_start3A_160 : memref<!tpu.dma_semaphore, #tpu.memory_space<semaphore_mem>>)
          %dma_start3A_165 = arith.constant 0 : i32
          %dma_start3A_166 = arith.constant 6 : i32
          %dma_start3A_167 = arith.constant 0 : i32
          %dma_start3A_168 = arith.constant 0 : i32
          %dma_start3A_169 = tpu.memref_slice %arg14[%dma_start3A_165, %dma_start3A_166, %dma_start3A_168] : memref<2x11x2000xf32, #tpu.memory_space<vmem>> -> memref<1x1x2000xf32, #tpu.memory_space<vmem>>
          %dma_start3A_170 = tpu.memref_squeeze %dma_start3A_169 : memref<1x1x2000xf32, #tpu.memory_space<vmem>> -> memref<2000xf32, #tpu.memory_space<vmem>>
          %dma_start3A_171 = tpu.memref_slice %arg8[%mul3A_87] : memref<1000000xf32, #tpu.memory_space<hbm>> -> memref<2000xf32, #tpu.memory_space<hbm>>
          %dma_start3A_172 = tpu.memref_slice %arg16[%dma_start3A_167] : memref<2x!tpu.dma_semaphore, #tpu.memory_space<semaphore_mem>> -> memref<1x!tpu.dma_semaphore, #tpu.memory_space<semaphore_mem>>
          %dma_start3A_173 = tpu.memref_squeeze %dma_start3A_172 : memref<1x!tpu.dma_semaphore, #tpu.memory_space<semaphore_mem>> -> memref<!tpu.dma_semaphore, #tpu.memory_space<semaphore_mem>>
          %dma_start3A_174 = arith.constant 0 : i32
          %dma_start3A_175 = tpu.memref_slice %arg14[%dma_start3A_165, %dma_start3A_166, %dma_start3A_174] : memref<2x11x2000xf32, #tpu.memory_space<vmem>> -> memref<1x1x2000xf32, #tpu.memory_space<vmem>>
          %dma_start3A_176 = tpu.memref_squeeze %dma_start3A_175 : memref<1x1x2000xf32, #tpu.memory_space<vmem>> -> memref<2000xf32, #tpu.memory_space<vmem>>
          %dma_start3A_177 = tpu.memref_slice %arg8[%mul3A_87] : memref<1000000xf32, #tpu.memory_space<hbm>> -> memref<2000xf32, #tpu.memory_space<hbm>>
          tpu.enqueue_dma source(%dma_start3A_177 : memref<2000xf32, #tpu.memory_space<hbm>>) target(%dma_start3A_176 : memref<2000xf32, #tpu.memory_space<vmem>>) target_semaphore(%dma_start3A_173 : memref<!tpu.dma_semaphore, #tpu.memory_space<semaphore_mem>>)
          %dma_start3A_178 = arith.constant 0 : i32
          %dma_start3A_179 = arith.constant 7 : i32
          %dma_start3A_180 = arith.constant 0 : i32
          %dma_start3A_181 = arith.constant 0 : i32
          %dma_start3A_182 = tpu.memref_slice %arg14[%dma_start3A_178, %dma_start3A_179, %dma_start3A_181] : memref<2x11x2000xf32, #tpu.memory_space<vmem>> -> memref<1x1x2000xf32, #tpu.memory_space<vmem>>
          %dma_start3A_183 = tpu.memref_squeeze %dma_start3A_182 : memref<1x1x2000xf32, #tpu.memory_space<vmem>> -> memref<2000xf32, #tpu.memory_space<vmem>>
          %dma_start3A_184 = tpu.memref_slice %arg9[%mul3A_87] : memref<1000000xf32, #tpu.memory_space<hbm>> -> memref<2000xf32, #tpu.memory_space<hbm>>
          %dma_start3A_185 = tpu.memref_slice %arg16[%dma_start3A_180] : memref<2x!tpu.dma_semaphore, #tpu.memory_space<semaphore_mem>> -> memref<1x!tpu.dma_semaphore, #tpu.memory_space<semaphore_mem>>
          %dma_start3A_186 = tpu.memref_squeeze %dma_start3A_185 : memref<1x!tpu.dma_semaphore, #tpu.memory_space<semaphore_mem>> -> memref<!tpu.dma_semaphore, #tpu.memory_space<semaphore_mem>>
          %dma_start3A_187 = arith.constant 0 : i32
          %dma_start3A_188 = tpu.memref_slice %arg14[%dma_start3A_178, %dma_start3A_179, %dma_start3A_187] : memref<2x11x2000xf32, #tpu.memory_space<vmem>> -> memref<1x1x2000xf32, #tpu.memory_space<vmem>>
          %dma_start3A_189 = tpu.memref_squeeze %dma_start3A_188 : memref<1x1x2000xf32, #tpu.memory_space<vmem>> -> memref<2000xf32, #tpu.memory_space<vmem>>
          %dma_start3A_190 = tpu.memref_slice %arg9[%mul3A_87] : memref<1000000xf32, #tpu.memory_space<hbm>> -> memref<2000xf32, #tpu.memory_space<hbm>>
          tpu.enqueue_dma source(%dma_start3A_190 : memref<2000xf32, #tpu.memory_space<hbm>>) target(%dma_start3A_189 : memref<2000xf32, #tpu.memory_space<vmem>>) target_semaphore(%dma_start3A_186 : memref<!tpu.dma_semaphore, #tpu.memory_space<semaphore_mem>>)
          %dma_start3A_191 = arith.constant 0 : i32
          %dma_start3A_192 = arith.constant 8 : i32
          %dma_start3A_193 = arith.constant 0 : i32
          %dma_start3A_194 = arith.constant 0 : i32
          %dma_start3A_195 = tpu.memref_slice %arg14[%dma_start3A_191, %dma_start3A_192, %dma_start3A_194] : memref<2x11x2000xf32, #tpu.memory_space<vmem>> -> memref<1x1x2000xf32, #tpu.memory_space<vmem>>
          %dma_start3A_196 = tpu.memref_squeeze %dma_start3A_195 : memref<1x1x2000xf32, #tpu.memory_space<vmem>> -> memref<2000xf32, #tpu.memory_space<vmem>>
          %dma_start3A_197 = tpu.memref_slice %arg10[%mul3A_87] : memref<1000000xf32, #tpu.memory_space<hbm>> -> memref<2000xf32, #tpu.memory_space<hbm>>
          %dma_start3A_198 = tpu.memref_slice %arg16[%dma_start3A_193] : memref<2x!tpu.dma_semaphore, #tpu.memory_space<semaphore_mem>> -> memref<1x!tpu.dma_semaphore, #tpu.memory_space<semaphore_mem>>
          %dma_start3A_199 = tpu.memref_squeeze %dma_start3A_198 : memref<1x!tpu.dma_semaphore, #tpu.memory_space<semaphore_mem>> -> memref<!tpu.dma_semaphore, #tpu.memory_space<semaphore_mem>>
          %dma_start3A_200 = arith.constant 0 : i32
          %dma_start3A_201 = tpu.memref_slice %arg14[%dma_start3A_191, %dma_start3A_192, %dma_start3A_200] : memref<2x11x2000xf32, #tpu.memory_space<vmem>> -> memref<1x1x2000xf32, #tpu.memory_space<vmem>>
          %dma_start3A_202 = tpu.memref_squeeze %dma_start3A_201 : memref<1x1x2000xf32, #tpu.memory_space<vmem>> -> memref<2000xf32, #tpu.memory_space<vmem>>
          %dma_start3A_203 = tpu.memref_slice %arg10[%mul3A_87] : memref<1000000xf32, #tpu.memory_space<hbm>> -> memref<2000xf32, #tpu.memory_space<hbm>>
          tpu.enqueue_dma source(%dma_start3A_203 : memref<2000xf32, #tpu.memory_space<hbm>>) target(%dma_start3A_202 : memref<2000xf32, #tpu.memory_space<vmem>>) target_semaphore(%dma_start3A_199 : memref<!tpu.dma_semaphore, #tpu.memory_space<semaphore_mem>>)
          %dma_start3A_204 = arith.constant 0 : i32
          %dma_start3A_205 = arith.constant 9 : i32
          %dma_start3A_206 = arith.constant 0 : i32
          %dma_start3A_207 = arith.constant 0 : i32
          %dma_start3A_208 = tpu.memref_slice %arg14[%dma_start3A_204, %dma_start3A_205, %dma_start3A_207] : memref<2x11x2000xf32, #tpu.memory_space<vmem>> -> memref<1x1x2000xf32, #tpu.memory_space<vmem>>
          %dma_start3A_209 = tpu.memref_squeeze %dma_start3A_208 : memref<1x1x2000xf32, #tpu.memory_space<vmem>> -> memref<2000xf32, #tpu.memory_space<vmem>>
          %dma_start3A_210 = tpu.memref_slice %arg11[%mul3A_87] : memref<1000000xf32, #tpu.memory_space<hbm>> -> memref<2000xf32, #tpu.memory_space<hbm>>
          %dma_start3A_211 = tpu.memref_slice %arg16[%dma_start3A_206] : memref<2x!tpu.dma_semaphore, #tpu.memory_space<semaphore_mem>> -> memref<1x!tpu.dma_semaphore, #tpu.memory_space<semaphore_mem>>
          %dma_start3A_212 = tpu.memref_squeeze %dma_start3A_211 : memref<1x!tpu.dma_semaphore, #tpu.memory_space<semaphore_mem>> -> memref<!tpu.dma_semaphore, #tpu.memory_space<semaphore_mem>>
          %dma_start3A_213 = arith.constant 0 : i32
          %dma_start3A_214 = tpu.memref_slice %arg14[%dma_start3A_204, %dma_start3A_205, %dma_start3A_213] : memref<2x11x2000xf32, #tpu.memory_space<vmem>> -> memref<1x1x2000xf32, #tpu.memory_space<vmem>>
          %dma_start3A_215 = tpu.memref_squeeze %dma_start3A_214 : memref<1x1x2000xf32, #tpu.memory_space<vmem>> -> memref<2000xf32, #tpu.memory_space<vmem>>
          %dma_start3A_216 = tpu.memref_slice %arg11[%mul3A_87] : memref<1000000xf32, #tpu.memory_space<hbm>> -> memref<2000xf32, #tpu.memory_space<hbm>>
          tpu.enqueue_dma source(%dma_start3A_216 : memref<2000xf32, #tpu.memory_space<hbm>>) target(%dma_start3A_215 : memref<2000xf32, #tpu.memory_space<vmem>>) target_semaphore(%dma_start3A_212 : memref<!tpu.dma_semaphore, #tpu.memory_space<semaphore_mem>>)
          %dma_start3A_217 = arith.constant 0 : i32
          %dma_start3A_218 = arith.constant 10 : i32
          %dma_start3A_219 = arith.constant 0 : i32
          %dma_start3A_220 = arith.constant 0 : i32
          %dma_start3A_221 = tpu.memref_slice %arg14[%dma_start3A_217, %dma_start3A_218, %dma_start3A_220] : memref<2x11x2000xf32, #tpu.memory_space<vmem>> -> memref<1x1x2000xf32, #tpu.memory_space<vmem>>
          %dma_start3A_222 = tpu.memref_squeeze %dma_start3A_221 : memref<1x1x2000xf32, #tpu.memory_space<vmem>> -> memref<2000xf32, #tpu.memory_space<vmem>>
          %dma_start3A_223 = tpu.memref_slice %arg12[%mul3A_87] : memref<1000000xf32, #tpu.memory_space<hbm>> -> memref<2000xf32, #tpu.memory_space<hbm>>
          %dma_start3A_224 = tpu.memref_slice %arg16[%dma_start3A_219] : memref<2x!tpu.dma_semaphore, #tpu.memory_space<semaphore_mem>> -> memref<1x!tpu.dma_semaphore, #tpu.memory_space<semaphore_mem>>
          %dma_start3A_225 = tpu.memref_squeeze %dma_start3A_224 : memref<1x!tpu.dma_semaphore, #tpu.memory_space<semaphore_mem>> -> memref<!tpu.dma_semaphore, #tpu.memory_space<semaphore_mem>>
          %dma_start3A_226 = arith.constant 0 : i32
          %dma_start3A_227 = tpu.memref_slice %arg14[%dma_start3A_217, %dma_start3A_218, %dma_start3A_226] : memref<2x11x2000xf32, #tpu.memory_space<vmem>> -> memref<1x1x2000xf32, #tpu.memory_space<vmem>>
          %dma_start3A_228 = tpu.memref_squeeze %dma_start3A_227 : memref<1x1x2000xf32, #tpu.memory_space<vmem>> -> memref<2000xf32, #tpu.memory_space<vmem>>
          %dma_start3A_229 = tpu.memref_slice %arg12[%mul3A_87] : memref<1000000xf32, #tpu.memory_space<hbm>> -> memref<2000xf32, #tpu.memory_space<hbm>>
          tpu.enqueue_dma source(%dma_start3A_229 : memref<2000xf32, #tpu.memory_space<hbm>>) target(%dma_start3A_228 : memref<2000xf32, #tpu.memory_space<vmem>>) target_semaphore(%dma_start3A_225 : memref<!tpu.dma_semaphore, #tpu.memory_space<semaphore_mem>>)
        } else {
        }
      } else {
      }
      %eq3A_66 = arith.constant 0 : i32
      %eq3A_67 = arith.cmpi eq, %scan3A_36, %eq3A_66 : i32
      %lt3A_68 = arith.constant 500 : i32
      %lt3A_69 = arith.cmpi slt, %add3A_49, %lt3A_68 : i32
      %convert_element_type3A_70 = arith.extui %lt3A_69 : i1 to i32
      %cond3A_71 = arith.constant 0 : i32
      %cond3A_72 = arith.cmpi ne, %convert_element_type3A_70, %cond3A_71 : i32
      scf.if %cond3A_72 {
        %mul3A_74 = arith.constant 2000 : i32
        %mul3A_75 = arith.muli %add3A_49, %mul3A_74 : i32
        %dma_wait3A_76 = arith.constant 1 : i32
        %dma_wait3A_77 = arith.constant 0 : i32
        %dma_wait3A_78 = arith.constant 1 : i32
        %dma_wait3A_79 = arith.constant 0 : i32
        %dma_wait3A_80 = tpu.memref_slice %arg14[%dma_wait3A_76, %dma_wait3A_77, %dma_wait3A_79] : memref<2x11x2000xf32, #tpu.memory_space<vmem>> -> memref<1x1x2000xf32, #tpu.memory_space<vmem>>
        %dma_wait3A_81 = tpu.memref_squeeze %dma_wait3A_80 : memref<1x1x2000xf32, #tpu.memory_space<vmem>> -> memref<2000xf32, #tpu.memory_space<vmem>>
        %dma_wait3A_82 = tpu.memref_slice %arg2[%mul3A_75] : memref<1000000xf32, #tpu.memory_space<hbm>> -> memref<2000xf32, #tpu.memory_space<hbm>>
        %dma_wait3A_83 = tpu.memref_slice %arg16[%dma_wait3A_78] : memref<2x!tpu.dma_semaphore, #tpu.memory_space<semaphore_mem>> -> memref<1x!tpu.dma_semaphore, #tpu.memory_space<semaphore_mem>>
        %dma_wait3A_84 = tpu.memref_squeeze %dma_wait3A_83 : memref<1x!tpu.dma_semaphore, #tpu.memory_space<semaphore_mem>> -> memref<!tpu.dma_semaphore, #tpu.memory_space<semaphore_mem>>
        %dma_wait3A_85 = arith.constant 0 : i32
        %dma_wait3A_86 = tpu.memref_slice %arg14[%dma_wait3A_76, %dma_wait3A_77, %dma_wait3A_85] : memref<2x11x2000xf32, #tpu.memory_space<vmem>> -> memref<1x1x2000xf32, #tpu.memory_space<vmem>>
        %dma_wait3A_87 = tpu.memref_squeeze %dma_wait3A_86 : memref<1x1x2000xf32, #tpu.memory_space<vmem>> -> memref<2000xf32, #tpu.memory_space<vmem>>
        %dma_wait3A_88 = tpu.memref_slice %arg2[%mul3A_75] : memref<1000000xf32, #tpu.memory_space<hbm>> -> memref<2000xf32, #tpu.memory_space<hbm>>
        tpu.wait_dma2 semaphore(%dma_wait3A_84 : memref<!tpu.dma_semaphore, #tpu.memory_space<semaphore_mem>>) src(%dma_wait3A_88 : memref<2000xf32, #tpu.memory_space<hbm>>) dst(%dma_wait3A_87 : memref<2000xf32, #tpu.memory_space<vmem>>)
        %dma_wait3A_89 = arith.constant 1 : i32
        %dma_wait3A_90 = arith.constant 1 : i32
        %dma_wait3A_91 = arith.constant 1 : i32
        %dma_wait3A_92 = arith.constant 0 : i32
        %dma_wait3A_93 = tpu.memref_slice %arg14[%dma_wait3A_89, %dma_wait3A_90, %dma_wait3A_92] : memref<2x11x2000xf32, #tpu.memory_space<vmem>> -> memref<1x1x2000xf32, #tpu.memory_space<vmem>>
        %dma_wait3A_94 = tpu.memref_squeeze %dma_wait3A_93 : memref<1x1x2000xf32, #tpu.memory_space<vmem>> -> memref<2000xf32, #tpu.memory_space<vmem>>
        %dma_wait3A_95 = tpu.memref_slice %arg3[%mul3A_75] : memref<1000000xf32, #tpu.memory_space<hbm>> -> memref<2000xf32, #tpu.memory_space<hbm>>
        %dma_wait3A_96 = tpu.memref_slice %arg16[%dma_wait3A_91] : memref<2x!tpu.dma_semaphore, #tpu.memory_space<semaphore_mem>> -> memref<1x!tpu.dma_semaphore, #tpu.memory_space<semaphore_mem>>
        %dma_wait3A_97 = tpu.memref_squeeze %dma_wait3A_96 : memref<1x!tpu.dma_semaphore, #tpu.memory_space<semaphore_mem>> -> memref<!tpu.dma_semaphore, #tpu.memory_space<semaphore_mem>>
        %dma_wait3A_98 = arith.constant 0 : i32
        %dma_wait3A_99 = tpu.memref_slice %arg14[%dma_wait3A_89, %dma_wait3A_90, %dma_wait3A_98] : memref<2x11x2000xf32, #tpu.memory_space<vmem>> -> memref<1x1x2000xf32, #tpu.memory_space<vmem>>
        %dma_wait3A_100 = tpu.memref_squeeze %dma_wait3A_99 : memref<1x1x2000xf32, #tpu.memory_space<vmem>> -> memref<2000xf32, #tpu.memory_space<vmem>>
        %dma_wait3A_101 = tpu.memref_slice %arg3[%mul3A_75] : memref<1000000xf32, #tpu.memory_space<hbm>> -> memref<2000xf32, #tpu.memory_space<hbm>>
        tpu.wait_dma2 semaphore(%dma_wait3A_97 : memref<!tpu.dma_semaphore, #tpu.memory_space<semaphore_mem>>) src(%dma_wait3A_101 : memref<2000xf32, #tpu.memory_space<hbm>>) dst(%dma_wait3A_100 : memref<2000xf32, #tpu.memory_space<vmem>>)
        %dma_wait3A_102 = arith.constant 1 : i32
        %dma_wait3A_103 = arith.constant 2 : i32
        %dma_wait3A_104 = arith.constant 1 : i32
        %dma_wait3A_105 = arith.constant 0 : i32
        %dma_wait3A_106 = tpu.memref_slice %arg14[%dma_wait3A_102, %dma_wait3A_103, %dma_wait3A_105] : memref<2x11x2000xf32, #tpu.memory_space<vmem>> -> memref<1x1x2000xf32, #tpu.memory_space<vmem>>
        %dma_wait3A_107 = tpu.memref_squeeze %dma_wait3A_106 : memref<1x1x2000xf32, #tpu.memory_space<vmem>> -> memref<2000xf32, #tpu.memory_space<vmem>>
        %dma_wait3A_108 = tpu.memref_slice %arg4[%mul3A_75] : memref<1000000xf32, #tpu.memory_space<hbm>> -> memref<2000xf32, #tpu.memory_space<hbm>>
        %dma_wait3A_109 = tpu.memref_slice %arg16[%dma_wait3A_104] : memref<2x!tpu.dma_semaphore, #tpu.memory_space<semaphore_mem>> -> memref<1x!tpu.dma_semaphore, #tpu.memory_space<semaphore_mem>>
        %dma_wait3A_110 = tpu.memref_squeeze %dma_wait3A_109 : memref<1x!tpu.dma_semaphore, #tpu.memory_space<semaphore_mem>> -> memref<!tpu.dma_semaphore, #tpu.memory_space<semaphore_mem>>
        %dma_wait3A_111 = arith.constant 0 : i32
        %dma_wait3A_112 = tpu.memref_slice %arg14[%dma_wait3A_102, %dma_wait3A_103, %dma_wait3A_111] : memref<2x11x2000xf32, #tpu.memory_space<vmem>> -> memref<1x1x2000xf32, #tpu.memory_space<vmem>>
        %dma_wait3A_113 = tpu.memref_squeeze %dma_wait3A_112 : memref<1x1x2000xf32, #tpu.memory_space<vmem>> -> memref<2000xf32, #tpu.memory_space<vmem>>
        %dma_wait3A_114 = tpu.memref_slice %arg4[%mul3A_75] : memref<1000000xf32, #tpu.memory_space<hbm>> -> memref<2000xf32, #tpu.memory_space<hbm>>
        tpu.wait_dma2 semaphore(%dma_wait3A_110 : memref<!tpu.dma_semaphore, #tpu.memory_space<semaphore_mem>>) src(%dma_wait3A_114 : memref<2000xf32, #tpu.memory_space<hbm>>) dst(%dma_wait3A_113 : memref<2000xf32, #tpu.memory_space<vmem>>)
        %dma_wait3A_115 = arith.constant 1 : i32
        %dma_wait3A_116 = arith.constant 3 : i32
        %dma_wait3A_117 = arith.constant 1 : i32
        %dma_wait3A_118 = arith.constant 0 : i32
        %dma_wait3A_119 = tpu.memref_slice %arg14[%dma_wait3A_115, %dma_wait3A_116, %dma_wait3A_118] : memref<2x11x2000xf32, #tpu.memory_space<vmem>> -> memref<1x1x2000xf32, #tpu.memory_space<vmem>>
        %dma_wait3A_120 = tpu.memref_squeeze %dma_wait3A_119 : memref<1x1x2000xf32, #tpu.memory_space<vmem>> -> memref<2000xf32, #tpu.memory_space<vmem>>
        %dma_wait3A_121 = tpu.memref_slice %arg5[%mul3A_75] : memref<1000000xf32, #tpu.memory_space<hbm>> -> memref<2000xf32, #tpu.memory_space<hbm>>
        %dma_wait3A_122 = tpu.memref_slice %arg16[%dma_wait3A_117] : memref<2x!tpu.dma_semaphore, #tpu.memory_space<semaphore_mem>> -> memref<1x!tpu.dma_semaphore, #tpu.memory_space<semaphore_mem>>
        %dma_wait3A_123 = tpu.memref_squeeze %dma_wait3A_122 : memref<1x!tpu.dma_semaphore, #tpu.memory_space<semaphore_mem>> -> memref<!tpu.dma_semaphore, #tpu.memory_space<semaphore_mem>>
        %dma_wait3A_124 = arith.constant 0 : i32
        %dma_wait3A_125 = tpu.memref_slice %arg14[%dma_wait3A_115, %dma_wait3A_116, %dma_wait3A_124] : memref<2x11x2000xf32, #tpu.memory_space<vmem>> -> memref<1x1x2000xf32, #tpu.memory_space<vmem>>
        %dma_wait3A_126 = tpu.memref_squeeze %dma_wait3A_125 : memref<1x1x2000xf32, #tpu.memory_space<vmem>> -> memref<2000xf32, #tpu.memory_space<vmem>>
        %dma_wait3A_127 = tpu.memref_slice %arg5[%mul3A_75] : memref<1000000xf32, #tpu.memory_space<hbm>> -> memref<2000xf32, #tpu.memory_space<hbm>>
        tpu.wait_dma2 semaphore(%dma_wait3A_123 : memref<!tpu.dma_semaphore, #tpu.memory_space<semaphore_mem>>) src(%dma_wait3A_127 : memref<2000xf32, #tpu.memory_space<hbm>>) dst(%dma_wait3A_126 : memref<2000xf32, #tpu.memory_space<vmem>>)
        %dma_wait3A_128 = arith.constant 1 : i32
        %dma_wait3A_129 = arith.constant 4 : i32
        %dma_wait3A_130 = arith.constant 1 : i32
        %dma_wait3A_131 = arith.constant 0 : i32
        %dma_wait3A_132 = tpu.memref_slice %arg14[%dma_wait3A_128, %dma_wait3A_129, %dma_wait3A_131] : memref<2x11x2000xf32, #tpu.memory_space<vmem>> -> memref<1x1x2000xf32, #tpu.memory_space<vmem>>
        %dma_wait3A_133 = tpu.memref_squeeze %dma_wait3A_132 : memref<1x1x2000xf32, #tpu.memory_space<vmem>> -> memref<2000xf32, #tpu.memory_space<vmem>>
        %dma_wait3A_134 = tpu.memref_slice %arg6[%mul3A_75] : memref<1000000xf32, #tpu.memory_space<hbm>> -> memref<2000xf32, #tpu.memory_space<hbm>>
        %dma_wait3A_135 = tpu.memref_slice %arg16[%dma_wait3A_130] : memref<2x!tpu.dma_semaphore, #tpu.memory_space<semaphore_mem>> -> memref<1x!tpu.dma_semaphore, #tpu.memory_space<semaphore_mem>>
        %dma_wait3A_136 = tpu.memref_squeeze %dma_wait3A_135 : memref<1x!tpu.dma_semaphore, #tpu.memory_space<semaphore_mem>> -> memref<!tpu.dma_semaphore, #tpu.memory_space<semaphore_mem>>
        %dma_wait3A_137 = arith.constant 0 : i32
        %dma_wait3A_138 = tpu.memref_slice %arg14[%dma_wait3A_128, %dma_wait3A_129, %dma_wait3A_137] : memref<2x11x2000xf32, #tpu.memory_space<vmem>> -> memref<1x1x2000xf32, #tpu.memory_space<vmem>>
        %dma_wait3A_139 = tpu.memref_squeeze %dma_wait3A_138 : memref<1x1x2000xf32, #tpu.memory_space<vmem>> -> memref<2000xf32, #tpu.memory_space<vmem>>
        %dma_wait3A_140 = tpu.memref_slice %arg6[%mul3A_75] : memref<1000000xf32, #tpu.memory_space<hbm>> -> memref<2000xf32, #tpu.memory_space<hbm>>
        tpu.wait_dma2 semaphore(%dma_wait3A_136 : memref<!tpu.dma_semaphore, #tpu.memory_space<semaphore_mem>>) src(%dma_wait3A_140 : memref<2000xf32, #tpu.memory_space<hbm>>) dst(%dma_wait3A_139 : memref<2000xf32, #tpu.memory_space<vmem>>)
        %dma_wait3A_141 = arith.constant 1 : i32
        %dma_wait3A_142 = arith.constant 5 : i32
        %dma_wait3A_143 = arith.constant 1 : i32
        %dma_wait3A_144 = arith.constant 0 : i32
        %dma_wait3A_145 = tpu.memref_slice %arg14[%dma_wait3A_141, %dma_wait3A_142, %dma_wait3A_144] : memref<2x11x2000xf32, #tpu.memory_space<vmem>> -> memref<1x1x2000xf32, #tpu.memory_space<vmem>>
        %dma_wait3A_146 = tpu.memref_squeeze %dma_wait3A_145 : memref<1x1x2000xf32, #tpu.memory_space<vmem>> -> memref<2000xf32, #tpu.memory_space<vmem>>
        %dma_wait3A_147 = tpu.memref_slice %arg7[%mul3A_75] : memref<1000000xf32, #tpu.memory_space<hbm>> -> memref<2000xf32, #tpu.memory_space<hbm>>
        %dma_wait3A_148 = tpu.memref_slice %arg16[%dma_wait3A_143] : memref<2x!tpu.dma_semaphore, #tpu.memory_space<semaphore_mem>> -> memref<1x!tpu.dma_semaphore, #tpu.memory_space<semaphore_mem>>
        %dma_wait3A_149 = tpu.memref_squeeze %dma_wait3A_148 : memref<1x!tpu.dma_semaphore, #tpu.memory_space<semaphore_mem>> -> memref<!tpu.dma_semaphore, #tpu.memory_space<semaphore_mem>>
        %dma_wait3A_150 = arith.constant 0 : i32
        %dma_wait3A_151 = tpu.memref_slice %arg14[%dma_wait3A_141, %dma_wait3A_142, %dma_wait3A_150] : memref<2x11x2000xf32, #tpu.memory_space<vmem>> -> memref<1x1x2000xf32, #tpu.memory_space<vmem>>
        %dma_wait3A_152 = tpu.memref_squeeze %dma_wait3A_151 : memref<1x1x2000xf32, #tpu.memory_space<vmem>> -> memref<2000xf32, #tpu.memory_space<vmem>>
        %dma_wait3A_153 = tpu.memref_slice %arg7[%mul3A_75] : memref<1000000xf32, #tpu.memory_space<hbm>> -> memref<2000xf32, #tpu.memory_space<hbm>>
        tpu.wait_dma2 semaphore(%dma_wait3A_149 : memref<!tpu.dma_semaphore, #tpu.memory_space<semaphore_mem>>) src(%dma_wait3A_153 : memref<2000xf32, #tpu.memory_space<hbm>>) dst(%dma_wait3A_152 : memref<2000xf32, #tpu.memory_space<vmem>>)
        %dma_wait3A_154 = arith.constant 1 : i32
        %dma_wait3A_155 = arith.constant 6 : i32
        %dma_wait3A_156 = arith.constant 1 : i32
        %dma_wait3A_157 = arith.constant 0 : i32
        %dma_wait3A_158 = tpu.memref_slice %arg14[%dma_wait3A_154, %dma_wait3A_155, %dma_wait3A_157] : memref<2x11x2000xf32, #tpu.memory_space<vmem>> -> memref<1x1x2000xf32, #tpu.memory_space<vmem>>
        %dma_wait3A_159 = tpu.memref_squeeze %dma_wait3A_158 : memref<1x1x2000xf32, #tpu.memory_space<vmem>> -> memref<2000xf32, #tpu.memory_space<vmem>>
        %dma_wait3A_160 = tpu.memref_slice %arg8[%mul3A_75] : memref<1000000xf32, #tpu.memory_space<hbm>> -> memref<2000xf32, #tpu.memory_space<hbm>>
        %dma_wait3A_161 = tpu.memref_slice %arg16[%dma_wait3A_156] : memref<2x!tpu.dma_semaphore, #tpu.memory_space<semaphore_mem>> -> memref<1x!tpu.dma_semaphore, #tpu.memory_space<semaphore_mem>>
        %dma_wait3A_162 = tpu.memref_squeeze %dma_wait3A_161 : memref<1x!tpu.dma_semaphore, #tpu.memory_space<semaphore_mem>> -> memref<!tpu.dma_semaphore, #tpu.memory_space<semaphore_mem>>
        %dma_wait3A_163 = arith.constant 0 : i32
        %dma_wait3A_164 = tpu.memref_slice %arg14[%dma_wait3A_154, %dma_wait3A_155, %dma_wait3A_163] : memref<2x11x2000xf32, #tpu.memory_space<vmem>> -> memref<1x1x2000xf32, #tpu.memory_space<vmem>>
        %dma_wait3A_165 = tpu.memref_squeeze %dma_wait3A_164 : memref<1x1x2000xf32, #tpu.memory_space<vmem>> -> memref<2000xf32, #tpu.memory_space<vmem>>
        %dma_wait3A_166 = tpu.memref_slice %arg8[%mul3A_75] : memref<1000000xf32, #tpu.memory_space<hbm>> -> memref<2000xf32, #tpu.memory_space<hbm>>
        tpu.wait_dma2 semaphore(%dma_wait3A_162 : memref<!tpu.dma_semaphore, #tpu.memory_space<semaphore_mem>>) src(%dma_wait3A_166 : memref<2000xf32, #tpu.memory_space<hbm>>) dst(%dma_wait3A_165 : memref<2000xf32, #tpu.memory_space<vmem>>)
        %dma_wait3A_167 = arith.constant 1 : i32
        %dma_wait3A_168 = arith.constant 7 : i32
        %dma_wait3A_169 = arith.constant 1 : i32
        %dma_wait3A_170 = arith.constant 0 : i32
        %dma_wait3A_171 = tpu.memref_slice %arg14[%dma_wait3A_167, %dma_wait3A_168, %dma_wait3A_170] : memref<2x11x2000xf32, #tpu.memory_space<vmem>> -> memref<1x1x2000xf32, #tpu.memory_space<vmem>>
        %dma_wait3A_172 = tpu.memref_squeeze %dma_wait3A_171 : memref<1x1x2000xf32, #tpu.memory_space<vmem>> -> memref<2000xf32, #tpu.memory_space<vmem>>
        %dma_wait3A_173 = tpu.memref_slice %arg9[%mul3A_75] : memref<1000000xf32, #tpu.memory_space<hbm>> -> memref<2000xf32, #tpu.memory_space<hbm>>
        %dma_wait3A_174 = tpu.memref_slice %arg16[%dma_wait3A_169] : memref<2x!tpu.dma_semaphore, #tpu.memory_space<semaphore_mem>> -> memref<1x!tpu.dma_semaphore, #tpu.memory_space<semaphore_mem>>
        %dma_wait3A_175 = tpu.memref_squeeze %dma_wait3A_174 : memref<1x!tpu.dma_semaphore, #tpu.memory_space<semaphore_mem>> -> memref<!tpu.dma_semaphore, #tpu.memory_space<semaphore_mem>>
        %dma_wait3A_176 = arith.constant 0 : i32
        %dma_wait3A_177 = tpu.memref_slice %arg14[%dma_wait3A_167, %dma_wait3A_168, %dma_wait3A_176] : memref<2x11x2000xf32, #tpu.memory_space<vmem>> -> memref<1x1x2000xf32, #tpu.memory_space<vmem>>
        %dma_wait3A_178 = tpu.memref_squeeze %dma_wait3A_177 : memref<1x1x2000xf32, #tpu.memory_space<vmem>> -> memref<2000xf32, #tpu.memory_space<vmem>>
        %dma_wait3A_179 = tpu.memref_slice %arg9[%mul3A_75] : memref<1000000xf32, #tpu.memory_space<hbm>> -> memref<2000xf32, #tpu.memory_space<hbm>>
        tpu.wait_dma2 semaphore(%dma_wait3A_175 : memref<!tpu.dma_semaphore, #tpu.memory_space<semaphore_mem>>) src(%dma_wait3A_179 : memref<2000xf32, #tpu.memory_space<hbm>>) dst(%dma_wait3A_178 : memref<2000xf32, #tpu.memory_space<vmem>>)
        %dma_wait3A_180 = arith.constant 1 : i32
        %dma_wait3A_181 = arith.constant 8 : i32
        %dma_wait3A_182 = arith.constant 1 : i32
        %dma_wait3A_183 = arith.constant 0 : i32
        %dma_wait3A_184 = tpu.memref_slice %arg14[%dma_wait3A_180, %dma_wait3A_181, %dma_wait3A_183] : memref<2x11x2000xf32, #tpu.memory_space<vmem>> -> memref<1x1x2000xf32, #tpu.memory_space<vmem>>
        %dma_wait3A_185 = tpu.memref_squeeze %dma_wait3A_184 : memref<1x1x2000xf32, #tpu.memory_space<vmem>> -> memref<2000xf32, #tpu.memory_space<vmem>>
        %dma_wait3A_186 = tpu.memref_slice %arg10[%mul3A_75] : memref<1000000xf32, #tpu.memory_space<hbm>> -> memref<2000xf32, #tpu.memory_space<hbm>>
        %dma_wait3A_187 = tpu.memref_slice %arg16[%dma_wait3A_182] : memref<2x!tpu.dma_semaphore, #tpu.memory_space<semaphore_mem>> -> memref<1x!tpu.dma_semaphore, #tpu.memory_space<semaphore_mem>>
        %dma_wait3A_188 = tpu.memref_squeeze %dma_wait3A_187 : memref<1x!tpu.dma_semaphore, #tpu.memory_space<semaphore_mem>> -> memref<!tpu.dma_semaphore, #tpu.memory_space<semaphore_mem>>
        %dma_wait3A_189 = arith.constant 0 : i32
        %dma_wait3A_190 = tpu.memref_slice %arg14[%dma_wait3A_180, %dma_wait3A_181, %dma_wait3A_189] : memref<2x11x2000xf32, #tpu.memory_space<vmem>> -> memref<1x1x2000xf32, #tpu.memory_space<vmem>>
        %dma_wait3A_191 = tpu.memref_squeeze %dma_wait3A_190 : memref<1x1x2000xf32, #tpu.memory_space<vmem>> -> memref<2000xf32, #tpu.memory_space<vmem>>
        %dma_wait3A_192 = tpu.memref_slice %arg10[%mul3A_75] : memref<1000000xf32, #tpu.memory_space<hbm>> -> memref<2000xf32, #tpu.memory_space<hbm>>
        tpu.wait_dma2 semaphore(%dma_wait3A_188 : memref<!tpu.dma_semaphore, #tpu.memory_space<semaphore_mem>>) src(%dma_wait3A_192 : memref<2000xf32, #tpu.memory_space<hbm>>) dst(%dma_wait3A_191 : memref<2000xf32, #tpu.memory_space<vmem>>)
        %dma_wait3A_193 = arith.constant 1 : i32
        %dma_wait3A_194 = arith.constant 9 : i32
        %dma_wait3A_195 = arith.constant 1 : i32
        %dma_wait3A_196 = arith.constant 0 : i32
        %dma_wait3A_197 = tpu.memref_slice %arg14[%dma_wait3A_193, %dma_wait3A_194, %dma_wait3A_196] : memref<2x11x2000xf32, #tpu.memory_space<vmem>> -> memref<1x1x2000xf32, #tpu.memory_space<vmem>>
        %dma_wait3A_198 = tpu.memref_squeeze %dma_wait3A_197 : memref<1x1x2000xf32, #tpu.memory_space<vmem>> -> memref<2000xf32, #tpu.memory_space<vmem>>
        %dma_wait3A_199 = tpu.memref_slice %arg11[%mul3A_75] : memref<1000000xf32, #tpu.memory_space<hbm>> -> memref<2000xf32, #tpu.memory_space<hbm>>
        %dma_wait3A_200 = tpu.memref_slice %arg16[%dma_wait3A_195] : memref<2x!tpu.dma_semaphore, #tpu.memory_space<semaphore_mem>> -> memref<1x!tpu.dma_semaphore, #tpu.memory_space<semaphore_mem>>
        %dma_wait3A_201 = tpu.memref_squeeze %dma_wait3A_200 : memref<1x!tpu.dma_semaphore, #tpu.memory_space<semaphore_mem>> -> memref<!tpu.dma_semaphore, #tpu.memory_space<semaphore_mem>>
        %dma_wait3A_202 = arith.constant 0 : i32
        %dma_wait3A_203 = tpu.memref_slice %arg14[%dma_wait3A_193, %dma_wait3A_194, %dma_wait3A_202] : memref<2x11x2000xf32, #tpu.memory_space<vmem>> -> memref<1x1x2000xf32, #tpu.memory_space<vmem>>
        %dma_wait3A_204 = tpu.memref_squeeze %dma_wait3A_203 : memref<1x1x2000xf32, #tpu.memory_space<vmem>> -> memref<2000xf32, #tpu.memory_space<vmem>>
        %dma_wait3A_205 = tpu.memref_slice %arg11[%mul3A_75] : memref<1000000xf32, #tpu.memory_space<hbm>> -> memref<2000xf32, #tpu.memory_space<hbm>>
        tpu.wait_dma2 semaphore(%dma_wait3A_201 : memref<!tpu.dma_semaphore, #tpu.memory_space<semaphore_mem>>) src(%dma_wait3A_205 : memref<2000xf32, #tpu.memory_space<hbm>>) dst(%dma_wait3A_204 : memref<2000xf32, #tpu.memory_space<vmem>>)
        %dma_wait3A_206 = arith.constant 1 : i32
        %dma_wait3A_207 = arith.constant 10 : i32
        %dma_wait3A_208 = arith.constant 1 : i32
        %dma_wait3A_209 = arith.constant 0 : i32
        %dma_wait3A_210 = tpu.memref_slice %arg14[%dma_wait3A_206, %dma_wait3A_207, %dma_wait3A_209] : memref<2x11x2000xf32, #tpu.memory_space<vmem>> -> memref<1x1x2000xf32, #tpu.memory_space<vmem>>
        %dma_wait3A_211 = tpu.memref_squeeze %dma_wait3A_210 : memref<1x1x2000xf32, #tpu.memory_space<vmem>> -> memref<2000xf32, #tpu.memory_space<vmem>>
        %dma_wait3A_212 = tpu.memref_slice %arg12[%mul3A_75] : memref<1000000xf32, #tpu.memory_space<hbm>> -> memref<2000xf32, #tpu.memory_space<hbm>>
        %dma_wait3A_213 = tpu.memref_slice %arg16[%dma_wait3A_208] : memref<2x!tpu.dma_semaphore, #tpu.memory_space<semaphore_mem>> -> memref<1x!tpu.dma_semaphore, #tpu.memory_space<semaphore_mem>>
        %dma_wait3A_214 = tpu.memref_squeeze %dma_wait3A_213 : memref<1x!tpu.dma_semaphore, #tpu.memory_space<semaphore_mem>> -> memref<!tpu.dma_semaphore, #tpu.memory_space<semaphore_mem>>
        %dma_wait3A_215 = arith.constant 0 : i32
        %dma_wait3A_216 = tpu.memref_slice %arg14[%dma_wait3A_206, %dma_wait3A_207, %dma_wait3A_215] : memref<2x11x2000xf32, #tpu.memory_space<vmem>> -> memref<1x1x2000xf32, #tpu.memory_space<vmem>>
        %dma_wait3A_217 = tpu.memref_squeeze %dma_wait3A_216 : memref<1x1x2000xf32, #tpu.memory_space<vmem>> -> memref<2000xf32, #tpu.memory_space<vmem>>
        %dma_wait3A_218 = tpu.memref_slice %arg12[%mul3A_75] : memref<1000000xf32, #tpu.memory_space<hbm>> -> memref<2000xf32, #tpu.memory_space<hbm>>
        tpu.wait_dma2 semaphore(%dma_wait3A_214 : memref<!tpu.dma_semaphore, #tpu.memory_space<semaphore_mem>>) src(%dma_wait3A_218 : memref<2000xf32, #tpu.memory_space<hbm>>) dst(%dma_wait3A_217 : memref<2000xf32, #tpu.memory_space<vmem>>)
        %not3A = arith.constant true
        %not3A_219 = arith.xori %eq3A_67, %not3A : i1
        %convert_element_type3A_220 = arith.extui %not3A_219 : i1 to i32
        %cond3A_221 = arith.constant 0 : i32
        %cond3A_222 = arith.cmpi ne, %convert_element_type3A_220, %cond3A_221 : i32
        scf.if %cond3A_222 {
          %dma_wait3A_243 = arith.constant 1 : i32
          %dma_wait3A_244 = arith.constant 1 : i32
          %dma_wait3A_245 = arith.constant 0 : i32
          %dma_wait3A_246 = tpu.memref_slice %arg15[%dma_wait3A_243, %dma_wait3A_245] : memref<2x32000xf32, #tpu.memory_space<vmem>> -> memref<1x32000xf32, #tpu.memory_space<vmem>>
          %dma_wait3A_247 = tpu.memref_squeeze %dma_wait3A_246 : memref<1x32000xf32, #tpu.memory_space<vmem>> -> memref<32000xf32, #tpu.memory_space<vmem>>
          %dma_wait3A_248 = arith.constant 0 : i32
          %dma_wait3A_249 = tpu.memref_slice %arg13[%dma_wait3A_248] : memref<16000000xf32, #tpu.memory_space<hbm>> -> memref<32000xf32, #tpu.memory_space<hbm>>
          %dma_wait3A_250 = tpu.memref_slice %arg17[%dma_wait3A_244] : memref<2x!tpu.dma_semaphore, #tpu.memory_space<semaphore_mem>> -> memref<1x!tpu.dma_semaphore, #tpu.memory_space<semaphore_mem>>
          %dma_wait3A_251 = tpu.memref_squeeze %dma_wait3A_250 : memref<1x!tpu.dma_semaphore, #tpu.memory_space<semaphore_mem>> -> memref<!tpu.dma_semaphore, #tpu.memory_space<semaphore_mem>>
          %dma_wait3A_252 = arith.constant 0 : i32
          %dma_wait3A_253 = tpu.memref_slice %arg13[%dma_wait3A_252] : memref<16000000xf32, #tpu.memory_space<hbm>> -> memref<32000xf32, #tpu.memory_space<hbm>>
          %dma_wait3A_254 = arith.constant 0 : i32
          %dma_wait3A_255 = tpu.memref_slice %arg15[%dma_wait3A_243, %dma_wait3A_254] : memref<2x32000xf32, #tpu.memory_space<vmem>> -> memref<1x32000xf32, #tpu.memory_space<vmem>>
          %dma_wait3A_256 = tpu.memref_squeeze %dma_wait3A_255 : memref<1x32000xf32, #tpu.memory_space<vmem>> -> memref<32000xf32, #tpu.memory_space<vmem>>
          tpu.wait_dma2 semaphore(%dma_wait3A_251 : memref<!tpu.dma_semaphore, #tpu.memory_space<semaphore_mem>>) src(%dma_wait3A_256 : memref<32000xf32, #tpu.memory_space<vmem>>) dst(%dma_wait3A_253 : memref<32000xf32, #tpu.memory_space<hbm>>)
        } else {
        }
        %scan3A_223 = arith.constant 0 : i32
        %scan3A_224 = arith.constant 0 : i32
        %scan3A_225 = arith.constant 125 : i32
        %scan3A_226 = arith.addi %scan3A_224, %scan3A_225 : i32
        %scan3A_227 = arith.constant 1 : i32
        %scan3A_228 = scf.for %scan3A_243 = %scan3A_224 to %scan3A_226 step %scan3A_227 iter_args(%scan3A_244 = %scan3A_223) -> (i32)  : i32 {
          %mul3A_245 = arith.constant 16 : i32
          %mul3A_246 = arith.muli %scan3A_243, %mul3A_245 : i32
          %add3A_247 = vector.broadcast %mul3A_246 : i32 to vector<16xi32>
          %add3A_248 = arith.addi %add3A_247, %iota3A : vector<16xi32>
          %mul3A_249 = arith.constant 16 : i32
          %mul3A_250 = vector.broadcast %mul3A_249 : i32 to vector<16xi32>
          %mul3A_251 = arith.muli %add3A_248, %mul3A_250 : vector<16xi32>
          %mul3A_252 = arith.constant 16 : i32
          %mul3A_253 = arith.muli %scan3A_243, %mul3A_252 : i32
          %get3A = arith.constant 1 : i32
          %get3A_254 = arith.constant 0 : i32
          %get3A_255 = arith.index_cast %get3A : i32 to index
          %get3A_256 = arith.index_cast %get3A_254 : i32 to index
          %get3A_257 = arith.index_cast %mul3A_253 : i32 to index
          %get3A_258 = tpu.vector_load %arg14[%get3A_255, %get3A_256, %get3A_257] {strides = array<i32>} : memref<2x11x2000xf32, #tpu.memory_space<vmem>>, vector<16xf32>,
          %add3A_259 = arith.constant 0 : i32
          %add3A_260 = vector.broadcast %add3A_259 : i32 to vector<16xi32>
          %add3A_261 = arith.addi %mul3A_251, %add3A_260 : vector<16xi32>
          %scatter3A = arith.constant 1 : i32
          %scatter3A_262 = arith.constant 0 : i32
          %scatter3A_263 = tpu.memref_slice %arg15[%scatter3A, %scatter3A_262] : memref<2x32000xf32, #tpu.memory_space<vmem>> -> memref<1x32000xf32, #tpu.memory_space<vmem>>
          %scatter3A_264 = tpu.memref_squeeze %scatter3A_263 : memref<1x32000xf32, #tpu.memory_space<vmem>> -> memref<32000xf32, #tpu.memory_space<vmem>>
          tpu.vector_store_idx %scatter3A_264[%add3A_261], %get3A_258 : memref<32000xf32, #tpu.memory_space<vmem>>[vector<16xi32>], vector<16xf32>,
          %mul3A_265 = arith.constant 16 : i32
          %mul3A_266 = arith.muli %scan3A_243, %mul3A_265 : i32
          %get3A_267 = arith.constant 1 : i32
          %get3A_268 = arith.constant 1 : i32
          %get3A_269 = arith.index_cast %get3A_267 : i32 to index
          %get3A_270 = arith.index_cast %get3A_268 : i32 to index
          %get3A_271 = arith.index_cast %mul3A_266 : i32 to index
          %get3A_272 = tpu.vector_load %arg14[%get3A_269, %get3A_270, %get3A_271] {strides = array<i32>} : memref<2x11x2000xf32, #tpu.memory_space<vmem>>, vector<16xf32>,
          %add3A_273 = arith.constant 1 : i32
          %add3A_274 = vector.broadcast %add3A_273 : i32 to vector<16xi32>
          %add3A_275 = arith.addi %mul3A_251, %add3A_274 : vector<16xi32>
          %scatter3A_276 = arith.constant 1 : i32
          %scatter3A_277 = arith.constant 0 : i32
          %scatter3A_278 = tpu.memref_slice %arg15[%scatter3A_276, %scatter3A_277] : memref<2x32000xf32, #tpu.memory_space<vmem>> -> memref<1x32000xf32, #tpu.memory_space<vmem>>
          %scatter3A_279 = tpu.memref_squeeze %scatter3A_278 : memref<1x32000xf32, #tpu.memory_space<vmem>> -> memref<32000xf32, #tpu.memory_space<vmem>>
          tpu.vector_store_idx %scatter3A_279[%add3A_275], %get3A_272 : memref<32000xf32, #tpu.memory_space<vmem>>[vector<16xi32>], vector<16xf32>,
          %mul3A_280 = arith.constant 16 : i32
          %mul3A_281 = arith.muli %scan3A_243, %mul3A_280 : i32
          %get3A_282 = arith.constant 1 : i32
          %get3A_283 = arith.constant 2 : i32
          %get3A_284 = arith.index_cast %get3A_282 : i32 to index
          %get3A_285 = arith.index_cast %get3A_283 : i32 to index
          %get3A_286 = arith.index_cast %mul3A_281 : i32 to index
          %get3A_287 = tpu.vector_load %arg14[%get3A_284, %get3A_285, %get3A_286] {strides = array<i32>} : memref<2x11x2000xf32, #tpu.memory_space<vmem>>, vector<16xf32>,
          %add3A_288 = arith.constant 2 : i32
          %add3A_289 = vector.broadcast %add3A_288 : i32 to vector<16xi32>
          %add3A_290 = arith.addi %mul3A_251, %add3A_289 : vector<16xi32>
          %scatter3A_291 = arith.constant 1 : i32
          %scatter3A_292 = arith.constant 0 : i32
          %scatter3A_293 = tpu.memref_slice %arg15[%scatter3A_291, %scatter3A_292] : memref<2x32000xf32, #tpu.memory_space<vmem>> -> memref<1x32000xf32, #tpu.memory_space<vmem>>
          %scatter3A_294 = tpu.memref_squeeze %scatter3A_293 : memref<1x32000xf32, #tpu.memory_space<vmem>> -> memref<32000xf32, #tpu.memory_space<vmem>>
          tpu.vector_store_idx %scatter3A_294[%add3A_290], %get3A_287 : memref<32000xf32, #tpu.memory_space<vmem>>[vector<16xi32>], vector<16xf32>,
          %mul3A_295 = arith.constant 16 : i32
          %mul3A_296 = arith.muli %scan3A_243, %mul3A_295 : i32
          %get3A_297 = arith.constant 1 : i32
          %get3A_298 = arith.constant 3 : i32
          %get3A_299 = arith.index_cast %get3A_297 : i32 to index
          %get3A_300 = arith.index_cast %get3A_298 : i32 to index
          %get3A_301 = arith.index_cast %mul3A_296 : i32 to index
          %get3A_302 = tpu.vector_load %arg14[%get3A_299, %get3A_300, %get3A_301] {strides = array<i32>} : memref<2x11x2000xf32, #tpu.memory_space<vmem>>, vector<16xf32>,
          %add3A_303 = arith.constant 3 : i32
          %add3A_304 = vector.broadcast %add3A_303 : i32 to vector<16xi32>
          %add3A_305 = arith.addi %mul3A_251, %add3A_304 : vector<16xi32>
          %scatter3A_306 = arith.constant 1 : i32
          %scatter3A_307 = arith.constant 0 : i32
          %scatter3A_308 = tpu.memref_slice %arg15[%scatter3A_306, %scatter3A_307] : memref<2x32000xf32, #tpu.memory_space<vmem>> -> memref<1x32000xf32, #tpu.memory_space<vmem>>
          %scatter3A_309 = tpu.memref_squeeze %scatter3A_308 : memref<1x32000xf32, #tpu.memory_space<vmem>> -> memref<32000xf32, #tpu.memory_space<vmem>>
          tpu.vector_store_idx %scatter3A_309[%add3A_305], %get3A_302 : memref<32000xf32, #tpu.memory_space<vmem>>[vector<16xi32>], vector<16xf32>,
          %mul3A_310 = arith.constant 16 : i32
          %mul3A_311 = arith.muli %scan3A_243, %mul3A_310 : i32
          %get3A_312 = arith.constant 1 : i32
          %get3A_313 = arith.constant 4 : i32
          %get3A_314 = arith.index_cast %get3A_312 : i32 to index
          %get3A_315 = arith.index_cast %get3A_313 : i32 to index
          %get3A_316 = arith.index_cast %mul3A_311 : i32 to index
          %get3A_317 = tpu.vector_load %arg14[%get3A_314, %get3A_315, %get3A_316] {strides = array<i32>} : memref<2x11x2000xf32, #tpu.memory_space<vmem>>, vector<16xf32>,
          %add3A_318 = arith.constant 4 : i32
          %add3A_319 = vector.broadcast %add3A_318 : i32 to vector<16xi32>
          %add3A_320 = arith.addi %mul3A_251, %add3A_319 : vector<16xi32>
          %scatter3A_321 = arith.constant 1 : i32
          %scatter3A_322 = arith.constant 0 : i32
          %scatter3A_323 = tpu.memref_slice %arg15[%scatter3A_321, %scatter3A_322] : memref<2x32000xf32, #tpu.memory_space<vmem>> -> memref<1x32000xf32, #tpu.memory_space<vmem>>
          %scatter3A_324 = tpu.memref_squeeze %scatter3A_323 : memref<1x32000xf32, #tpu.memory_space<vmem>> -> memref<32000xf32, #tpu.memory_space<vmem>>
          tpu.vector_store_idx %scatter3A_324[%add3A_320], %get3A_317 : memref<32000xf32, #tpu.memory_space<vmem>>[vector<16xi32>], vector<16xf32>,
          %mul3A_325 = arith.constant 16 : i32
          %mul3A_326 = arith.muli %scan3A_243, %mul3A_325 : i32
          %get3A_327 = arith.constant 1 : i32
          %get3A_328 = arith.constant 5 : i32
          %get3A_329 = arith.index_cast %get3A_327 : i32 to index
          %get3A_330 = arith.index_cast %get3A_328 : i32 to index
          %get3A_331 = arith.index_cast %mul3A_326 : i32 to index
          %get3A_332 = tpu.vector_load %arg14[%get3A_329, %get3A_330, %get3A_331] {strides = array<i32>} : memref<2x11x2000xf32, #tpu.memory_space<vmem>>, vector<16xf32>,
          %add3A_333 = arith.constant 5 : i32
          %add3A_334 = vector.broadcast %add3A_333 : i32 to vector<16xi32>
          %add3A_335 = arith.addi %mul3A_251, %add3A_334 : vector<16xi32>
          %scatter3A_336 = arith.constant 1 : i32
          %scatter3A_337 = arith.constant 0 : i32
          %scatter3A_338 = tpu.memref_slice %arg15[%scatter3A_336, %scatter3A_337] : memref<2x32000xf32, #tpu.memory_space<vmem>> -> memref<1x32000xf32, #tpu.memory_space<vmem>>
          %scatter3A_339 = tpu.memref_squeeze %scatter3A_338 : memref<1x32000xf32, #tpu.memory_space<vmem>> -> memref<32000xf32, #tpu.memory_space<vmem>>
          tpu.vector_store_idx %scatter3A_339[%add3A_335], %get3A_332 : memref<32000xf32, #tpu.memory_space<vmem>>[vector<16xi32>], vector<16xf32>,
          %mul3A_340 = arith.constant 16 : i32
          %mul3A_341 = arith.muli %scan3A_243, %mul3A_340 : i32
          %get3A_342 = arith.constant 1 : i32
          %get3A_343 = arith.constant 6 : i32
          %get3A_344 = arith.index_cast %get3A_342 : i32 to index
          %get3A_345 = arith.index_cast %get3A_343 : i32 to index
          %get3A_346 = arith.index_cast %mul3A_341 : i32 to index
          %get3A_347 = tpu.vector_load %arg14[%get3A_344, %get3A_345, %get3A_346] {strides = array<i32>} : memref<2x11x2000xf32, #tpu.memory_space<vmem>>, vector<16xf32>,
          %add3A_348 = arith.constant 6 : i32
          %add3A_349 = vector.broadcast %add3A_348 : i32 to vector<16xi32>
          %add3A_350 = arith.addi %mul3A_251, %add3A_349 : vector<16xi32>
          %scatter3A_351 = arith.constant 1 : i32
          %scatter3A_352 = arith.constant 0 : i32
          %scatter3A_353 = tpu.memref_slice %arg15[%scatter3A_351, %scatter3A_352] : memref<2x32000xf32, #tpu.memory_space<vmem>> -> memref<1x32000xf32, #tpu.memory_space<vmem>>
          %scatter3A_354 = tpu.memref_squeeze %scatter3A_353 : memref<1x32000xf32, #tpu.memory_space<vmem>> -> memref<32000xf32, #tpu.memory_space<vmem>>
          tpu.vector_store_idx %scatter3A_354[%add3A_350], %get3A_347 : memref<32000xf32, #tpu.memory_space<vmem>>[vector<16xi32>], vector<16xf32>,
          %mul3A_355 = arith.constant 16 : i32
          %mul3A_356 = arith.muli %scan3A_243, %mul3A_355 : i32
          %get3A_357 = arith.constant 1 : i32
          %get3A_358 = arith.constant 7 : i32
          %get3A_359 = arith.index_cast %get3A_357 : i32 to index
          %get3A_360 = arith.index_cast %get3A_358 : i32 to index
          %get3A_361 = arith.index_cast %mul3A_356 : i32 to index
          %get3A_362 = tpu.vector_load %arg14[%get3A_359, %get3A_360, %get3A_361] {strides = array<i32>} : memref<2x11x2000xf32, #tpu.memory_space<vmem>>, vector<16xf32>,
          %add3A_363 = arith.constant 7 : i32
          %add3A_364 = vector.broadcast %add3A_363 : i32 to vector<16xi32>
          %add3A_365 = arith.addi %mul3A_251, %add3A_364 : vector<16xi32>
          %scatter3A_366 = arith.constant 1 : i32
          %scatter3A_367 = arith.constant 0 : i32
          %scatter3A_368 = tpu.memref_slice %arg15[%scatter3A_366, %scatter3A_367] : memref<2x32000xf32, #tpu.memory_space<vmem>> -> memref<1x32000xf32, #tpu.memory_space<vmem>>
          %scatter3A_369 = tpu.memref_squeeze %scatter3A_368 : memref<1x32000xf32, #tpu.memory_space<vmem>> -> memref<32000xf32, #tpu.memory_space<vmem>>
          tpu.vector_store_idx %scatter3A_369[%add3A_365], %get3A_362 : memref<32000xf32, #tpu.memory_space<vmem>>[vector<16xi32>], vector<16xf32>,
          %mul3A_370 = arith.constant 16 : i32
          %mul3A_371 = arith.muli %scan3A_243, %mul3A_370 : i32
          %get3A_372 = arith.constant 1 : i32
          %get3A_373 = arith.constant 8 : i32
          %get3A_374 = arith.index_cast %get3A_372 : i32 to index
          %get3A_375 = arith.index_cast %get3A_373 : i32 to index
          %get3A_376 = arith.index_cast %mul3A_371 : i32 to index
          %get3A_377 = tpu.vector_load %arg14[%get3A_374, %get3A_375, %get3A_376] {strides = array<i32>} : memref<2x11x2000xf32, #tpu.memory_space<vmem>>, vector<16xf32>,
          %add3A_378 = arith.constant 8 : i32
          %add3A_379 = vector.broadcast %add3A_378 : i32 to vector<16xi32>
          %add3A_380 = arith.addi %mul3A_251, %add3A_379 : vector<16xi32>
          %scatter3A_381 = arith.constant 1 : i32
          %scatter3A_382 = arith.constant 0 : i32
          %scatter3A_383 = tpu.memref_slice %arg15[%scatter3A_381, %scatter3A_382] : memref<2x32000xf32, #tpu.memory_space<vmem>> -> memref<1x32000xf32, #tpu.memory_space<vmem>>
          %scatter3A_384 = tpu.memref_squeeze %scatter3A_383 : memref<1x32000xf32, #tpu.memory_space<vmem>> -> memref<32000xf32, #tpu.memory_space<vmem>>
          tpu.vector_store_idx %scatter3A_384[%add3A_380], %get3A_377 : memref<32000xf32, #tpu.memory_space<vmem>>[vector<16xi32>], vector<16xf32>,
          %mul3A_385 = arith.constant 16 : i32
          %mul3A_386 = arith.muli %scan3A_243, %mul3A_385 : i32
          %get3A_387 = arith.constant 1 : i32
          %get3A_388 = arith.constant 9 : i32
          %get3A_389 = arith.index_cast %get3A_387 : i32 to index
          %get3A_390 = arith.index_cast %get3A_388 : i32 to index
          %get3A_391 = arith.index_cast %mul3A_386 : i32 to index
          %get3A_392 = tpu.vector_load %arg14[%get3A_389, %get3A_390, %get3A_391] {strides = array<i32>} : memref<2x11x2000xf32, #tpu.memory_space<vmem>>, vector<16xf32>,
          %add3A_393 = arith.constant 9 : i32
          %add3A_394 = vector.broadcast %add3A_393 : i32 to vector<16xi32>
          %add3A_395 = arith.addi %mul3A_251, %add3A_394 : vector<16xi32>
          %scatter3A_396 = arith.constant 1 : i32
          %scatter3A_397 = arith.constant 0 : i32
          %scatter3A_398 = tpu.memref_slice %arg15[%scatter3A_396, %scatter3A_397] : memref<2x32000xf32, #tpu.memory_space<vmem>> -> memref<1x32000xf32, #tpu.memory_space<vmem>>
          %scatter3A_399 = tpu.memref_squeeze %scatter3A_398 : memref<1x32000xf32, #tpu.memory_space<vmem>> -> memref<32000xf32, #tpu.memory_space<vmem>>
          tpu.vector_store_idx %scatter3A_399[%add3A_395], %get3A_392 : memref<32000xf32, #tpu.memory_space<vmem>>[vector<16xi32>], vector<16xf32>,
          %mul3A_400 = arith.constant 16 : i32
          %mul3A_401 = arith.muli %scan3A_243, %mul3A_400 : i32
          %get3A_402 = arith.constant 1 : i32
          %get3A_403 = arith.constant 10 : i32
          %get3A_404 = arith.index_cast %get3A_402 : i32 to index
          %get3A_405 = arith.index_cast %get3A_403 : i32 to index
          %get3A_406 = arith.index_cast %mul3A_401 : i32 to index
          %get3A_407 = tpu.vector_load %arg14[%get3A_404, %get3A_405, %get3A_406] {strides = array<i32>} : memref<2x11x2000xf32, #tpu.memory_space<vmem>>, vector<16xf32>,
          %add3A_408 = arith.constant 10 : i32
          %add3A_409 = vector.broadcast %add3A_408 : i32 to vector<16xi32>
          %add3A_410 = arith.addi %mul3A_251, %add3A_409 : vector<16xi32>
          %scatter3A_411 = arith.constant 1 : i32
          %scatter3A_412 = arith.constant 0 : i32
          %scatter3A_413 = tpu.memref_slice %arg15[%scatter3A_411, %scatter3A_412] : memref<2x32000xf32, #tpu.memory_space<vmem>> -> memref<1x32000xf32, #tpu.memory_space<vmem>>
          %scatter3A_414 = tpu.memref_squeeze %scatter3A_413 : memref<1x32000xf32, #tpu.memory_space<vmem>> -> memref<32000xf32, #tpu.memory_space<vmem>>
          tpu.vector_store_idx %scatter3A_414[%add3A_410], %get3A_407 : memref<32000xf32, #tpu.memory_space<vmem>>[vector<16xi32>], vector<16xf32>,
          %scan3A_415 = arith.constant 0 : i32
          scf.yield %scan3A_415 : i32
        }
        %scan3A_229 = arith.constant 125 : i32
        %mul3A_230 = arith.constant 16 : i32
        %mul3A_231 = arith.muli %mul3A_75, %mul3A_230 : i32
        %dma_start3A = arith.constant 1 : i32
        %dma_start3A_232 = arith.constant 1 : i32
        %dma_start3A_233 = arith.constant 0 : i32
        %dma_start3A_234 = tpu.memref_slice %arg15[%dma_start3A, %dma_start3A_233] : memref<2x32000xf32, #tpu.memory_space<vmem>> -> memref<1x32000xf32, #tpu.memory_space<vmem>>
        %dma_start3A_235 = tpu.memref_squeeze %dma_start3A_234 : memref<1x32000xf32, #tpu.memory_space<vmem>> -> memref<32000xf32, #tpu.memory_space<vmem>>
        %dma_start3A_236 = tpu.memref_slice %arg13[%mul3A_231] : memref<16000000xf32, #tpu.memory_space<hbm>> -> memref<32000xf32, #tpu.memory_space<hbm>>
        %dma_start3A_237 = tpu.memref_slice %arg17[%dma_start3A_232] : memref<2x!tpu.dma_semaphore, #tpu.memory_space<semaphore_mem>> -> memref<1x!tpu.dma_semaphore, #tpu.memory_space<semaphore_mem>>
        %dma_start3A_238 = tpu.memref_squeeze %dma_start3A_237 : memref<1x!tpu.dma_semaphore, #tpu.memory_space<semaphore_mem>> -> memref<!tpu.dma_semaphore, #tpu.memory_space<semaphore_mem>>
        %dma_start3A_239 = tpu.memref_slice %arg13[%mul3A_231] : memref<16000000xf32, #tpu.memory_space<hbm>> -> memref<32000xf32, #tpu.memory_space<hbm>>
        %dma_start3A_240 = arith.constant 0 : i32
        %dma_start3A_241 = tpu.memref_slice %arg15[%dma_start3A, %dma_start3A_240] : memref<2x32000xf32, #tpu.memory_space<vmem>> -> memref<1x32000xf32, #tpu.memory_space<vmem>>
        %dma_start3A_242 = tpu.memref_squeeze %dma_start3A_241 : memref<1x32000xf32, #tpu.memory_space<vmem>> -> memref<32000xf32, #tpu.memory_space<vmem>>
        tpu.enqueue_dma source(%dma_start3A_242 : memref<32000xf32, #tpu.memory_space<vmem>>) target(%dma_start3A_239 : memref<32000xf32, #tpu.memory_space<hbm>>) target_semaphore(%dma_start3A_238 : memref<!tpu.dma_semaphore, #tpu.memory_space<semaphore_mem>>)
      } else {
      }
      %scan3A_73 = arith.constant 0 : i32
      scf.yield %scan3A_73 : i32
    }
    %scan3A_8 = arith.constant 8 : i32
    %dma_wait3A = arith.constant 0 : i32
    %dma_wait3A_9 = arith.constant 0 : i32
    %dma_wait3A_10 = arith.constant 0 : i32
    %dma_wait3A_11 = tpu.memref_slice %arg15[%dma_wait3A, %dma_wait3A_10] : memref<2x32000xf32, #tpu.memory_space<vmem>> -> memref<1x32000xf32, #tpu.memory_space<vmem>>
    %dma_wait3A_12 = tpu.memref_squeeze %dma_wait3A_11 : memref<1x32000xf32, #tpu.memory_space<vmem>> -> memref<32000xf32, #tpu.memory_space<vmem>>
    %dma_wait3A_13 = arith.constant 0 : i32
    %dma_wait3A_14 = tpu.memref_slice %arg13[%dma_wait3A_13] : memref<16000000xf32, #tpu.memory_space<hbm>> -> memref<32000xf32, #tpu.memory_space<hbm>>
    %dma_wait3A_15 = tpu.memref_slice %arg17[%dma_wait3A_9] : memref<2x!tpu.dma_semaphore, #tpu.memory_space<semaphore_mem>> -> memref<1x!tpu.dma_semaphore, #tpu.memory_space<semaphore_mem>>
    %dma_wait3A_16 = tpu.memref_squeeze %dma_wait3A_15 : memref<1x!tpu.dma_semaphore, #tpu.memory_space<semaphore_mem>> -> memref<!tpu.dma_semaphore, #tpu.memory_space<semaphore_mem>>
    %dma_wait3A_17 = arith.constant 0 : i32
    %dma_wait3A_18 = tpu.memref_slice %arg13[%dma_wait3A_17] : memref<16000000xf32, #tpu.memory_space<hbm>> -> memref<32000xf32, #tpu.memory_space<hbm>>
    %dma_wait3A_19 = arith.constant 0 : i32
    %dma_wait3A_20 = tpu.memref_slice %arg15[%dma_wait3A, %dma_wait3A_19] : memref<2x32000xf32, #tpu.memory_space<vmem>> -> memref<1x32000xf32, #tpu.memory_space<vmem>>
    %dma_wait3A_21 = tpu.memref_squeeze %dma_wait3A_20 : memref<1x32000xf32, #tpu.memory_space<vmem>> -> memref<32000xf32, #tpu.memory_space<vmem>>
    tpu.wait_dma2 semaphore(%dma_wait3A_16 : memref<!tpu.dma_semaphore, #tpu.memory_space<semaphore_mem>>) src(%dma_wait3A_21 : memref<32000xf32, #tpu.memory_space<vmem>>) dst(%dma_wait3A_18 : memref<32000xf32, #tpu.memory_space<hbm>>)
    %dma_wait3A_22 = arith.constant 1 : i32
    %dma_wait3A_23 = arith.constant 1 : i32
    %dma_wait3A_24 = arith.constant 0 : i32
    %dma_wait3A_25 = tpu.memref_slice %arg15[%dma_wait3A_22, %dma_wait3A_24] : memref<2x32000xf32, #tpu.memory_space<vmem>> -> memref<1x32000xf32, #tpu.memory_space<vmem>>
    %dma_wait3A_26 = tpu.memref_squeeze %dma_wait3A_25 : memref<1x32000xf32, #tpu.memory_space<vmem>> -> memref<32000xf32, #tpu.memory_space<vmem>>
    %dma_wait3A_27 = arith.constant 0 : i32
    %dma_wait3A_28 = tpu.memref_slice %arg13[%dma_wait3A_27] : memref<16000000xf32, #tpu.memory_space<hbm>> -> memref<32000xf32, #tpu.memory_space<hbm>>
    %dma_wait3A_29 = tpu.memref_slice %arg17[%dma_wait3A_23] : memref<2x!tpu.dma_semaphore, #tpu.memory_space<semaphore_mem>> -> memref<1x!tpu.dma_semaphore, #tpu.memory_space<semaphore_mem>>
    %dma_wait3A_30 = tpu.memref_squeeze %dma_wait3A_29 : memref<1x!tpu.dma_semaphore, #tpu.memory_space<semaphore_mem>> -> memref<!tpu.dma_semaphore, #tpu.memory_space<semaphore_mem>>
    %dma_wait3A_31 = arith.constant 0 : i32
    %dma_wait3A_32 = tpu.memref_slice %arg13[%dma_wait3A_31] : memref<16000000xf32, #tpu.memory_space<hbm>> -> memref<32000xf32, #tpu.memory_space<hbm>>
    %dma_wait3A_33 = arith.constant 0 : i32
    %dma_wait3A_34 = tpu.memref_slice %arg15[%dma_wait3A_22, %dma_wait3A_33] : memref<2x32000xf32, #tpu.memory_space<vmem>> -> memref<1x32000xf32, #tpu.memory_space<vmem>>
    %dma_wait3A_35 = tpu.memref_squeeze %dma_wait3A_34 : memref<1x32000xf32, #tpu.memory_space<vmem>> -> memref<32000xf32, #tpu.memory_space<vmem>>
    tpu.wait_dma2 semaphore(%dma_wait3A_30 : memref<!tpu.dma_semaphore, #tpu.memory_space<semaphore_mem>>) src(%dma_wait3A_35 : memref<32000xf32, #tpu.memory_space<vmem>>) dst(%dma_wait3A_32 : memref<32000xf32, #tpu.memory_space<hbm>>)
    return
  }
}

</mosaic_0001>

<sc_bundles>
// kernel: kernel.4.cloned.1.call-start
scs
__scs_entry_jumppad:
0x0: {  	(pc) =	sbr.rel $0x88, $3  }
0x1: {  	(tag) =	ssettag $0x0;
	lr =	simm.s32 $0x1  }
0x2: {  	[smem:$0x3F9C] =	sst lr;
	_ =	strace $0xD0000000  }
0x3: {  	_ = 	snop  }
0x4: {  	_ = 	snop  }
0x5: {  	_ = 	snop  }
0x6: {  	_ = 	snop  }
0x7: {  	_ = 	snop  }
__scs_overlays_trampoline_lowered:
0x8: {  	[smem:$0x3FAB] =	sst s0  }
0x9: {  	[smem:$0x3FAC] =	sst s1  }
0xa: {  	[smem:$0x3FAD] =	sst s2  }
0xb: {  	[smem:$0x3FAE] =	sst s3  }
0xc: {  	[smem:$0x3FAF] =	sst s4  }
0xd: {  	[smem:$0x3FB0] =	sst s5  }
0xe: {  	[smem:$0x3FB1] =	sst s6  }
0xf: {  	[smem:$0x3FB2] =	sst s7  }
0x10: {  	[smem:$0x3FB3] =	sst s8  }
0x11: {  	[smem:$0x3FB4] =	sst s9;
	s0 =	simm.s32 @!p0 $0x0  }
0x12: {  	s1 =	sld [smem:$0x3F9A];
	s0 =	simm.s32 @p0 $0x1  }
0x13: {  	[smem:$0x3FB5] =	sst s0;
	s0 =	simm.s32 @!p1 $0x0  }
0x14: {  	s2 =	sld [smem:$0x3F99];
	s0 =	simm.s32 @p1 $0x1  }
0x15: {  	[smem:$0x3FB6] =	sst s0;
	s0 =	simm.s32 @!p2 $0x0  }
0x16: {  	s3 =	sld [smem:$0x3FDB];
	s0 =	simm.s32 @p2 $0x1  }
0x17: {  	s4 =	simm.s32 $0x1BF5;
	[smem:$0x3FB8] =	sst s0  }
0x18: {  	s0 =	sld [smem:$0x3F9B];
	_ =	swait.ge [sflag:s4], $0x0  }
0x19: {  	s7 =	sld [smem:$0x3F9C]  }
0x1a: {  	s8 =	sadd.s32 $0xFFFFE003, lr  }
0x1b: {  	s9 =	sadd.s32 $0xFFFFFEF7, lr;
	s5 =	simm.s32 $0xFFFFFFFF;
	p2 =	slt.u32 s8, $0xFFFFF086  }
0x1c: {  	p1 =	slt.u32 s9, $0xF7A;
	s5 =	simm.s32 @!p2 $0x0  }
0x1d: {  	s5 =	simm.s32 @p1 $0x1;
	p0 =	seq.s32 s7, s2  }
0x1e: {  	s7 =	smul.u32 @!p0 $0xF7A, s2;
	p2 =	seq.s32 @!p0 s5, $0x0  }
0x1f: {  	s9 =	smul.u32 $0xF7A, s1;
	s8 =	simm.s32 @!p0 $0x1BF5;
	p2 =	por !p2, p0  }
0x20: {  	[sflag:s8] =	ssyncset.s32 @!p0 $0xFFFFF086;
	s6 =	sadd.s32 @!p0 s3, s7;
	s7 =	simm.s32 @!p0 $0x108  }
0x21: {  	s3 =	sadd.s32 s3, s9;
	s6 =	sadd.s32 @!p0 $0x88, s6;
	s7 =	simm.s32 @p2 $0x1082  }
0x22: {  	[simem:s7], [sflag:s8] =	dma.local @!p0 [hbm:s6], $0xF7A  }
0x23: {  	s9 =	sor.u32 $0xD0000000, s2;
	s6 =	simm.s32 $0x108;
	_ =	swait.ge @!p0 [sflag:s8], $0x0  }
0x24: {  	s3 =	sadd.s32 $0x88, s3;
	s6 =	simm.s32 @!p1 $0x1082;
	[sflag:s4] =	ssyncset.s32 $0xFFFFF086  }
0x25: {  	[simem:s6], [sflag:s4] =	dma.local [hbm:s3], $0xF7A  }
0x26: {  	[smem:$0x3F9C] =	sst s1;
	(tag) =	ssettag s2;
	_ =	strace s9  }
0x27: {  	s1 =	sld [smem:$0x3FAC]  }
0x28: {  	s2 =	sld [smem:$0x3FAD]  }
0x29: {  	s4 =	sld [smem:$0x3FAF]  }
0x2a: {  	p0 =	seq.s32 s5, $0x0;
	s5 =	sld [smem:$0x3FB0]  }
0x2b: {  	s6 =	sld [smem:$0x3FB1]  }
0x2c: {  	s7 =	sld [smem:$0x3FB2]  }
0x2d: {  	s3 =	simm.s32 $0x108;
	s8 =	sld [smem:$0x3FB3]  }
0x2e: {  	s3 =	simm.s32 @!p0 $0x1082;
	s9 =	sld [smem:$0x3FB4]  }
0x2f: {  	lr =	sadd.s32 s0, s3;
	s0 =	sld [smem:$0x3FAB]  }
0x30: {  	s3 =	sld [smem:$0x3FAE]  }
0x31: {  	[smem:$0x3FB7] =	sst s10  }
0x32: {  	s10 =	sld [smem:$0x3FB5];
	_ =	sdelay $0x3  }
0x33: {  	p0 =	seq.s32 s10, $0x1;
	s10 =	sld [smem:$0x3FB7];
	_ =	sdelay $0x3  }
0x34: {  	[smem:$0x3FB7] =	sst s10  }
0x35: {  	s10 =	sld [smem:$0x3FB6];
	_ =	sdelay $0x3  }
0x36: {  	p1 =	seq.s32 s10, $0x1;
	s10 =	sld [smem:$0x3FB7];
	_ =	sdelay $0x3  }
0x37: {  	[smem:$0x3FB7] =	sst s10  }
0x38: {  	s10 =	sld [smem:$0x3FB8]  }
0x39: {  	_ = 	snop;
	(pc) =	sbr.ind lr, $3  }
0x3a: {  	_ = 	snop  }
0x3b: {  	_ = 	snop  }
0x3c: {  	p2 =	seq.s32 s10, $0x1;
	s10 =	sld [smem:$0x3FB7]  }
0x3d: {  	_ =	shalt  }
0x3e: {  	_ =	shalt  }
0x3f: {  	_ =	shalt  }
0x40: {  	_ =	shalt  }
0x41: {  	_ =	shalt  }
0x42: {  	_ =	shalt  }
0x43: {  	_ =	shalt  }
0x44: {  	_ =	shalt  }
0x45: {  	_ =	shalt  }
0x46: {  	_ =	shalt  }
0x47: {  	_ =	shalt  }
0x48: {  	_ =	shalt  }
0x49: {  	_ =	shalt  }
0x4a: {  	_ =	shalt  }
0x4b: {  	_ =	shalt  }
0x4c: {  	_ =	shalt  }
0x4d: {  	_ =	shalt  }
0x4e: {  	_ =	shalt  }
0x4f: {  	_ =	shalt  }
0x50: {  	_ =	shalt  }
0x51: {  	_ =	shalt  }
0x52: {  	_ =	shalt  }
0x53: {  	_ =	shalt  }
0x54: {  	_ =	shalt  }
0x55: {  	_ =	shalt  }
0x56: {  	_ =	shalt  }
0x57: {  	_ =	shalt  }
0x58: {  	_ =	shalt  }
0x59: {  	_ =	shalt  }
0x5a: {  	_ =	shalt  }
0x5b: {  	_ =	shalt  }
0x5c: {  	_ =	shalt  }
0x5d: {  	_ =	shalt  }
0x5e: {  	_ =	shalt  }
0x5f: {  	_ =	shalt  }
0x60: {  	_ =	shalt  }
0x61: {  	_ =	shalt  }
0x62: {  	_ =	shalt  }
0x63: {  	_ =	shalt  }
0x64: {  	_ =	shalt  }
0x65: {  	_ =	shalt  }
0x66: {  	_ =	shalt  }
0x67: {  	_ =	shalt  }
0x68: {  	_ =	shalt  }
0x69: {  	_ =	shalt  }
0x6a: {  	_ =	shalt  }
0x6b: {  	_ =	shalt  }
0x6c: {  	_ =	shalt  }
0x6d: {  	_ =	shalt  }
0x6e: {  	_ =	shalt  }
0x6f: {  	_ =	shalt  }
0x70: {  	_ =	shalt  }
0x71: {  	_ =	shalt  }
0x72: {  	_ =	shalt  }
0x73: {  	_ =	shalt  }
0x74: {  	_ =	shalt  }
0x75: {  	_ =	shalt  }
0x76: {  	_ =	shalt  }
0x77: {  	_ =	shalt  }
0x78: {  	_ =	shalt  }
0x79: {  	_ =	shalt  }
0x7a: {  	_ =	shalt  }
0x7b: {  	_ =	shalt  }
0x7c: {  	_ =	shalt  }
0x7d: {  	_ =	shalt  }
0x7e: {  	_ =	shalt  }
0x7f: {  	_ =	shalt  }
0x80: {  	_ =	shalt  }
0x81: {  	_ =	shalt  }
0x82: {  	_ =	shalt  }
0x83: {  	_ =	shalt  }
0x84: {  	_ =	shalt  }
0x85: {  	_ =	shalt  }
0x86: {  	_ =	shalt  }
0x87: {  	_ =	shalt  }
.Lfunc_end0:
.L_simem_size_0:
called_computation_lowered:
.L_overlay_start_0:
0x88: {  	s2 =	sld [smem:$0x3FD9]  }
0x89: {  	s3 =	sld [smem:$0x3FFE];
	_ =	sdelay $0x1  }
0x8a: {  	s1 =	srdreg.scid  }
0x8b: {  	s0 =	sand.u32 $0x1, s1  }
0x8c: {  	s16 =	sshll.u32 s0, $0xA;
	s2 =	sadd.s32 s3, s2  }
0x8d: {  	s2 =	sadd.s32 s2, s16  }
0x8e: {  	[smem:$0x3FC3] =	sst s2  }
0x8f: {  	_ = 	snop  }
0x90: {  	(tm) =	ssettm $0x1  }
0x91: {  	s17 =	sld [smem:$0x3FFB];
	_ =	sdelay $0x3  }
0x92: {  	_ =	strace s17  }
0x93: {  	s2 =	sld [smem:$0x3FFC];
	_ =	sdelay $0x3  }
0x94: {  	_ =	strace s2  }
0x95: {  	s2 =	sld [smem:$0x3FFD];
	_ =	sdelay $0x3  }
0x96: {  	_ =	strace s2  }
0x97: {  	_ =	strace $0x8FFFFFFF  }
0x98: {  	s18 =	sld [smem:$0x3FDB];
	_ =	sdelay $0x1  }
0x99: {  	s19 =	simm.s32 $_scs_section_size  }
0x9a: {  	s4 =	simm.s32 $_size__tile_overlayer_lowered;
	s5 =	simm.s32 $_tile_overlayer_lowered  }
0x9b: {  	s22 =	simm.s32 $0x1BFF;
	s21 =	sshll.u32 s5, $0x1;
	s2 =	sadd.s32 s19, s18  }
0x9c: {  	s6 =	simm.s32 $0x0;
	s20 =	sshll.u32 s4, $0x1;
	s4 =	sadd.s32 s21, s2  }
0x9d: {  	[timem:s6], [sflag:s22] =	dma.local [hbm:s4], s20  }
0x9e: {  	_ =	swait.ge [sflag:s22], s20  }
0x9f: {  	s3 =	ssub.s32 $0x0, s20;
	[sflag:s22] =	ssyncset.done $0x0  }
0xa0: {  	[sflag:s22] =	ssyncadd.s32 s3;
	_ =	sdelay $0x1  }
0xa1: {  	s23 =	simm.s32 $0x1B8B  }
0xa2: {  	_ =	swait.ge [sflag:s23], $0x1  }
0xa3: {  	[sflag:s23] =	ssyncset.done $0x0  }
0xa4: {  	s25 =	simm.s32 $0x1B8E;
	s24 =	sld [smem:$0x3FFE];
	[sflag:s23] =	ssyncadd.s32 $0xFFFFFFFF  }
0xa5: {  	s26 =	simm.s32 $execute0_lowered;
	[smem:$0x3FD2] =	sst s25  }
0xa6: {  	s4 =	sshll.u32 s26, $0x1;
	_ =	strace $0x80000046;
	[dreg:$0x1] =	wrdreg $0xFFFFFFFF  }
0xa7: {  	s28 =	simm.s32 $_size_execute0_lowered;
	s2 =	sadd.s32 s2, s4;
	[dreg:$0x0] =	wrdreg $0x0  }
0xa8: {  	s4 =	sshll.u32 s28, $0x1;
	[dreg:$0x2] =	wrdreg s2  }
0xa9: {  	[dreg:$0x3] =	wrdreg s4  }
0xaa: {  	[dreg:$0x4] =	wrdreg $0xC0  }
0xab: {  	_ =	task [dreg:s6], $0x5FFFF  }
0xac: {  	[dreg:$0x1] =	wrdreg $0xFFFFFFFF  }
0xad: {  	[dreg:$0x0] =	wrdreg $0x60  }
0xae: {  	[dreg:$0x2] =	wrdreg s24  }
0xaf: {  	[dreg:$0x3] =	wrdreg $0x9  }
0xb0: {  	_ =	task.clear_ibuf [dreg:s6], $0x4FFFF;
	_ =	strace $0x90000046  }
0xb1: {  	s29 =	simm.s32 $0x9;
	_ =	strace $0x80000048  }
0xb2: {  	_ =	swait.ge [sflag:s29], $0x1  }
0xb3: {  	[sflag:s29] =	ssyncadd.s32 $0xFFFFFFFF  }
0xb4: {  	_ =	strace $0x90000048  }
0xb5: {  	_ =	sfence  }
0xb6: {  	s30 =	sld [smem:$0x0];
	_ =	sdelay $0x2  }
0xb7: {  	s31 =	sshll.u32 s1, $0xD;
	s1 =	sshrl.u32 s1, $0x2  }
0xb8: {  	s3 =	sand.u32 $0x4000, s31;
	s1 =	sadd.s32 s1, s30  }
0xb9: {  	s0 =	sor.u32 s3, s0;
	s1 =	sshll.u32 s1, $0x11  }
0xba: {  	s0 =	sor.u32 s1, s0  }
0xbb: {  	s0 =	sadd.s32 $0x8F2B, s0  }
0xbc: {  	[sflag:s0] =	ssyncadd.remote.s32 $0x1  }
0xbd: {  	_ =	sfence.sel $0xFFFF  }
0xbe: {  	[dreg:$0x0] =	wrdreg $0xFFFFFFFF;
	(pc) =	sbr.abs _section_cstart, $3  }
0xbf: {  	[dreg:$0x1] =	wrdreg $0xFFFFFFFF  }
0xc0: {  	_ =	task.clear_ibuf [dreg:s6], $0x2FFFF;
	_ =	strace $0x9FFFFFFF  }
0xc1: {  	(tm) =	ssettm $0x7FFFFFFF  }
tec
execute0_lowered:
.L_overlay_start_1:
0x0: {  	(tag) =	ssettag $0x1  }
0x1: {  	s1 =	rddreg [dreg:$0x0];
	s2 =	simm.s32 $0x0  }
0x2: {  	s0 =	srdreg.scid;
	s3 =	stileid.u32;
	s30 =	simm.s32 $0x2  }
0x3: {  	s31 =	simm.s32 $0x128E0;
	s0 =	sand.u32 $0x1, s0;
	s3 =	sshll.u32 s3, $0x1  }
0x4: {  	s16 =	simm.s32 $0x4;
	[smem:$0x7FF] =	sst s2;
	s10 =	sor.u32 s0, s3  }
0x5: {  	s4 =	sadd.s32 $0x113A00, s1;
	s5 =	sadd.s32 $0xF5000, s1;
	s3 =	smul.u32 $0xFA, s10  }
0x6: {  	s6 =	sadd.s32 $0xD6600, s1;
	s7 =	sadd.s32 $0xB7C00, s1;
	s8 =	sadd.s32 $0x99200, s1  }
0x7: {  	s9 =	sadd.s32 $0x7A800, s1;
	s11 =	sadd.s32 $0x5BE00, s1;
	s17 =	sadd.s32 s4, s3  }
0x8: {  	_ =	strace $0x80000047;
	s18 =	sadd.s32 s5, s3;
	[dreg:$0x2] =	wrdreg s17  }
0x9: {  	s12 =	sadd.s32 $0x3D400, s1;
	s19 =	sadd.s32 s6, s3;
	[dreg:$0x3] =	wrdreg s18  }
0xa: {  	s13 =	sadd.s32 $0x1EA00, s1;
	s20 =	sadd.s32 s7, s3;
	[dreg:$0x4] =	wrdreg s19  }
0xb: {  	s14 =	sadd.s32 $0x132400, s1;
	s21 =	sadd.s32 s8, s3;
	[dreg:$0x5] =	wrdreg s20  }
0xc: {  	s28 =	sadd.s32 $0x150E00, s1;
	s22 =	sadd.s32 s9, s3;
	[dreg:$0x6] =	wrdreg s21  }
0xd: {  	s0 =	ssub.s32 $0x2, s0;
	s23 =	sadd.s32 s11, s3;
	[dreg:$0x7] =	wrdreg s22  }
0xe: {  	s15 =	sshrl.u32 s0, $0x1;
	s24 =	sadd.s32 s12, s3;
	[dreg:$0x8] =	wrdreg s23  }
.Ltmp0:
0xf: {  	s25 =	sadd.s32 s13, s3;
	[dreg:$0x9] =	wrdreg s24;
	(pc) =	sbr.rel .LBB2_1-.Ltmp0, $4  }
0x10: {  	s29 =	sor.u32 $0x40, s10;
	s26 =	sadd.s32 s1, s3;
	[dreg:$0xa] =	wrdreg s25  }
0x11: {  	s0 =	ssub.s32 s0, s15;
	s3 =	sadd.s32 s14, s3;
	[dreg:$0xb] =	wrdreg s26  }
0x12: {  	v0 =	vlaneseq.u32;
	s15 =	simm.s32 $0x3;
	[dreg:$0xc] =	wrdreg s3;
	s26 =	smax.u32 s0, $0x1  }
0x13: {  	v0 =	vmul.u32 $0x10, v0;
	s0 =	simm.s32 $0x1;
	s3 =	simm.s32 $0xABE0;
	s17 =	simm.s32 $0x0  }
.LBB2_9:
0x14: {  	s17 =	sadd.s32 $0x1, s17  }
0x15: {  	_ =	swait.ge [sflag:s15], $0x7D00;
	p0 =	sne.s32 s17, s26  }
.Ltmp1:
0x16: {  	[sflag:s15] =	ssyncset.done $0x0;
	(pc) =	sbr.rel @!p0 .LBB2_10-.Ltmp1, $4  }
0x17: {  	[sflag:s15] =	ssyncadd.s32 $0xFFFF8300  }
0x18: {  	_ =	swait.ge [sflag:s16], $0x7D00  }
0x19: {  	[sflag:s16] =	ssyncset.done $0x0  }
0x1a: {  	[sflag:s16] =	ssyncadd.s32 $0xFFFF8300  }
.LBB2_1:
0x1b: {  	s18 =	rddreg [dreg:$0x2]  }
0x1c: {  	[tilespmem:s2], [sflag:$0x1] =	stream.linear.gather [hbm4b:s18+s2], $0x7D0, $0x38;
	[tilespmem:$0x1A5E0] =	vst v63  }
0x1d: {  	s25 =	rddreg [dreg:$0x3];
	s19 =	simm.s32 $0x7D0  }
0x1e: {  	[tilespmem:s19], [sflag:$0x1] =	stream.linear.gather [hbm4b:s25+s2], $0x7D0, $0x38;
	[tilespmem:$0x1A5E0] =	vst v63  }
0x1f: {  	s20 =	rddreg [dreg:$0x4];
	s21 =	simm.s32 $0xFA0  }
0x20: {  	[tilespmem:s21], [sflag:$0x1] =	stream.linear.gather [hbm4b:s20+s2], $0x7D0, $0x38;
	[tilespmem:$0x1A5E0] =	vst v63  }
0x21: {  	s22 =	rddreg [dreg:$0x5];
	s23 =	simm.s32 $0x1770  }
0x22: {  	[tilespmem:s23], [sflag:$0x1] =	stream.linear.gather [hbm4b:s22+s2], $0x7D0, $0x38;
	[tilespmem:$0x1A5E0] =	vst v63  }
0x23: {  	s24 =	rddreg [dreg:$0x6];
	s25 =	simm.s32 $0x1F40  }
0x24: {  	[tilespmem:s25], [sflag:$0x1] =	stream.linear.gather [hbm4b:s24+s2], $0x7D0, $0x38;
	[tilespmem:$0x1A5E0] =	vst v63  }
0x25: {  	s20 =	rddreg [dreg:$0x7];
	s21 =	simm.s32 $0x2710  }
0x26: {  	[tilespmem:s21], [sflag:$0x1] =	stream.linear.gather [hbm4b:s20+s2], $0x7D0, $0x38;
	[tilespmem:$0x1A5E0] =	vst v63  }
0x27: {  	s22 =	rddreg [dreg:$0x8];
	s23 =	simm.s32 $0x2EE0  }
0x28: {  	[tilespmem:s23], [sflag:$0x1] =	stream.linear.gather [hbm4b:s22+s2], $0x7D0, $0x38;
	[tilespmem:$0x1A5E0] =	vst v63  }
0x29: {  	s24 =	rddreg [dreg:$0x9];
	s25 =	simm.s32 $0x36B0  }
0x2a: {  	[tilespmem:s25], [sflag:$0x1] =	stream.linear.gather [hbm4b:s24+s2], $0x7D0, $0x38;
	[tilespmem:$0x1A5E0] =	vst v63  }
0x2b: {  	s20 =	rddreg [dreg:$0xa];
	s21 =	simm.s32 $0x3E80  }
0x2c: {  	[tilespmem:s21], [sflag:$0x1] =	stream.linear.gather [hbm4b:s20+s2], $0x7D0, $0x38;
	[tilespmem:$0x1A5E0] =	vst v63  }
.Ltmp2:
0x2d: {  	_ = 	snop;
	(pc) =	sbr.rel .LBB2_2-.Ltmp2, $4  }
0x2e: {  	s22 =	rddreg [dreg:$0xb];
	s23 =	simm.s32 $0x4650  }
0x2f: {  	[tilespmem:s23], [sflag:$0x1] =	stream.linear.gather [hbm4b:s22+s2], $0x7D0, $0x38;
	[tilespmem:$0x1A5E0] =	vst v63  }
0x30: {  	s18 =	simm.s32 $0x0;
	s24 =	rddreg [dreg:$0xc];
	s25 =	simm.s32 $0x4E20  }
0x31: {  	[tilespmem:s25], [sflag:$0x1] =	stream.linear.gather [hbm4b:s24+s2], $0x7D0, $0x38;
	[tilespmem:$0x1A5E0] =	vst v63  }
.LBB2_8:
0x32: {  	s18 =	sadd.s32 $0x1, s18  }
0x33: {  	p0 =	sne.s32 s18, $0x8  }
.Ltmp3:
0x34: {  	_ = 	snop;
	(pc) =	sbr.rel @!p0 .LBB2_9-.Ltmp3, $1  }
0x35: {  	_ =	sdelay $0x3  }
.LBB2_2:
0x36: {  	s20 =	sshll.u32 s18, $0x6  }
0x37: {  	s21 =	sor.u32 s10, s20  }
0x38: {  	s19 =	sor.u32 $0x20, s21  }
0x39: {  	p0 =	sgt.u32 s19, $0x1F3  }
0x3a: {  	s22 =	smul.u32 @!p0 $0xFA, s19;
	_ =	sdelay $0x1  }
0x3b: {  	s24 =	simm.s32 @!p0 $0x0;
	s25 =	simm.s32 @!p0 $0x55F0;
	s23 =	sadd.s32 @!p0 s4, s22  }
0x3c: {  	[tilespmem:s25], [sflag:$0x2] =	stream.linear.gather @!p0 [hbm4b:s23+s24], $0x7D0, $0x38;
	[tilespmem:$0x1A5E0] =	vst v63  }
0x3d: {  	s23 =	sadd.s32 @!p0 s5, s22;
	s25 =	simm.s32 @!p0 $0x5DC0  }
0x3e: {  	[tilespmem:s25], [sflag:$0x2] =	stream.linear.gather @!p0 [hbm4b:s23+s24], $0x7D0, $0x38;
	[tilespmem:$0x1A5E0] =	vst v63  }
0x3f: {  	s23 =	sadd.s32 @!p0 s6, s22;
	s25 =	simm.s32 @!p0 $0x6590  }
0x40: {  	[tilespmem:s25], [sflag:$0x2] =	stream.linear.gather @!p0 [hbm4b:s23+s24], $0x7D0, $0x38;
	[tilespmem:$0x1A5E0] =	vst v63  }
0x41: {  	s23 =	sadd.s32 @!p0 s7, s22;
	s25 =	simm.s32 @!p0 $0x6D60  }
0x42: {  	[tilespmem:s25], [sflag:$0x2] =	stream.linear.gather @!p0 [hbm4b:s23+s24], $0x7D0, $0x38;
	[tilespmem:$0x1A5E0] =	vst v63  }
0x43: {  	s23 =	sadd.s32 @!p0 s8, s22;
	s25 =	simm.s32 @!p0 $0x7530  }
0x44: {  	[tilespmem:s25], [sflag:$0x2] =	stream.linear.gather @!p0 [hbm4b:s23+s24], $0x7D0, $0x38;
	[tilespmem:$0x1A5E0] =	vst v63  }
0x45: {  	s23 =	sadd.s32 @!p0 s9, s22;
	s25 =	simm.s32 @!p0 $0x7D00  }
0x46: {  	[tilespmem:s25], [sflag:$0x2] =	stream.linear.gather @!p0 [hbm4b:s23+s24], $0x7D0, $0x38;
	[tilespmem:$0x1A5E0] =	vst v63  }
0x47: {  	s23 =	sadd.s32 @!p0 s11, s22;
	s25 =	simm.s32 @!p0 $0x84D0  }
0x48: {  	[tilespmem:s25], [sflag:$0x2] =	stream.linear.gather @!p0 [hbm4b:s23+s24], $0x7D0, $0x38;
	[tilespmem:$0x1A5E0] =	vst v63  }
0x49: {  	s23 =	sadd.s32 @!p0 s12, s22;
	s25 =	simm.s32 @!p0 $0x8CA0  }
0x4a: {  	[tilespmem:s25], [sflag:$0x2] =	stream.linear.gather @!p0 [hbm4b:s23+s24], $0x7D0, $0x38;
	[tilespmem:$0x1A5E0] =	vst v63  }
0x4b: {  	s23 =	sadd.s32 @!p0 s13, s22;
	s25 =	simm.s32 @!p0 $0x9470  }
0x4c: {  	[tilespmem:s25], [sflag:$0x2] =	stream.linear.gather @!p0 [hbm4b:s23+s24], $0x7D0, $0x38;
	[tilespmem:$0x1A5E0] =	vst v63  }
0x4d: {  	s23 =	sadd.s32 @!p0 s1, s22;
	s25 =	simm.s32 @!p0 $0x9C40  }
0x4e: {  	[tilespmem:s25], [sflag:$0x2] =	stream.linear.gather @!p0 [hbm4b:s23+s24], $0x7D0, $0x38;
	[tilespmem:$0x1A5E0] =	vst v63  }
0x4f: {  	s22 =	sadd.s32 @!p0 s14, s22;
	s23 =	simm.s32 @!p0 $0xA410  }
0x50: {  	[tilespmem:s23], [sflag:$0x2] =	stream.linear.gather @!p0 [hbm4b:s22+s24], $0x7D0, $0x38;
	[tilespmem:$0x1A5E0] =	vst v63  }
0x51: {  	_ =	swait.ge [sflag:s0], $0x7D0  }
0x52: {  	[sflag:s0] =	ssyncset.done $0x0  }
0x53: {  	[sflag:s0] =	ssyncadd.s32 $0xFFFFF830  }
0x54: {  	_ =	swait.ge [sflag:s0], $0x7D0  }
0x55: {  	[sflag:s0] =	ssyncset.done $0x0  }
0x56: {  	[sflag:s0] =	ssyncadd.s32 $0xFFFFF830  }
0x57: {  	_ =	swait.ge [sflag:s0], $0x7D0  }
0x58: {  	[sflag:s0] =	ssyncset.done $0x0  }
0x59: {  	[sflag:s0] =	ssyncadd.s32 $0xFFFFF830  }
0x5a: {  	_ =	swait.ge [sflag:s0], $0x7D0  }
0x5b: {  	[sflag:s0] =	ssyncset.done $0x0  }
0x5c: {  	[sflag:s0] =	ssyncadd.s32 $0xFFFFF830  }
0x5d: {  	_ =	swait.ge [sflag:s0], $0x7D0  }
0x5e: {  	[sflag:s0] =	ssyncset.done $0x0  }
0x5f: {  	[sflag:s0] =	ssyncadd.s32 $0xFFFFF830  }
0x60: {  	_ =	swait.ge [sflag:s0], $0x7D0  }
0x61: {  	[sflag:s0] =	ssyncset.done $0x0  }
0x62: {  	[sflag:s0] =	ssyncadd.s32 $0xFFFFF830  }
0x63: {  	_ =	swait.ge [sflag:s0], $0x7D0  }
0x64: {  	[sflag:s0] =	ssyncset.done $0x0  }
0x65: {  	[sflag:s0] =	ssyncadd.s32 $0xFFFFF830  }
0x66: {  	_ =	swait.ge [sflag:s0], $0x7D0  }
0x67: {  	[sflag:s0] =	ssyncset.done $0x0  }
0x68: {  	[sflag:s0] =	ssyncadd.s32 $0xFFFFF830  }
0x69: {  	_ =	swait.ge [sflag:s0], $0x7D0  }
0x6a: {  	[sflag:s0] =	ssyncset.done $0x0  }
0x6b: {  	[sflag:s0] =	ssyncadd.s32 $0xFFFFF830  }
0x6c: {  	_ =	swait.ge [sflag:s0], $0x7D0  }
0x6d: {  	[sflag:s0] =	ssyncset.done $0x0  }
0x6e: {  	[sflag:s0] =	ssyncadd.s32 $0xFFFFF830  }
0x6f: {  	_ =	swait.ge [sflag:s0], $0x7D0  }
0x70: {  	p1 =	seq.s32 s18, $0x0;
	[sflag:s0] =	ssyncset.done $0x0  }
0x71: {  	s23 =	simm.s32 @!p1 $0x3;
	[sflag:s0] =	ssyncadd.s32 $0xFFFFF830  }
0x72: {  	s22 =	simm.s32 $0x0;
	_ =	swait.ge @!p1 [sflag:s23], $0x7D00  }
0x73: {  	v1 =	vmov s22;
	[sflag:s23] =	ssyncset.done @!p1 $0x0  }
0x74: {  	v1 =	vshll.u32 v1, $0x4;
	[sflag:s23] =	ssyncadd.s32 @!p1 $0xFFFF8300  }
0x75: {  	v2 =	vor.u32 v0, v1;
	v1 =	vld [tilespmem:s22+$0x0];
	_ =	sdelay $0x4  }
0x76: {  	[tilespmem:v2+s3+$0x0] =	vst.idx.msk $0xffff, v1  }
0x77: {  	v3 =	vor.u32 $0x1, v2;
	v1 =	vld [tilespmem:s22+$0x7D0];
	_ =	sdelay $0x4  }
0x78: {  	[tilespmem:v3+s3+$0x0] =	vst.idx.msk $0xffff, v1  }
0x79: {  	v3 =	vor.u32 $0x2, v2;
	v1 =	vld [tilespmem:s22+$0xFA0];
	_ =	sdelay $0x4  }
0x7a: {  	[tilespmem:v3+s3+$0x0] =	vst.idx.msk $0xffff, v1  }
0x7b: {  	v3 =	vor.u32 $0x3, v2;
	v1 =	vld [tilespmem:s22+$0x1770];
	_ =	sdelay $0x4  }
0x7c: {  	[tilespmem:v3+s3+$0x0] =	vst.idx.msk $0xffff, v1  }
0x7d: {  	v3 =	vor.u32 $0x4, v2;
	v1 =	vld [tilespmem:s22+$0x1F40];
	_ =	sdelay $0x4  }
0x7e: {  	[tilespmem:v3+s3+$0x0] =	vst.idx.msk $0xffff, v1  }
0x7f: {  	v3 =	vor.u32 $0x5, v2;
	v1 =	vld [tilespmem:s22+$0x2710];
	_ =	sdelay $0x4  }
0x80: {  	[tilespmem:v3+s3+$0x0] =	vst.idx.msk $0xffff, v1  }
0x81: {  	v3 =	vor.u32 $0x6, v2;
	v1 =	vld [tilespmem:s22+$0x2EE0];
	_ =	sdelay $0x4  }
0x82: {  	[tilespmem:v3+s3+$0x0] =	vst.idx.msk $0xffff, v1  }
0x83: {  	v3 =	vor.u32 $0x7, v2;
	v1 =	vld [tilespmem:s22+$0x36B0];
	_ =	sdelay $0x4  }
0x84: {  	[tilespmem:v3+s3+$0x0] =	vst.idx.msk $0xffff, v1  }
0x85: {  	v3 =	vor.u32 $0x8, v2;
	v1 =	vld [tilespmem:s22+$0x3E80];
	_ =	sdelay $0x4  }
0x86: {  	[tilespmem:v3+s3+$0x0] =	vst.idx.msk $0xffff, v1  }
0x87: {  	v3 =	vor.u32 $0x9, v2;
	v1 =	vld [tilespmem:s22+$0x4650];
	_ =	sdelay $0x4  }
0x88: {  	[tilespmem:v3+s3+$0x0] =	vst.idx.msk $0xffff, v1  }
0x89: {  	v2 =	vor.u32 $0xA, v2;
	v1 =	vld [tilespmem:s22+$0x4E20];
	_ =	sdelay $0x2  }
0x8a: {  	s25 =	simm.s32 $0x10  }
0x8b: {  	s23 =	simm.s32 $0x20;
	v3 =	vmov s25  }
.LBB2_3:
0x8c: {  	p2 =	sne.s32 s23, $0x7C0;
	v3 =	vshll.u32 v3, $0x4;
	[tilespmem:v2+s3+$0x0] =	vst.idx.msk $0xffff, v1;
	s22 =	sadd.s32 $0x10, s22  }
0x8d: {  	v2 =	vor.u32 v0, v3;
	v1 =	vld [tilespmem:s22+$0x0];
	_ =	sdelay $0x4  }
0x8e: {  	[tilespmem:v2+s3+$0x0] =	vst.idx.msk $0xffff, v1  }
0x8f: {  	v3 =	vor.u32 $0x1, v2;
	v1 =	vld [tilespmem:s22+$0x7D0];
	_ =	sdelay $0x4  }
0x90: {  	[tilespmem:v3+s3+$0x0] =	vst.idx.msk $0xffff, v1  }
0x91: {  	v3 =	vor.u32 $0x2, v2;
	v1 =	vld [tilespmem:s22+$0xFA0];
	_ =	sdelay $0x4  }
0x92: {  	[tilespmem:v3+s3+$0x0] =	vst.idx.msk $0xffff, v1  }
0x93: {  	v3 =	vor.u32 $0x3, v2;
	v1 =	vld [tilespmem:s22+$0x1770];
	_ =	sdelay $0x4  }
0x94: {  	[tilespmem:v3+s3+$0x0] =	vst.idx.msk $0xffff, v1  }
0x95: {  	v3 =	vor.u32 $0x4, v2;
	v1 =	vld [tilespmem:s22+$0x1F40];
	_ =	sdelay $0x4  }
0x96: {  	[tilespmem:v3+s3+$0x0] =	vst.idx.msk $0xffff, v1  }
0x97: {  	v3 =	vor.u32 $0x5, v2;
	v1 =	vld [tilespmem:s22+$0x2710];
	_ =	sdelay $0x4  }
0x98: {  	[tilespmem:v3+s3+$0x0] =	vst.idx.msk $0xffff, v1  }
0x99: {  	v3 =	vor.u32 $0x6, v2;
	v1 =	vld [tilespmem:s22+$0x2EE0];
	_ =	sdelay $0x4  }
0x9a: {  	[tilespmem:v3+s3+$0x0] =	vst.idx.msk $0xffff, v1  }
0x9b: {  	v3 =	vor.u32 $0x7, v2;
	v1 =	vld [tilespmem:s22+$0x36B0];
	_ =	sdelay $0x4  }
0x9c: {  	[tilespmem:v3+s3+$0x0] =	vst.idx.msk $0xffff, v1  }
0x9d: {  	v3 =	vor.u32 $0x8, v2;
	v1 =	vld [tilespmem:s22+$0x3E80];
	_ =	sdelay $0x4  }
0x9e: {  	[tilespmem:v3+s3+$0x0] =	vst.idx.msk $0xffff, v1  }
0x9f: {  	v3 =	vor.u32 $0x9, v2;
	v1 =	vld [tilespmem:s22+$0x4650];
	_ =	sdelay $0x4  }
0xa0: {  	[tilespmem:v3+s3+$0x0] =	vst.idx.msk $0xffff, v1  }
.Ltmp4:
0xa1: {  	v2 =	vor.u32 $0xA, v2;
	v1 =	vld [tilespmem:s22+$0x4E20];
	(pc) =	sbr.rel @p2 .LBB2_3-.Ltmp4, $2  }
0xa2: {  	_ =	sdelay $0x2  }
0xa3: {  	v3 =	vmov s23;
	s23 =	sadd.s32 $0x10, s23  }
0xa4: {  	_ =	sdelay $0x3  }
0xa5: {  	v3 =	vshll.u32 v3, $0x4;
	[tilespmem:v2+s3+$0x0] =	vst.idx.msk $0xffff, v1;
	s22 =	sadd.s32 $0x10, s22  }
0xa6: {  	v1 =	vor.u32 v0, v3;
	v2 =	vld [tilespmem:s22+$0x0];
	_ =	sdelay $0x4  }
0xa7: {  	[tilespmem:v1+s3+$0x0] =	vst.idx.msk $0xffff, v2  }
0xa8: {  	v3 =	vor.u32 $0x1, v1;
	v2 =	vld [tilespmem:s22+$0x7D0];
	_ =	sdelay $0x4  }
0xa9: {  	[tilespmem:v3+s3+$0x0] =	vst.idx.msk $0xffff, v2  }
0xaa: {  	v3 =	vor.u32 $0x2, v1;
	v2 =	vld [tilespmem:s22+$0xFA0];
	_ =	sdelay $0x4  }
0xab: {  	[tilespmem:v3+s3+$0x0] =	vst.idx.msk $0xffff, v2  }
0xac: {  	v3 =	vor.u32 $0x3, v1;
	v2 =	vld [tilespmem:s22+$0x1770];
	_ =	sdelay $0x4  }
0xad: {  	[tilespmem:v3+s3+$0x0] =	vst.idx.msk $0xffff, v2  }
0xae: {  	v3 =	vor.u32 $0x4, v1;
	v2 =	vld [tilespmem:s22+$0x1F40];
	_ =	sdelay $0x4  }
0xaf: {  	[tilespmem:v3+s3+$0x0] =	vst.idx.msk $0xffff, v2  }
0xb0: {  	v3 =	vor.u32 $0x5, v1;
	v2 =	vld [tilespmem:s22+$0x2710];
	_ =	sdelay $0x4  }
0xb1: {  	[tilespmem:v3+s3+$0x0] =	vst.idx.msk $0xffff, v2  }
0xb2: {  	v3 =	vor.u32 $0x6, v1;
	v2 =	vld [tilespmem:s22+$0x2EE0];
	_ =	sdelay $0x4  }
0xb3: {  	[tilespmem:v3+s3+$0x0] =	vst.idx.msk $0xffff, v2  }
0xb4: {  	v3 =	vor.u32 $0x7, v1;
	v2 =	vld [tilespmem:s22+$0x36B0];
	_ =	sdelay $0x4  }
0xb5: {  	[tilespmem:v3+s3+$0x0] =	vst.idx.msk $0xffff, v2  }
0xb6: {  	v3 =	vor.u32 $0x8, v1;
	v2 =	vld [tilespmem:s22+$0x3E80];
	_ =	sdelay $0x4  }
0xb7: {  	[tilespmem:v3+s3+$0x0] =	vst.idx.msk $0xffff, v2  }
0xb8: {  	v3 =	vor.u32 $0x9, v1;
	v2 =	vld [tilespmem:s22+$0x4650];
	_ =	sdelay $0x4  }
0xb9: {  	[tilespmem:v3+s3+$0x0] =	vst.idx.msk $0xffff, v2  }
0xba: {  	v1 =	vor.u32 $0xA, v1;
	v2 =	vld [tilespmem:s22+$0x4E20]  }
0xbb: {  	p2 =	seq.s32 s18, $0x7  }
0xbc: {  	s20 =	sadd.s32 @!p2 s29, s20  }
0xbd: {  	s21 =	smul.u32 $0xFA0, s21;
	p3 =	sgt.u32 @!p2 s20, $0x1F3  }
0xbe: {  	p2 =	por p3, p2  }
0xbf: {  	s21 =	sadd.s32 s28, s21;
	s20 =	smul.u32 @!p2 $0xFA, s20;
	[tilespmem:v1+s3+$0x0] =	vst.idx.msk $0xffff, v2  }
0xc0: {  	[hbm4b:s21+s2] =	stream.linear.scatter [tilespmem:s3], [sflag:$0x3], $0x7D00, $0x38;
	[tilespmem:$0x1A5E0] =	vst v63  }
0xc1: {  	s22 =	simm.s32 @!p2 $0x0;
	s21 =	sadd.s32 @!p2 s4, s20  }
0xc2: {  	[tilespmem:s22], [sflag:$0x1] =	stream.linear.gather @!p2 [hbm4b:s21+s22], $0x7D0, $0x38;
	[tilespmem:$0x1A5E0] =	vst v63  }
0xc3: {  	s23 =	simm.s32 @!p2 $0x7D0;
	s21 =	sadd.s32 @!p2 s5, s20  }
0xc4: {  	[tilespmem:s23], [sflag:$0x1] =	stream.linear.gather @!p2 [hbm4b:s21+s22], $0x7D0, $0x38;
	[tilespmem:$0x1A5E0] =	vst v63  }
0xc5: {  	s21 =	sadd.s32 @!p2 s6, s20;
	s23 =	simm.s32 @!p2 $0xFA0  }
0xc6: {  	[tilespmem:s23], [sflag:$0x1] =	stream.linear.gather @!p2 [hbm4b:s21+s22], $0x7D0, $0x38;
	[tilespmem:$0x1A5E0] =	vst v63  }
0xc7: {  	s21 =	sadd.s32 @!p2 s7, s20;
	s23 =	simm.s32 @!p2 $0x1770  }
0xc8: {  	[tilespmem:s23], [sflag:$0x1] =	stream.linear.gather @!p2 [hbm4b:s21+s22], $0x7D0, $0x38;
	[tilespmem:$0x1A5E0] =	vst v63  }
0xc9: {  	s21 =	sadd.s32 @!p2 s8, s20;
	s23 =	simm.s32 @!p2 $0x1F40  }
0xca: {  	[tilespmem:s23], [sflag:$0x1] =	stream.linear.gather @!p2 [hbm4b:s21+s22], $0x7D0, $0x38;
	[tilespmem:$0x1A5E0] =	vst v63  }
0xcb: {  	s21 =	sadd.s32 @!p2 s9, s20;
	s23 =	simm.s32 @!p2 $0x2710  }
0xcc: {  	[tilespmem:s23], [sflag:$0x1] =	stream.linear.gather @!p2 [hbm4b:s21+s22], $0x7D0, $0x38;
	[tilespmem:$0x1A5E0] =	vst v63  }
0xcd: {  	s21 =	sadd.s32 @!p2 s11, s20;
	s23 =	simm.s32 @!p2 $0x2EE0  }
0xce: {  	[tilespmem:s23], [sflag:$0x1] =	stream.linear.gather @!p2 [hbm4b:s21+s22], $0x7D0, $0x38;
	[tilespmem:$0x1A5E0] =	vst v63  }
0xcf: {  	s21 =	sadd.s32 @!p2 s12, s20;
	s23 =	simm.s32 @!p2 $0x36B0  }
0xd0: {  	[tilespmem:s23], [sflag:$0x1] =	stream.linear.gather @!p2 [hbm4b:s21+s22], $0x7D0, $0x38;
	[tilespmem:$0x1A5E0] =	vst v63  }
0xd1: {  	s21 =	sadd.s32 @!p2 s13, s20;
	s23 =	simm.s32 @!p2 $0x3E80  }
0xd2: {  	[tilespmem:s23], [sflag:$0x1] =	stream.linear.gather @!p2 [hbm4b:s21+s22], $0x7D0, $0x38;
	[tilespmem:$0x1A5E0] =	vst v63  }
.Ltmp5:
0xd3: {  	_ = 	snop;
	(pc) =	sbr.rel @p0 .LBB2_8-.Ltmp5, $4  }
0xd4: {  	s21 =	sadd.s32 @!p2 s1, s20;
	s23 =	simm.s32 @!p2 $0x4650  }
0xd5: {  	[tilespmem:s23], [sflag:$0x1] =	stream.linear.gather @!p2 [hbm4b:s21+s22], $0x7D0, $0x38;
	[tilespmem:$0x1A5E0] =	vst v63  }
0xd6: {  	s20 =	sadd.s32 @!p2 s14, s20;
	s21 =	simm.s32 @!p2 $0x4E20  }
0xd7: {  	[tilespmem:s21], [sflag:$0x1] =	stream.linear.gather @!p2 [hbm4b:s20+s22], $0x7D0, $0x38;
	[tilespmem:$0x1A5E0] =	vst v63  }
0xd8: {  	_ =	swait.ge [sflag:s30], $0x7D0  }
0xd9: {  	[sflag:s30] =	ssyncset.done $0x0  }
0xda: {  	[sflag:s30] =	ssyncadd.s32 $0xFFFFF830  }
0xdb: {  	_ =	swait.ge [sflag:s30], $0x7D0  }
0xdc: {  	[sflag:s30] =	ssyncset.done $0x0  }
0xdd: {  	[sflag:s30] =	ssyncadd.s32 $0xFFFFF830  }
0xde: {  	_ =	swait.ge [sflag:s30], $0x7D0  }
0xdf: {  	[sflag:s30] =	ssyncset.done $0x0  }
0xe0: {  	[sflag:s30] =	ssyncadd.s32 $0xFFFFF830  }
0xe1: {  	_ =	swait.ge [sflag:s30], $0x7D0  }
0xe2: {  	[sflag:s30] =	ssyncset.done $0x0  }
0xe3: {  	[sflag:s30] =	ssyncadd.s32 $0xFFFFF830  }
0xe4: {  	_ =	swait.ge [sflag:s30], $0x7D0  }
0xe5: {  	[sflag:s30] =	ssyncset.done $0x0  }
0xe6: {  	[sflag:s30] =	ssyncadd.s32 $0xFFFFF830  }
0xe7: {  	_ =	swait.ge [sflag:s30], $0x7D0  }
0xe8: {  	[sflag:s30] =	ssyncset.done $0x0  }
0xe9: {  	[sflag:s30] =	ssyncadd.s32 $0xFFFFF830  }
0xea: {  	_ =	swait.ge [sflag:s30], $0x7D0  }
0xeb: {  	[sflag:s30] =	ssyncset.done $0x0  }
0xec: {  	[sflag:s30] =	ssyncadd.s32 $0xFFFFF830  }
0xed: {  	_ =	swait.ge [sflag:s30], $0x7D0  }
0xee: {  	[sflag:s30] =	ssyncset.done $0x0  }
0xef: {  	[sflag:s30] =	ssyncadd.s32 $0xFFFFF830  }
0xf0: {  	_ =	swait.ge [sflag:s30], $0x7D0  }
0xf1: {  	[sflag:s30] =	ssyncset.done $0x0  }
0xf2: {  	[sflag:s30] =	ssyncadd.s32 $0xFFFFF830  }
0xf3: {  	_ =	swait.ge [sflag:s30], $0x7D0  }
0xf4: {  	[sflag:s30] =	ssyncset.done $0x0  }
0xf5: {  	[sflag:s30] =	ssyncadd.s32 $0xFFFFF830  }
0xf6: {  	_ =	swait.ge [sflag:s30], $0x7D0  }
0xf7: {  	[sflag:s30] =	ssyncset.done $0x0  }
0xf8: {  	s20 =	simm.s32 @!p1 $0x4;
	[sflag:s30] =	ssyncadd.s32 $0xFFFFF830  }
0xf9: {  	s21 =	simm.s32 $0x0;
	_ =	swait.ge @!p1 [sflag:s20], $0x7D00  }
0xfa: {  	v1 =	vmov s21;
	[sflag:s20] =	ssyncset.done @!p1 $0x0  }
0xfb: {  	s22 =	simm.s32 $0x0;
	v1 =	vshll.u32 v1, $0x4;
	[sflag:s20] =	ssyncadd.s32 @!p1 $0xFFFF8300  }
0xfc: {  	v2 =	vor.u32 v0, v1;
	v1 =	vld [tilespmem:s22+$0x55F0];
	_ =	sdelay $0x4  }
0xfd: {  	[tilespmem:v2+s31+$0x0] =	vst.idx.msk $0xffff, v1  }
0xfe: {  	v3 =	vor.u32 $0x1, v2;
	v1 =	vld [tilespmem:s22+$0x5DC0];
	_ =	sdelay $0x4  }
0xff: {  	[tilespmem:v3+s31+$0x0] =	vst.idx.msk $0xffff, v1  }
0x100: {  	v3 =	vor.u32 $0x2, v2;
	v1 =	vld [tilespmem:s22+$0x6590];
	_ =	sdelay $0x4  }
0x101: {  	[tilespmem:v3+s31+$0x0] =	vst.idx.msk $0xffff, v1  }
0x102: {  	v3 =	vor.u32 $0x3, v2;
	v1 =	vld [tilespmem:s22+$0x6D60];
	_ =	sdelay $0x4  }
0x103: {  	[tilespmem:v3+s31+$0x0] =	vst.idx.msk $0xffff, v1  }
0x104: {  	v3 =	vor.u32 $0x4, v2;
	v1 =	vld [tilespmem:s22+$0x7530];
	_ =	sdelay $0x4  }
0x105: {  	[tilespmem:v3+s31+$0x0] =	vst.idx.msk $0xffff, v1  }
0x106: {  	v3 =	vor.u32 $0x5, v2;
	v1 =	vld [tilespmem:s22+$0x7D00];
	_ =	sdelay $0x4  }
0x107: {  	[tilespmem:v3+s31+$0x0] =	vst.idx.msk $0xffff, v1  }
0x108: {  	v3 =	vor.u32 $0x6, v2;
	v1 =	vld [tilespmem:s22+$0x84D0];
	_ =	sdelay $0x4  }
0x109: {  	[tilespmem:v3+s31+$0x0] =	vst.idx.msk $0xffff, v1  }
0x10a: {  	v3 =	vor.u32 $0x7, v2;
	v1 =	vld [tilespmem:s22+$0x8CA0];
	_ =	sdelay $0x4  }
0x10b: {  	[tilespmem:v3+s31+$0x0] =	vst.idx.msk $0xffff, v1  }
0x10c: {  	v3 =	vor.u32 $0x8, v2;
	v1 =	vld [tilespmem:s22+$0x9470];
	_ =	sdelay $0x4  }
0x10d: {  	[tilespmem:v3+s31+$0x0] =	vst.idx.msk $0xffff, v1  }
0x10e: {  	v3 =	vor.u32 $0x9, v2;
	v1 =	vld [tilespmem:s22+$0x9C40];
	_ =	sdelay $0x4  }
0x10f: {  	[tilespmem:v3+s31+$0x0] =	vst.idx.msk $0xffff, v1  }
0x110: {  	v2 =	vor.u32 $0xA, v2;
	v1 =	vld [tilespmem:s22+$0xA410];
	_ =	sdelay $0x2  }
0x111: {  	s20 =	simm.s32 $0x10  }
0x112: {  	s21 =	simm.s32 $0x40;
	v3 =	vmov s20;
	s22 =	simm.s32 $0x80  }
.LBB2_6:
0x113: {  	p0 =	sne.s32 s22, $0x1F00;
	v3 =	vshll.u32 v3, $0x4;
	s23 =	sshra.s32 s21, $0x2;
	[tilespmem:v2+s31+$0x0] =	vst.idx.msk $0xffff, v1;
	s21 =	smov.u32 s22  }
0x114: {  	v2 =	vor.u32 v0, v3;
	v1 =	vld [tilespmem:s23+$0x55F0];
	_ =	sdelay $0x4  }
0x115: {  	[tilespmem:v2+s31+$0x0] =	vst.idx.msk $0xffff, v1  }
0x116: {  	v3 =	vor.u32 $0x1, v2;
	v1 =	vld [tilespmem:s23+$0x5DC0];
	_ =	sdelay $0x4  }
0x117: {  	[tilespmem:v3+s31+$0x0] =	vst.idx.msk $0xffff, v1  }
0x118: {  	v3 =	vor.u32 $0x2, v2;
	v1 =	vld [tilespmem:s23+$0x6590];
	_ =	sdelay $0x4  }
0x119: {  	[tilespmem:v3+s31+$0x0] =	vst.idx.msk $0xffff, v1  }
0x11a: {  	v3 =	vor.u32 $0x3, v2;
	v1 =	vld [tilespmem:s23+$0x6D60];
	_ =	sdelay $0x4  }
0x11b: {  	[tilespmem:v3+s31+$0x0] =	vst.idx.msk $0xffff, v1  }
0x11c: {  	v3 =	vor.u32 $0x4, v2;
	v1 =	vld [tilespmem:s23+$0x7530];
	_ =	sdelay $0x4  }
0x11d: {  	[tilespmem:v3+s31+$0x0] =	vst.idx.msk $0xffff, v1  }
0x11e: {  	v3 =	vor.u32 $0x5, v2;
	v1 =	vld [tilespmem:s23+$0x7D00];
	_ =	sdelay $0x4  }
0x11f: {  	[tilespmem:v3+s31+$0x0] =	vst.idx.msk $0xffff, v1  }
0x120: {  	v3 =	vor.u32 $0x6, v2;
	v1 =	vld [tilespmem:s23+$0x84D0];
	_ =	sdelay $0x4  }
0x121: {  	[tilespmem:v3+s31+$0x0] =	vst.idx.msk $0xffff, v1  }
0x122: {  	v3 =	vor.u32 $0x7, v2;
	v1 =	vld [tilespmem:s23+$0x8CA0];
	_ =	sdelay $0x4  }
0x123: {  	[tilespmem:v3+s31+$0x0] =	vst.idx.msk $0xffff, v1  }
0x124: {  	v3 =	vor.u32 $0x8, v2;
	v1 =	vld [tilespmem:s23+$0x9470];
	_ =	sdelay $0x4  }
0x125: {  	[tilespmem:v3+s31+$0x0] =	vst.idx.msk $0xffff, v1  }
0x126: {  	v3 =	vor.u32 $0x9, v2;
	v1 =	vld [tilespmem:s23+$0x9C40];
	_ =	sdelay $0x4  }
0x127: {  	[tilespmem:v3+s31+$0x0] =	vst.idx.msk $0xffff, v1  }
.Ltmp6:
0x128: {  	v2 =	vor.u32 $0xA, v2;
	v1 =	vld [tilespmem:s23+$0xA410];
	(pc) =	sbr.rel @p0 .LBB2_6-.Ltmp6, $3  }
0x129: {  	_ =	sdelay $0x1  }
0x12a: {  	s20 =	sadd.s32 $0x10, s20  }
0x12b: {  	s22 =	sadd.s32 $0x40, s22;
	v3 =	vmov s20  }
0x12c: {  	_ =	sdelay $0x3  }
0x12d: {  	v3 =	vshll.u32 v3, $0x4;
	s20 =	sshra.s32 s21, $0x2;
	[tilespmem:v2+s31+$0x0] =	vst.idx.msk $0xffff, v1  }
0x12e: {  	v1 =	vor.u32 v0, v3;
	v2 =	vld [tilespmem:s20+$0x55F0];
	_ =	sdelay $0x4  }
0x12f: {  	[tilespmem:v1+s31+$0x0] =	vst.idx.msk $0xffff, v2  }
0x130: {  	v3 =	vor.u32 $0x1, v1;
	v2 =	vld [tilespmem:s20+$0x5DC0];
	_ =	sdelay $0x4  }
0x131: {  	[tilespmem:v3+s31+$0x0] =	vst.idx.msk $0xffff, v2  }
0x132: {  	v3 =	vor.u32 $0x2, v1;
	v2 =	vld [tilespmem:s20+$0x6590];
	_ =	sdelay $0x4  }
0x133: {  	[tilespmem:v3+s31+$0x0] =	vst.idx.msk $0xffff, v2  }
0x134: {  	v3 =	vor.u32 $0x3, v1;
	v2 =	vld [tilespmem:s20+$0x6D60];
	_ =	sdelay $0x4  }
0x135: {  	[tilespmem:v3+s31+$0x0] =	vst.idx.msk $0xffff, v2  }
0x136: {  	v3 =	vor.u32 $0x4, v1;
	v2 =	vld [tilespmem:s20+$0x7530];
	_ =	sdelay $0x4  }
0x137: {  	[tilespmem:v3+s31+$0x0] =	vst.idx.msk $0xffff, v2  }
0x138: {  	v3 =	vor.u32 $0x5, v1;
	v2 =	vld [tilespmem:s20+$0x7D00];
	_ =	sdelay $0x4  }
0x139: {  	[tilespmem:v3+s31+$0x0] =	vst.idx.msk $0xffff, v2  }
0x13a: {  	v3 =	vor.u32 $0x6, v1;
	v2 =	vld [tilespmem:s20+$0x84D0];
	_ =	sdelay $0x4  }
0x13b: {  	[tilespmem:v3+s31+$0x0] =	vst.idx.msk $0xffff, v2  }
0x13c: {  	v3 =	vor.u32 $0x7, v1;
	v2 =	vld [tilespmem:s20+$0x8CA0];
	_ =	sdelay $0x4  }
0x13d: {  	[tilespmem:v3+s31+$0x0] =	vst.idx.msk $0xffff, v2  }
0x13e: {  	v3 =	vor.u32 $0x8, v1;
	v2 =	vld [tilespmem:s20+$0x9470];
	_ =	sdelay $0x4  }
0x13f: {  	[tilespmem:v3+s31+$0x0] =	vst.idx.msk $0xffff, v2  }
0x140: {  	v3 =	vor.u32 $0x9, v1;
	v2 =	vld [tilespmem:s20+$0x9C40];
	_ =	sdelay $0x4  }
0x141: {  	[tilespmem:v3+s31+$0x0] =	vst.idx.msk $0xffff, v2  }
0x142: {  	v1 =	vor.u32 $0xA, v1;
	v2 =	vld [tilespmem:s20+$0xA410];
	_ =	sdelay $0x1  }
.Ltmp7:
0x143: {  	_ = 	snop;
	(pc) =	sbr.rel .LBB2_8-.Ltmp7, $3  }
0x144: {  	s19 =	smul.u32 $0xFA0, s19;
	_ =	sdelay $0x1  }
0x145: {  	s19 =	sadd.s32 s28, s19;
	[tilespmem:v1+s31+$0x0] =	vst.idx.msk $0xffff, v2  }
0x146: {  	[hbm4b:s19+s2] =	stream.linear.scatter [tilespmem:s31], [sflag:$0x4], $0x7D00, $0x38;
	[tilespmem:$0x1A5E0] =	vst v63  }
.LBB2_10:
0x147: {  	_ =	sfence.sel $0x180000  }
0x148: {  	[bflag:$0x0] =	sbarrier.arrive $0xFFFF  }
0x149: {  	_ =	strace $0x90000047  }
0x14a: {  	s0 =	stileid.u32;
	[bflag:$0x2] =	sbarrier.arrive $0xFFFF  }
0x14b: {  	p0 =	sne.s32 s0, $0x0;
	s0 =	rddreg [dreg:$0x1]  }
0x14c: {  	s0 =	sadd.s32 @!p0 $0x100000, s0  }
0x14d: {  	[sflag:s0] =	ssyncadd.tile.s32 @!p0 $0x1;
	_ =	shalt  }
.Lfunc_end2:
_tile_overlayer_lowered:
.L_overlay_start_2:
0x14e: {  	(tag) =	ssettag $0x2  }
0x14f: {  	s0 =	rddreg [dreg:$0x0];
	s2 =	stileid.u32  }
0x150: {  	s1 =	rddreg [dreg:$0x1];
	p0 =	sne.s32 s2, $0x0  }
0x151: {  	s3 =	rddreg [dreg:$0x2];
	[bflag:$0x3] =	sbarrier.arrive $0xFFFF;
	s2 =	simm.s32 @!p0 $0x1C05  }
0x152: {  	[timem:s3], [sflag:s2] =	dma.local @!p0 [hbm:s0], s1  }
0x153: {  	s0 =	simm.s32 @!p0 $0x5  }
0x154: {  	_ =	swait.ge @!p0 [sflag:s0], s1  }
0x155: {  	s1 =	ssub.s32 @!p0 $0x0, s1;
	[sflag:s0] =	ssyncset.done @!p0 $0x0  }
0x156: {  	[sflag:s0] =	ssyncadd.s32 @!p0 s1  }
0x157: {  	[bflag:$0x3] =	sbarrier.arrive $0xFFFF  }
0x158: {  	_ =	shalt  }

// kernel: kernel.7.cloned.1.call-start
scs
__scs_entry_jumppad:
0x0: {  	(pc) =	sbr.rel $0x88, $3  }
0x1: {  	(tag) =	ssettag $0x0;
	lr =	simm.s32 $0x1  }
0x2: {  	[smem:$0x3F9C] =	sst lr;
	_ =	strace $0xD0000000  }
0x3: {  	_ = 	snop  }
0x4: {  	_ = 	snop  }
0x5: {  	_ = 	snop  }
0x6: {  	_ = 	snop  }
0x7: {  	_ = 	snop  }
__scs_overlays_trampoline_lowered:
0x8: {  	[smem:$0x3FAB] =	sst s0  }
0x9: {  	[smem:$0x3FAC] =	sst s1  }
0xa: {  	[smem:$0x3FAD] =	sst s2  }
0xb: {  	[smem:$0x3FAE] =	sst s3  }
0xc: {  	[smem:$0x3FAF] =	sst s4  }
0xd: {  	[smem:$0x3FB0] =	sst s5  }
0xe: {  	[smem:$0x3FB1] =	sst s6  }
0xf: {  	[smem:$0x3FB2] =	sst s7  }
0x10: {  	[smem:$0x3FB3] =	sst s8  }
0x11: {  	[smem:$0x3FB4] =	sst s9;
	s0 =	simm.s32 @!p0 $0x0  }
0x12: {  	s1 =	sld [smem:$0x3F9A];
	s0 =	simm.s32 @p0 $0x1  }
0x13: {  	[smem:$0x3FB5] =	sst s0;
	s0 =	simm.s32 @!p1 $0x0  }
0x14: {  	s2 =	sld [smem:$0x3F99];
	s0 =	simm.s32 @p1 $0x1  }
0x15: {  	[smem:$0x3FB6] =	sst s0;
	s0 =	simm.s32 @!p2 $0x0  }
0x16: {  	s3 =	sld [smem:$0x3FDB];
	s0 =	simm.s32 @p2 $0x1  }
0x17: {  	s4 =	simm.s32 $0x1BF5;
	[smem:$0x3FB8] =	sst s0  }
0x18: {  	s0 =	sld [smem:$0x3F9B];
	_ =	swait.ge [sflag:s4], $0x0  }
0x19: {  	s7 =	sld [smem:$0x3F9C]  }
0x1a: {  	s8 =	sadd.s32 $0xFFFFE003, lr  }
0x1b: {  	s9 =	sadd.s32 $0xFFFFFEF7, lr;
	s5 =	simm.s32 $0xFFFFFFFF;
	p2 =	slt.u32 s8, $0xFFFFF086  }
0x1c: {  	p1 =	slt.u32 s9, $0xF7A;
	s5 =	simm.s32 @!p2 $0x0  }
0x1d: {  	s5 =	simm.s32 @p1 $0x1;
	p0 =	seq.s32 s7, s2  }
0x1e: {  	s7 =	smul.u32 @!p0 $0xF7A, s2;
	p2 =	seq.s32 @!p0 s5, $0x0  }
0x1f: {  	s9 =	smul.u32 $0xF7A, s1;
	s8 =	simm.s32 @!p0 $0x1BF5;
	p2 =	por !p2, p0  }
0x20: {  	[sflag:s8] =	ssyncset.s32 @!p0 $0xFFFFF086;
	s6 =	sadd.s32 @!p0 s3, s7;
	s7 =	simm.s32 @!p0 $0x108  }
0x21: {  	s3 =	sadd.s32 s3, s9;
	s6 =	sadd.s32 @!p0 $0x88, s6;
	s7 =	simm.s32 @p2 $0x1082  }
0x22: {  	[simem:s7], [sflag:s8] =	dma.local @!p0 [hbm:s6], $0xF7A  }
0x23: {  	s9 =	sor.u32 $0xD0000000, s2;
	s6 =	simm.s32 $0x108;
	_ =	swait.ge @!p0 [sflag:s8], $0x0  }
0x24: {  	s3 =	sadd.s32 $0x88, s3;
	s6 =	simm.s32 @!p1 $0x1082;
	[sflag:s4] =	ssyncset.s32 $0xFFFFF086  }
0x25: {  	[simem:s6], [sflag:s4] =	dma.local [hbm:s3], $0xF7A  }
0x26: {  	[smem:$0x3F9C] =	sst s1;
	(tag) =	ssettag s2;
	_ =	strace s9  }
0x27: {  	s1 =	sld [smem:$0x3FAC]  }
0x28: {  	s2 =	sld [smem:$0x3FAD]  }
0x29: {  	s4 =	sld [smem:$0x3FAF]  }
0x2a: {  	p0 =	seq.s32 s5, $0x0;
	s5 =	sld [smem:$0x3FB0]  }
0x2b: {  	s6 =	sld [smem:$0x3FB1]  }
0x2c: {  	s7 =	sld [smem:$0x3FB2]  }
0x2d: {  	s3 =	simm.s32 $0x108;
	s8 =	sld [smem:$0x3FB3]  }
0x2e: {  	s3 =	simm.s32 @!p0 $0x1082;
	s9 =	sld [smem:$0x3FB4]  }
0x2f: {  	lr =	sadd.s32 s0, s3;
	s0 =	sld [smem:$0x3FAB]  }
0x30: {  	s3 =	sld [smem:$0x3FAE]  }
0x31: {  	[smem:$0x3FB7] =	sst s10  }
0x32: {  	s10 =	sld [smem:$0x3FB5];
	_ =	sdelay $0x3  }
0x33: {  	p0 =	seq.s32 s10, $0x1;
	s10 =	sld [smem:$0x3FB7];
	_ =	sdelay $0x3  }
0x34: {  	[smem:$0x3FB7] =	sst s10  }
0x35: {  	s10 =	sld [smem:$0x3FB6];
	_ =	sdelay $0x3  }
0x36: {  	p1 =	seq.s32 s10, $0x1;
	s10 =	sld [smem:$0x3FB7];
	_ =	sdelay $0x3  }
0x37: {  	[smem:$0x3FB7] =	sst s10  }
0x38: {  	s10 =	sld [smem:$0x3FB8]  }
0x39: {  	_ = 	snop;
	(pc) =	sbr.ind lr, $3  }
0x3a: {  	_ = 	snop  }
0x3b: {  	_ = 	snop  }
0x3c: {  	p2 =	seq.s32 s10, $0x1;
	s10 =	sld [smem:$0x3FB7]  }
0x3d: {  	_ =	shalt  }
0x3e: {  	_ =	shalt  }
0x3f: {  	_ =	shalt  }
0x40: {  	_ =	shalt  }
0x41: {  	_ =	shalt  }
0x42: {  	_ =	shalt  }
0x43: {  	_ =	shalt  }
0x44: {  	_ =	shalt  }
0x45: {  	_ =	shalt  }
0x46: {  	_ =	shalt  }
0x47: {  	_ =	shalt  }
0x48: {  	_ =	shalt  }
0x49: {  	_ =	shalt  }
0x4a: {  	_ =	shalt  }
0x4b: {  	_ =	shalt  }
0x4c: {  	_ =	shalt  }
0x4d: {  	_ =	shalt  }
0x4e: {  	_ =	shalt  }
0x4f: {  	_ =	shalt  }
0x50: {  	_ =	shalt  }
0x51: {  	_ =	shalt  }
0x52: {  	_ =	shalt  }
0x53: {  	_ =	shalt  }
0x54: {  	_ =	shalt  }
0x55: {  	_ =	shalt  }
0x56: {  	_ =	shalt  }
0x57: {  	_ =	shalt  }
0x58: {  	_ =	shalt  }
0x59: {  	_ =	shalt  }
0x5a: {  	_ =	shalt  }
0x5b: {  	_ =	shalt  }
0x5c: {  	_ =	shalt  }
0x5d: {  	_ =	shalt  }
0x5e: {  	_ =	shalt  }
0x5f: {  	_ =	shalt  }
0x60: {  	_ =	shalt  }
0x61: {  	_ =	shalt  }
0x62: {  	_ =	shalt  }
0x63: {  	_ =	shalt  }
0x64: {  	_ =	shalt  }
0x65: {  	_ =	shalt  }
0x66: {  	_ =	shalt  }
0x67: {  	_ =	shalt  }
0x68: {  	_ =	shalt  }
0x69: {  	_ =	shalt  }
0x6a: {  	_ =	shalt  }
0x6b: {  	_ =	shalt  }
0x6c: {  	_ =	shalt  }
0x6d: {  	_ =	shalt  }
0x6e: {  	_ =	shalt  }
0x6f: {  	_ =	shalt  }
0x70: {  	_ =	shalt  }
0x71: {  	_ =	shalt  }
0x72: {  	_ =	shalt  }
0x73: {  	_ =	shalt  }
0x74: {  	_ =	shalt  }
0x75: {  	_ =	shalt  }
0x76: {  	_ =	shalt  }
0x77: {  	_ =	shalt  }
0x78: {  	_ =	shalt  }
0x79: {  	_ =	shalt  }
0x7a: {  	_ =	shalt  }
0x7b: {  	_ =	shalt  }
0x7c: {  	_ =	shalt  }
0x7d: {  	_ =	shalt  }
0x7e: {  	_ =	shalt  }
0x7f: {  	_ =	shalt  }
0x80: {  	_ =	shalt  }
0x81: {  	_ =	shalt  }
0x82: {  	_ =	shalt  }
0x83: {  	_ =	shalt  }
0x84: {  	_ =	shalt  }
0x85: {  	_ =	shalt  }
0x86: {  	_ =	shalt  }
0x87: {  	_ =	shalt  }
.Lfunc_end0:
.L_simem_size_0:
called_computation.1_lowered:
.L_overlay_start_0:
0x88: {  	s2 =	sld [smem:$0x3FD9]  }
0x89: {  	s3 =	sld [smem:$0x3FFE];
	_ =	sdelay $0x1  }
0x8a: {  	s1 =	srdreg.scid  }
0x8b: {  	s0 =	sand.u32 $0x1, s1  }
0x8c: {  	s17 =	sshll.u32 s0, $0xA;
	s2 =	sadd.s32 s3, s2  }
0x8d: {  	s2 =	sadd.s32 s2, s17  }
0x8e: {  	[smem:$0x3FC3] =	sst s2  }
0x8f: {  	_ = 	snop  }
0x90: {  	s2 =	sld [smem:$0x3FD0];
	(tm) =	ssettm $0x1  }
0x91: {  	s18 =	sld [smem:$0x3FFB];
	_ =	sdelay $0x3  }
0x92: {  	_ =	strace s18  }
0x93: {  	s3 =	sld [smem:$0x3FFC];
	_ =	sdelay $0x3  }
0x94: {  	_ =	strace s3  }
0x95: {  	s3 =	sld [smem:$0x3FFD];
	_ =	sdelay $0x3  }
0x96: {  	_ =	strace s3  }
0x97: {  	_ =	strace $0x8FFFFFFF  }
0x98: {  	s19 =	sld [smem:$0x3FDB];
	_ =	sdelay $0x1  }
0x99: {  	s4 =	simm.s32 $_scs_section_size  }
0x9a: {  	s5 =	simm.s32 $_size__tile_overlayer_lowered;
	s6 =	simm.s32 $_tile_overlayer_lowered  }
0x9b: {  	s22 =	simm.s32 $0x1BFF;
	s21 =	sshll.u32 s6, $0x1;
	s3 =	sadd.s32 s4, s19  }
0x9c: {  	s7 =	simm.s32 $0x0;
	s20 =	sshll.u32 s5, $0x1;
	s5 =	sadd.s32 s21, s3  }
0x9d: {  	[timem:s7], [sflag:s22] =	dma.local [hbm:s5], s20  }
0x9e: {  	_ =	swait.ge [sflag:s22], s20  }
0x9f: {  	s4 =	ssub.s32 $0x0, s20;
	[sflag:s22] =	ssyncset.done $0x0  }
0xa0: {  	[sflag:s22] =	ssyncadd.s32 s4;
	_ =	sdelay $0x1  }
0xa1: {  	s23 =	simm.s32 $0x1B8B  }
0xa2: {  	_ =	swait.ge [sflag:s23], $0x1  }
0xa3: {  	[sflag:s23] =	ssyncset.done $0x0  }
0xa4: {  	s25 =	simm.s32 $0x1B8E;
	s24 =	sld [smem:$0x3FFE];
	[sflag:s23] =	ssyncadd.s32 $0xFFFFFFFF  }
0xa5: {  	s26 =	simm.s32 $execute0_lowered;
	[smem:$0x3FD2] =	sst s25  }
0xa6: {  	s5 =	sshll.u32 s26, $0x1;
	_ =	strace $0x80000049;
	[dreg:$0x1] =	wrdreg $0xFFFFFFFF  }
0xa7: {  	s28 =	simm.s32 $_size_execute0_lowered;
	s3 =	sadd.s32 s3, s5;
	[dreg:$0x0] =	wrdreg $0x0  }
0xa8: {  	s5 =	sshll.u32 s28, $0x1;
	[dreg:$0x2] =	wrdreg s3  }
0xa9: {  	[dreg:$0x3] =	wrdreg s5  }
0xaa: {  	[dreg:$0x4] =	wrdreg $0xC0  }
0xab: {  	_ =	task [dreg:s7], $0x5FFFF  }
0xac: {  	[dreg:$0x1] =	wrdreg $0xFFFFFFFF  }
0xad: {  	[dreg:$0x0] =	wrdreg $0x60  }
0xae: {  	[dreg:$0x2] =	wrdreg s24  }
0xaf: {  	[dreg:$0x3] =	wrdreg s2  }
0xb0: {  	[dreg:$0x4] =	wrdreg $0x9  }
0xb1: {  	_ =	task.clear_ibuf [dreg:s7], $0x5FFFF;
	_ =	strace $0x90000049  }
0xb2: {  	s29 =	simm.s32 $0x9;
	_ =	strace $0x8000004B  }
0xb3: {  	_ =	swait.ge [sflag:s29], $0x1  }
0xb4: {  	[sflag:s29] =	ssyncadd.s32 $0xFFFFFFFF  }
0xb5: {  	_ =	strace $0x9000004B  }
0xb6: {  	_ =	sfence  }
0xb7: {  	s30 =	sld [smem:$0x0];
	_ =	sdelay $0x2  }
0xb8: {  	s31 =	sshll.u32 s1, $0xD;
	s1 =	sshrl.u32 s1, $0x2  }
0xb9: {  	s3 =	sand.u32 $0x4000, s31;
	s1 =	sadd.s32 s1, s30  }
0xba: {  	s0 =	sor.u32 s3, s0;
	s1 =	sshll.u32 s1, $0x11  }
0xbb: {  	s0 =	sor.u32 s1, s0  }
0xbc: {  	s0 =	sadd.s32 $0x8F2B, s0  }
0xbd: {  	[sflag:s0] =	ssyncadd.remote.s32 $0x1  }
0xbe: {  	_ =	sfence.sel $0xFFFF  }
0xbf: {  	[dreg:$0x0] =	wrdreg $0xFFFFFFFF;
	(pc) =	sbr.abs _section_cstart, $3  }
0xc0: {  	[dreg:$0x1] =	wrdreg $0xFFFFFFFF  }
0xc1: {  	_ =	task.clear_ibuf [dreg:s7], $0x2FFFF;
	_ =	strace $0x9FFFFFFF  }
0xc2: {  	(tm) =	ssettm $0x7FFFFFFF  }
0xc3: {  	_ =	shalt  }
tec
execute0_lowered:
.L_overlay_start_1:
0x0: {  	(tag) =	ssettag $0x1  }
0x1: {  	s2 =	rddreg [dreg:$0x0];
	s1 =	srdreg.scid  }
0x2: {  	s0 =	stileid.u32;
	s7 =	rddreg [dreg:$0x1];
	s3 =	simm.s32 $0x0  }
0x3: {  	s11 =	simm.s32 $0x3400;
	s12 =	simm.s32 $0x340;
	s13 =	simm.s32 $0x6800  }
0x4: {  	s14 =	simm.s32 $0x9C00;
	s15 =	simm.s32 $0x1;
	s16 =	simm.s32 $0x2  }
0x5: {  	s17 =	simm.s32 $0xD010;
	s4 =	sand.u32 $0x1, s1;
	s1 =	rddreg [dreg:$0x2]  }
0x6: {  	s18 =	simm.s32 $0x0;
	s5 =	sshll.u32 s0, $0x1;
	[smem:$0x7FF] =	sst s3  }
0x7: {  	s8 =	sor.u32 s4, s5;
	s6 =	ssub.s32 $0x2, s4;
	_ =	strace $0x8000004A  }
0x8: {  	s5 =	smul.u32 $0x680, s8;
	s9 =	sshrl.u32 s6, $0x1;
	s8 =	sshll.u32 s8, $0x6  }
0x9: {  	s4 =	sadd.s32 $0x150E00, s2;
	s9 =	ssub.s32 s6, s9;
	s7 =	sadd.s32 s7, s8  }
0xa: {  	v0 =	vlaneseq.u32;
	s10 =	sadd.s32 s5, s2;
	s8 =	smax.u32 s9, $0x1;
	s9 =	simm.s32 $0xD000  }
0xb: {  	v0 =	vmul.u32 $0x1A, v0;
	s5 =	sadd.s32 $0x346400, s10;
	s6 =	sadd.s32 $0x339400, s10;
	s10 =	simm.s32 $0x3  }
.LBB2_1:
0xc: {  	[tilespmem:s9], [sflag:$0x3] =	stream.linear.gather [hbm4b:s2+s3], $0x10, $0x38;
	[tilespmem:$0xD210] =	vst v63  }
0xd: {  	_ =	swait.ge [sflag:s10], $0x10  }
0xe: {  	[sflag:s10] =	ssyncset.done $0x0  }
0xf: {  	[sflag:s10] =	ssyncadd.s32 $0xFFFFFFF0  }
0x10: {  	[tilespmem:s3], [sflag:$0x3] =	stream.linear.gather [hbm4b:s5+s3], $0x3400, $0x38;
	[tilespmem:$0xD210] =	vst v63  }
0x11: {  	_ =	swait.ge [sflag:s10], $0x3400  }
0x12: {  	[sflag:s10] =	ssyncset.done $0x0  }
0x13: {  	[sflag:s10] =	ssyncadd.s32 $0xFFFFCC00  }
0x14: {  	[tilespmem:s11], [sflag:$0x3] =	stream.linear.gather [hbm4b:s6+s3], $0x3400, $0x38;
	[tilespmem:$0xD210] =	vst v63  }
0x15: {  	_ =	swait.ge [sflag:s10], $0x3400  }
0x16: {  	[sflag:s10] =	ssyncset.done $0x0  }
0x17: {  	s19 =	simm.s32 $0x0;
	[sflag:s10] =	ssyncadd.s32 $0xFFFFCC00  }
0x18: {  	v1 =	vld [tilespmem:$0xD000];
	[tilespmem:s13], [sflag:$0x1] =	stream.indirect.gather [hbm4b:s4+s12], $0x10, s3, s12, $0xb8  }
.LBB2_2:
0x19: {  	s21 =	sshllo.u32 s19, $0x1  }
0x1a: {  	s20 =	smul.u32 $0x340, s21  }
0x1b: {  	s22 =	smul.u32 $0x1A00, s19;
	s23 =	sshll.u32 s19, $0x6;
	p1 =	por $0x1, $0x1  }
0x1c: {  	[tilespmem:s14], [sflag:$0x2] =	stream.indirect.gather [hbm4b:s4+s12], $0x10, s20, s12, $0xb8;
	[tilespmem:$0xD210] =	vst v63  }
0x1d: {  	s25 =	sand.u32 $0x3FFFFFC0, s23;
	s24 =	sshra.s32 s22, $0x2;
	_ =	swait.ge [sflag:s15], $0x3400  }
0x1e: {  	s25 =	sadd.s32 $0xD010, s25;
	s23 =	sadd.s32 $0x3400, s24;
	[sflag:s15] =	ssyncset.done $0x0  }
0x1f: {  	s24 =	simm.s32 $0x0;
	v2 =	vmov s25;
	s25 =	simm.s32 $0x0;
	[sflag:s15] =	ssyncadd.s32 $0xFFFFCC00  }
.LBB2_3:
0x20: {  	v3 =	vmov s25  }
0x21: {  	v9 =	vmul.u32 $0x1A, v3;
	_ =	sdelay $0x1  }
0x22: {  	v3 =	vadd.s32 s24, v9  }
0x23: {  	v3 =	vbroadcast v3, $0x0;
	_ =	sdelay $0x1  }
0x24: {  	v3 =	vadd.s32 v0, v3  }
0x25: {  	v5 =	vshll.u32 v3, $0x4  }
0x26: {  	v6 =	vor.u32 $0x8, v5  }
0x27: {  	v7 =	vor.u32 $0x1, v5  }
0x28: {  	v13 =	vor.u32 $0x9, v5  }
0x29: {  	v14 =	vor.u32 $0x4, v5;
	v4 =	vld.idx.msk [tilespmem:v3+s23+$0x0], $0xffff  }
0x2a: {  	v10 =	vor.u32 $0x2, v5;
	v8 =	vld.idx.msk [tilespmem:v5+s13+$0x0], $0xffff  }
0x2b: {  	v20 =	vimm.f32 $0.0e+00;
	v26 =	vimm.f32 $0.0e+00;
	v3 =	vor.u32 $0x3, v5;
	v6 =	vld.idx.msk [tilespmem:v6+s13+$0x0], $0xffff  }
0x2c: {  	v27 =	vimm.f32 $0.0e+00;
	v24 =	vimm.f32 $0.0e+00;
	v11 =	vor.u32 $0x5, v5;
	v7 =	vld.idx.msk [tilespmem:v7+s13+$0x0], $0xffff  }
0x2d: {  	v23 =	vimm.f32 $0.0e+00;
	v19 =	vimm.f32 $0.0e+00;
	v12 =	vor.u32 $0x6, v5;
	v30 =	vld.idx.msk [tilespmem:v13+s13+$0x0], $0xffff  }
0x2e: {  	s26 =	simm.s32 $0x1;
	v22 =	vimm.f32 $0.0e+00;
	v21 =	vimm.f32 $0.0e+00;
	v18 =	vor.u32 $0xA, v5;
	v29 =	vld.idx.msk [tilespmem:v14+s13+$0x0], $0xffff  }
0x2f: {  	v16 =	vimm.f32 $0.0e+00;
	v17 =	vimm.f32 $0.0e+00;
	v37 =	vadd.s32 s26, v9;
	v33 =	vld.idx.msk [tilespmem:v10+s13+$0x0], $0xffff  }
0x30: {  	v28 =	vor.u32 $0x7, v5;
	v13 =	vimm.f32 $0.0e+00;
	v10 =	vimm.f32 $0.0e+00;
	v3 =	vld.idx.msk [tilespmem:v3+s13+$0x0], $0xffff  }
0x31: {  	v32 =	vld.idx.msk [tilespmem:v11+s13+$0x0], $0xffff;
	v14 =	vimm.f32 $0.0e+00;
	v11 =	vimm.f32 $0.0e+00;
	v8 =	vmul.f32 v8, v4  }
0x32: {  	v25 =	vld.idx.msk [tilespmem:v12+s13+$0x0], $0xffff;
	v12 =	vimm.f32 $0.0e+00;
	v15 =	vmul.f32 v6, v4;
	v31 =	vmul.f32 v7, v4  }
0x33: {  	v6 =	vadd.f32 v8, v20;
	v34 =	vmul.f32 v8, v8;
	v8 =	vld.idx.msk [tilespmem:v18+s13+$0x0], $0xffff;
	v18 =	vimm.f32 $0.0e+00  }
0x34: {  	v5 =	vadd.f32 v15, v20;
	v35 =	vmul.f32 v15, v15;
	v7 =	vadd.f32 v31, v20  }
0x35: {  	p0 =	por p1, p1;
	s26 =	simm.s32 $0x2;
	v15 =	vimm.f32 $0.0e+00;
	v36 =	vmul.f32 v3, v4;
	v3 =	vimm.f32 $0.0e+00  }
.LBB2_4:
0x36: {  	p1 =	sne.s32 s26, $0x19;
	v37 =	vbroadcast v37, $0x0;
	v20 =	vadd.f32 v34, v20;
	v26 =	vadd.f32 v35, v26;
	s28 =	smov.u32 s26;
	s26 =	sadd.s32 $0x1, s26  }
0x37: {  	v35 =	vmul.f32 v30, v4;
	v27 =	vadd.f32 v36, v27;
	v34 =	vmul.f32 v36, v36;
	v28 =	vld.idx.msk [tilespmem:v28+s13+$0x0], $0xffff  }
0x38: {  	v31 =	vmul.f32 v31, v31;
	v33 =	vmul.f32 v33, v4;
	v30 =	vadd.s32 v0, v37  }
0x39: {  	v29 =	vmul.f32 v29, v4;
	v8 =	vmul.f32 v8, v4;
	v36 =	vshll.u32 v30, $0x4  }
0x3a: {  	v24 =	vadd.f32 v33, v24;
	v37 =	vor.u32 $0x8, v36;
	v38 =	vor.u32 $0x1, v36  }
0x3b: {  	v23 =	vadd.f32 v35, v23;
	v39 =	vor.u32 $0x2, v36;
	v40 =	vor.u32 $0x3, v36  }
0x3c: {  	v32 =	vmul.f32 v32, v4;
	v41 =	vor.u32 $0x5, v36;
	v42 =	vor.u32 $0x6, v36  }
0x3d: {  	v44 =	vor.u32 $0x4, v36;
	v45 =	vmul.f32 v28, v4;
	v43 =	vld.idx.msk [tilespmem:v30+s23+$0x0], $0xffff;
	v30 =	vor.u32 $0x9, v36  }
0x3e: {  	v19 =	vadd.f32 v29, v19;
	v3 =	vadd.f32 v8, v3;
	v28 =	vor.u32 $0x7, v36;
	v46 =	vld.idx.msk [tilespmem:v36+s13+$0x0], $0xffff  }
0x3f: {  	v22 =	vadd.f32 v34, v22;
	v34 =	vmul.f32 v32, v32;
	v8 =	vld.idx.msk [tilespmem:v37+s13+$0x0], $0xffff;
	v37 =	vmul.f32 v45, v45  }
0x40: {  	v21 =	vadd.f32 v31, v21;
	v31 =	vmul.f32 v29, v29;
	v4 =	vmul.f32 v25, v4;
	v38 =	vld.idx.msk [tilespmem:v38+s13+$0x0], $0xffff  }
0x41: {  	v47 =	vmul.f32 v33, v33;
	v15 =	vadd.f32 v32, v15;
	v36 =	vor.u32 $0xA, v36;
	v40 =	vld.idx.msk [tilespmem:v40+s13+$0x0], $0xffff  }
0x42: {  	v32 =	vmul.f32 v35, v35;
	v16 =	vadd.f32 v34, v16;
	v17 =	vadd.f32 v45, v17;
	v30 =	vld.idx.msk [tilespmem:v30+s13+$0x0], $0xffff  }
0x43: {  	v18 =	vadd.f32 v31, v18;
	v31 =	vmul.f32 v4, v4;
	v13 =	vadd.f32 v37, v13;
	v29 =	vld.idx.msk [tilespmem:v44+s13+$0x0], $0xffff  }
.Ltmp0:
0x44: {  	v14 =	vadd.f32 v32, v14;
	v10 =	vadd.f32 v4, v10;
	v34 =	vmul.f32 v46, v43;
	v25 =	vld.idx.msk [tilespmem:v42+s13+$0x0], $0xffff;
	(pc) =	sbr.rel @p1 .LBB2_4-.Ltmp0, $4  }
0x45: {  	v11 =	vadd.f32 v47, v11;
	v12 =	vadd.f32 v31, v12;
	v35 =	vmul.f32 v8, v43;
	v33 =	vld.idx.msk [tilespmem:v39+s13+$0x0], $0xffff  }
0x46: {  	v4 =	vmov v43;
	v6 =	vadd.f32 v34, v6;
	v31 =	vmul.f32 v38, v43;
	v8 =	vld.idx.msk [tilespmem:v36+s13+$0x0], $0xffff  }
0x47: {  	v34 =	vmul.f32 v34, v34;
	v5 =	vadd.f32 v35, v5;
	v35 =	vmul.f32 v35, v35;
	v32 =	vld.idx.msk [tilespmem:v41+s13+$0x0], $0xffff  }
0x48: {  	v37 =	vadd.s32 s28, v9;
	v36 =	vmul.f32 v40, v4;
	v7 =	vadd.f32 v31, v7  }
0x49: {  	v9 =	vbroadcast v37, $0x0;
	_ =	sdelay $0x1  }
0x4a: {  	v9 =	vadd.s32 v0, v9  }
0x4b: {  	v61 =	vshll.u32 v9, $0x4  }
0x4c: {  	v62 =	vor.u32 $0x8, v61  }
0x4d: {  	v63 =	vor.u32 $0x1, v61  }
0x4e: {  	v20 =	vadd.f32 v34, v20;
	v28 =	vld.idx.msk [tilespmem:v28+s13+$0x0], $0xffff;
	v39 =	vor.u32 $0x3, v61  }
0x4f: {  	v26 =	vadd.f32 v35, v26;
	v30 =	vmul.f32 v30, v4;
	v38 =	vor.u32 $0x2, v61;
	v9 =	vld.idx.msk [tilespmem:v9+s23+$0x0], $0xffff  }
0x50: {  	v31 =	vmul.f32 v31, v31;
	v29 =	vmul.f32 v29, v4;
	v42 =	vor.u32 $0x4, v61;
	v44 =	vld.idx.msk [tilespmem:v61+s13+$0x0], $0xffff  }
0x51: {  	v25 =	vmul.f32 v25, v4;
	v27 =	vadd.f32 v36, v27;
	v40 =	vor.u32 $0x5, v61;
	v48 =	vld.idx.msk [tilespmem:v62+s13+$0x0], $0xffff  }
0x52: {  	v60 =	vmul.f32 v36, v36;
	v33 =	vmul.f32 v33, v4;
	v45 =	vor.u32 $0x7, v61;
	v37 =	vld.idx.msk [tilespmem:v63+s13+$0x0], $0xffff  }
0x53: {  	v23 =	vadd.f32 v30, v23;
	v21 =	vadd.f32 v31, v21;
	v41 =	vor.u32 $0x6, v61;
	v39 =	vld.idx.msk [tilespmem:v39+s13+$0x0], $0xffff  }
0x54: {  	v19 =	vadd.f32 v29, v19;
	v29 =	vmul.f32 v29, v29;
	v43 =	vor.u32 $0x9, v61;
	v54 =	vld.idx.msk [tilespmem:v38+s13+$0x0], $0xffff  }
0x55: {  	v51 =	vmul.f32 v30, v30;
	v52 =	vmul.f32 v25, v25;
	v10 =	vadd.f32 v25, v10;
	v55 =	vld.idx.msk [tilespmem:v42+s13+$0x0], $0xffff  }
0x56: {  	v24 =	vadd.f32 v33, v24;
	v32 =	vmul.f32 v32, v4;
	v22 =	vadd.f32 v60, v22;
	v58 =	vld.idx.msk [tilespmem:v40+s13+$0x0], $0xffff  }
0x57: {  	v33 =	vmul.f32 v33, v33;
	v60 =	vor.u32 $0xA, v61;
	v28 =	vmul.f32 v28, v4;
	v61 =	vld.idx.msk [tilespmem:v45+s13+$0x0], $0xffff  }
0x58: {  	v18 =	vadd.f32 v29, v18;
	v14 =	vadd.f32 v51, v14;
	v49 =	vmul.f32 v32, v32;
	v63 =	vld.idx.msk [tilespmem:v41+s13+$0x0], $0xffff  }
0x59: {  	v12 =	vadd.f32 v52, v12;
	v50 =	vmul.f32 v28, v28;
	v43 =	vld.idx.msk [tilespmem:v43+s13+$0x0], $0xffff;
	v53 =	vmul.f32 v44, v9  }
0x5a: {  	v15 =	vadd.f32 v32, v15;
	v56 =	vmul.f32 v48, v9;
	v57 =	vmul.f32 v37, v9  }
0x5b: {  	v11 =	vadd.f32 v33, v11;
	v59 =	vmul.f32 v39, v9;
	v31 =	vmul.f32 v54, v9  }
0x5c: {  	v16 =	vadd.f32 v49, v16;
	v32 =	vmul.f32 v55, v9;
	v29 =	vmul.f32 v58, v9  }
0x5d: {  	v17 =	vadd.f32 v28, v17;
	v35 =	vmul.f32 v61, v9;
	v42 =	vmul.f32 v63, v9  }
0x5e: {  	v13 =	vadd.f32 v50, v13;
	v52 =	vmul.f32 v43, v9;
	v30 =	vmul.f32 v53, v53  }
0x5f: {  	v6 =	vadd.f32 v53, v6;
	v7 =	vadd.f32 v57, v7;
	v28 =	vmul.f32 v57, v57  }
0x60: {  	v24 =	vadd.f32 v31, v24;
	v31 =	vmul.f32 v31, v31;
	v20 =	vadd.f32 v30, v20  }
0x61: {  	v6 =	vmul.f32 v6, v6;
	v21 =	vadd.f32 v28, v21;
	v7 =	vmul.f32 v7, v7  }
0x62: {  	v62 =	vmul.f32 v59, v59;
	v27 =	vadd.f32 v59, v27;
	v11 =	vadd.f32 v31, v11  }
0x63: {  	v36 =	vmul.f32 v24, v24;
	v6 =	vsub.f32 v6, v20;
	v7 =	vsub.f32 v7, v21  }
0x64: {  	v19 =	vadd.f32 v32, v19;
	v39 =	vmul.f32 v32, v32;
	v37 =	vadd.f32 v62, v22  }
0x65: {  	v41 =	vmul.f32 v27, v27;
	v40 =	vsub.f32 v36, v11;
	v6 =	vadd.f32 v7, v6  }
0x66: {  	v38 =	vmul.f32 v29, v29;
	v15 =	vadd.f32 v29, v15;
	v18 =	vadd.f32 v39, v18  }
0x67: {  	v45 =	vmul.f32 v19, v19;
	v44 =	vsub.f32 v41, v37;
	v6 =	vadd.f32 v40, v6  }
0x68: {  	v46 =	vmul.f32 v42, v42;
	v10 =	vadd.f32 v42, v10;
	v16 =	vadd.f32 v38, v16  }
0x69: {  	v48 =	vmul.f32 v15, v15;
	v47 =	vsub.f32 v45, v18;
	v6 =	vadd.f32 v44, v6  }
0x6a: {  	v49 =	vmul.f32 v35, v35;
	v17 =	vadd.f32 v35, v17;
	v12 =	vadd.f32 v46, v12  }
0x6b: {  	v10 =	vmul.f32 v10, v10;
	v50 =	vsub.f32 v48, v16;
	v6 =	vadd.f32 v47, v6  }
0x6c: {  	v5 =	vadd.f32 v56, v5;
	v51 =	vmul.f32 v56, v56;
	v13 =	vadd.f32 v49, v13  }
0x6d: {  	v54 =	vmul.f32 v17, v17;
	v53 =	vsub.f32 v10, v12;
	v6 =	vadd.f32 v50, v6  }
0x6e: {  	v55 =	vld.idx.msk [tilespmem:v60+s13+$0x0], $0xffff;
	v56 =	vadd.f32 v52, v23;
	v11 =	vadd.f32 v51, v26;
	v16 =	vmul.f32 v52, v52  }
0x6f: {  	v5 =	vmul.f32 v5, v5;
	v57 =	vsub.f32 v54, v13;
	v6 =	vadd.f32 v53, v6  }
0x70: {  	v58 =	vmul.f32 v8, v4;
	v59 =	vadd.f32 v16, v14  }
0x71: {  	v60 =	vmul.f32 v56, v56;
	v5 =	vsub.f32 v5, v11;
	v6 =	vadd.f32 v57, v6  }
0x72: {  	v3 =	vadd.f32 v58, v3  }
0x73: {  	v61 =	vmul.f32 v55, v9;
	v62 =	vsub.f32 v60, v59;
	v5 =	vadd.f32 v5, v6;
	_ =	sdelay $0x1  }
0x74: {  	v3 =	vadd.f32 v61, v3;
	v63 =	vadd.f32 v62, v5;
	_ =	sdelay $0x1  }
0x75: {  	v3 =	vadd.f32 v3, v1;
	v4 =	vmul.f32 $5.000000000e-01, v63;
	_ =	sdelay $0x1  }
0x76: {  	v3 =	vadd.f32 v4, v3;
	_ =	sdelay $0x1  }
0x77: {  	v3 =	vsub.f32 $0.0e+00, v3;
	_ =	sdelay $0x1  }
0x78: {  	v3 =	vmul.f32 $1.442695020e+00, v3;
	_ =	sdelay $0x1  }
0x79: {  	(erf) = vpow2.f32 v3;
	_ =	sdelay $0x8  }
0x7a: {  	v3 =	vpop (erf)  }
0x7b: {  	v3 =	vadd.f32 $1.000000000e+00, v3;
	_ =	sdelay $0x1  }
0x7c: {  	(erf) = vrcp.f32 v3;
	_ =	sdelay $0x5  }
.Ltmp1:
0x7d: {  	_ = 	snop;
	(pc) =	sbr.rel @p0 .LBB2_3-.Ltmp1, $3  }
0x7e: {  	_ =	sdelay $0x1  }
0x7f: {  	v3 =	vpop (erf)  }
0x80: {  	p1 =	por $0x0, $0x0;
	[tilespmem:v2+s25+$0x0 ss:$0x1] =	vst.idx.msk $0xffff, v3;
	s25 =	simm.s32 $0x10  }
0x81: {  	p0 =	seq.s32 s19, $0x7  }
0x82: {  	s21 =	sshll.u32 s21, $0x5;
	s22 =	sshra.s32 @!p0 s22, $0x2  }
0x83: {  	s23 =	simm.s32 @!p0 $0x340;
	s24 =	simm.s32 @!p0 $0x6800;
	s22 =	sadd.s32 @!p0 $0x680, s22  }
0x84: {  	[tilespmem:s24], [sflag:$0x1] =	stream.indirect.gather @!p0 [hbm4b:s4+s23], $0x10, s22, s23, $0xb8;
	[tilespmem:$0xD210] =	vst v63  }
0x85: {  	s20 =	sadd.s32 $0x3400, s20;
	s21 =	sand.u32 $0x3FFFFFE0, s21;
	_ =	swait.ge [sflag:s16], $0x3400  }
0x86: {  	p1 =	por $0x1, $0x1;
	s31 =	sadd.s32 $0xD010, s21;
	[sflag:s16] =	ssyncset.done $0x0  }
0x87: {  	s21 =	simm.s32 $0x0;
	v2 =	vmov s31;
	s22 =	simm.s32 $0x0;
	[sflag:s16] =	ssyncadd.s32 $0xFFFFCC00  }
.LBB2_7:
0x88: {  	v3 =	vmov s22  }
0x89: {  	v9 =	vmul.u32 $0x1A, v3;
	_ =	sdelay $0x1  }
0x8a: {  	v3 =	vadd.s32 s21, v9  }
0x8b: {  	v3 =	vbroadcast v3, $0x0;
	_ =	sdelay $0x1  }
0x8c: {  	v3 =	vadd.s32 v0, v3  }
0x8d: {  	v5 =	vshll.u32 v3, $0x4  }
0x8e: {  	v6 =	vor.u32 $0x8, v5  }
0x8f: {  	v7 =	vor.u32 $0x1, v5  }
0x90: {  	v13 =	vor.u32 $0x9, v5  }
0x91: {  	v14 =	vor.u32 $0x4, v5;
	v4 =	vld.idx.msk [tilespmem:v3+s20+$0x0], $0xffff  }
0x92: {  	v10 =	vor.u32 $0x2, v5;
	v8 =	vld.idx.msk [tilespmem:v5+s14+$0x0], $0xffff  }
0x93: {  	v20 =	vimm.f32 $0.0e+00;
	v26 =	vimm.f32 $0.0e+00;
	v3 =	vor.u32 $0x3, v5;
	v6 =	vld.idx.msk [tilespmem:v6+s14+$0x0], $0xffff  }
0x94: {  	v27 =	vimm.f32 $0.0e+00;
	v24 =	vimm.f32 $0.0e+00;
	v11 =	vor.u32 $0x5, v5;
	v7 =	vld.idx.msk [tilespmem:v7+s14+$0x0], $0xffff  }
0x95: {  	v23 =	vimm.f32 $0.0e+00;
	v19 =	vimm.f32 $0.0e+00;
	v12 =	vor.u32 $0x6, v5;
	v30 =	vld.idx.msk [tilespmem:v13+s14+$0x0], $0xffff  }
0x96: {  	s23 =	simm.s32 $0x1;
	v22 =	vimm.f32 $0.0e+00;
	v21 =	vimm.f32 $0.0e+00;
	v18 =	vor.u32 $0xA, v5;
	v29 =	vld.idx.msk [tilespmem:v14+s14+$0x0], $0xffff  }
0x97: {  	v16 =	vimm.f32 $0.0e+00;
	v17 =	vimm.f32 $0.0e+00;
	v37 =	vadd.s32 s23, v9;
	v33 =	vld.idx.msk [tilespmem:v10+s14+$0x0], $0xffff  }
0x98: {  	v28 =	vor.u32 $0x7, v5;
	v13 =	vimm.f32 $0.0e+00;
	v10 =	vimm.f32 $0.0e+00;
	v3 =	vld.idx.msk [tilespmem:v3+s14+$0x0], $0xffff  }
0x99: {  	v32 =	vld.idx.msk [tilespmem:v11+s14+$0x0], $0xffff;
	v14 =	vimm.f32 $0.0e+00;
	v11 =	vimm.f32 $0.0e+00;
	v8 =	vmul.f32 v8, v4  }
0x9a: {  	v25 =	vld.idx.msk [tilespmem:v12+s14+$0x0], $0xffff;
	v12 =	vimm.f32 $0.0e+00;
	v15 =	vmul.f32 v6, v4;
	v31 =	vmul.f32 v7, v4  }
0x9b: {  	v6 =	vadd.f32 v8, v20;
	v34 =	vmul.f32 v8, v8;
	v8 =	vld.idx.msk [tilespmem:v18+s14+$0x0], $0xffff;
	v18 =	vimm.f32 $0.0e+00  }
0x9c: {  	v5 =	vadd.f32 v15, v20;
	v35 =	vmul.f32 v15, v15;
	v7 =	vadd.f32 v31, v20  }
0x9d: {  	p0 =	por p1, p1;
	s23 =	simm.s32 $0x2;
	v15 =	vimm.f32 $0.0e+00;
	v36 =	vmul.f32 v3, v4;
	v3 =	vimm.f32 $0.0e+00  }
.LBB2_8:
0x9e: {  	p1 =	sne.s32 s23, $0x19;
	v37 =	vbroadcast v37, $0x0;
	v20 =	vadd.f32 v34, v20;
	v26 =	vadd.f32 v35, v26;
	s24 =	smov.u32 s23;
	s23 =	sadd.s32 $0x1, s23  }
0x9f: {  	v35 =	vmul.f32 v30, v4;
	v27 =	vadd.f32 v36, v27;
	v34 =	vmul.f32 v36, v36;
	v28 =	vld.idx.msk [tilespmem:v28+s14+$0x0], $0xffff  }
0xa0: {  	v31 =	vmul.f32 v31, v31;
	v33 =	vmul.f32 v33, v4;
	v30 =	vadd.s32 v0, v37  }
0xa1: {  	v29 =	vmul.f32 v29, v4;
	v8 =	vmul.f32 v8, v4;
	v36 =	vshll.u32 v30, $0x4  }
0xa2: {  	v24 =	vadd.f32 v33, v24;
	v37 =	vor.u32 $0x8, v36;
	v38 =	vor.u32 $0x1, v36  }
0xa3: {  	v23 =	vadd.f32 v35, v23;
	v39 =	vor.u32 $0x2, v36;
	v40 =	vor.u32 $0x3, v36  }
0xa4: {  	v32 =	vmul.f32 v32, v4;
	v41 =	vor.u32 $0x5, v36;
	v42 =	vor.u32 $0x6, v36  }
0xa5: {  	v44 =	vor.u32 $0x4, v36;
	v45 =	vmul.f32 v28, v4;
	v43 =	vld.idx.msk [tilespmem:v30+s20+$0x0], $0xffff;
	v30 =	vor.u32 $0x9, v36  }
0xa6: {  	v19 =	vadd.f32 v29, v19;
	v3 =	vadd.f32 v8, v3;
	v28 =	vor.u32 $0x7, v36;
	v46 =	vld.idx.msk [tilespmem:v36+s14+$0x0], $0xffff  }
0xa7: {  	v22 =	vadd.f32 v34, v22;
	v34 =	vmul.f32 v32, v32;
	v8 =	vld.idx.msk [tilespmem:v37+s14+$0x0], $0xffff;
	v37 =	vmul.f32 v45, v45  }
0xa8: {  	v21 =	vadd.f32 v31, v21;
	v31 =	vmul.f32 v29, v29;
	v4 =	vmul.f32 v25, v4;
	v38 =	vld.idx.msk [tilespmem:v38+s14+$0x0], $0xffff  }
0xa9: {  	v47 =	vmul.f32 v33, v33;
	v15 =	vadd.f32 v32, v15;
	v36 =	vor.u32 $0xA, v36;
	v40 =	vld.idx.msk [tilespmem:v40+s14+$0x0], $0xffff  }
0xaa: {  	v32 =	vmul.f32 v35, v35;
	v16 =	vadd.f32 v34, v16;
	v17 =	vadd.f32 v45, v17;
	v30 =	vld.idx.msk [tilespmem:v30+s14+$0x0], $0xffff  }
0xab: {  	v18 =	vadd.f32 v31, v18;
	v31 =	vmul.f32 v4, v4;
	v13 =	vadd.f32 v37, v13;
	v29 =	vld.idx.msk [tilespmem:v44+s14+$0x0], $0xffff  }
.Ltmp2:
0xac: {  	v14 =	vadd.f32 v32, v14;
	v10 =	vadd.f32 v4, v10;
	v34 =	vmul.f32 v46, v43;
	v25 =	vld.idx.msk [tilespmem:v42+s14+$0x0], $0xffff;
	(pc) =	sbr.rel @p1 .LBB2_8-.Ltmp2, $4  }
0xad: {  	v11 =	vadd.f32 v47, v11;
	v12 =	vadd.f32 v31, v12;
	v35 =	vmul.f32 v8, v43;
	v33 =	vld.idx.msk [tilespmem:v39+s14+$0x0], $0xffff  }
0xae: {  	v4 =	vmov v43;
	v6 =	vadd.f32 v34, v6;
	v31 =	vmul.f32 v38, v43;
	v8 =	vld.idx.msk [tilespmem:v36+s14+$0x0], $0xffff  }
0xaf: {  	v34 =	vmul.f32 v34, v34;
	v5 =	vadd.f32 v35, v5;
	v35 =	vmul.f32 v35, v35;
	v32 =	vld.idx.msk [tilespmem:v41+s14+$0x0], $0xffff  }
0xb0: {  	v37 =	vadd.s32 s24, v9;
	v36 =	vmul.f32 v40, v4;
	v7 =	vadd.f32 v31, v7  }
0xb1: {  	v9 =	vbroadcast v37, $0x0;
	_ =	sdelay $0x1  }
0xb2: {  	v9 =	vadd.s32 v0, v9  }
0xb3: {  	v61 =	vshll.u32 v9, $0x4  }
0xb4: {  	v62 =	vor.u32 $0x8, v61  }
0xb5: {  	v63 =	vor.u32 $0x1, v61  }
0xb6: {  	v20 =	vadd.f32 v34, v20;
	v28 =	vld.idx.msk [tilespmem:v28+s14+$0x0], $0xffff;
	v39 =	vor.u32 $0x3, v61  }
0xb7: {  	v26 =	vadd.f32 v35, v26;
	v30 =	vmul.f32 v30, v4;
	v38 =	vor.u32 $0x2, v61;
	v9 =	vld.idx.msk [tilespmem:v9+s20+$0x0], $0xffff  }
0xb8: {  	v31 =	vmul.f32 v31, v31;
	v29 =	vmul.f32 v29, v4;
	v42 =	vor.u32 $0x4, v61;
	v44 =	vld.idx.msk [tilespmem:v61+s14+$0x0], $0xffff  }
0xb9: {  	v25 =	vmul.f32 v25, v4;
	v27 =	vadd.f32 v36, v27;
	v40 =	vor.u32 $0x5, v61;
	v48 =	vld.idx.msk [tilespmem:v62+s14+$0x0], $0xffff  }
0xba: {  	v60 =	vmul.f32 v36, v36;
	v33 =	vmul.f32 v33, v4;
	v45 =	vor.u32 $0x7, v61;
	v37 =	vld.idx.msk [tilespmem:v63+s14+$0x0], $0xffff  }
0xbb: {  	v23 =	vadd.f32 v30, v23;
	v21 =	vadd.f32 v31, v21;
	v41 =	vor.u32 $0x6, v61;
	v39 =	vld.idx.msk [tilespmem:v39+s14+$0x0], $0xffff  }
0xbc: {  	v19 =	vadd.f32 v29, v19;
	v29 =	vmul.f32 v29, v29;
	v43 =	vor.u32 $0x9, v61;
	v54 =	vld.idx.msk [tilespmem:v38+s14+$0x0], $0xffff  }
0xbd: {  	v51 =	vmul.f32 v30, v30;
	v52 =	vmul.f32 v25, v25;
	v10 =	vadd.f32 v25, v10;
	v55 =	vld.idx.msk [tilespmem:v42+s14+$0x0], $0xffff  }
0xbe: {  	v24 =	vadd.f32 v33, v24;
	v32 =	vmul.f32 v32, v4;
	v22 =	vadd.f32 v60, v22;
	v58 =	vld.idx.msk [tilespmem:v40+s14+$0x0], $0xffff  }
0xbf: {  	v33 =	vmul.f32 v33, v33;
	v60 =	vor.u32 $0xA, v61;
	v28 =	vmul.f32 v28, v4;
	v61 =	vld.idx.msk [tilespmem:v45+s14+$0x0], $0xffff  }
0xc0: {  	v18 =	vadd.f32 v29, v18;
	v14 =	vadd.f32 v51, v14;
	v49 =	vmul.f32 v32, v32;
	v63 =	vld.idx.msk [tilespmem:v41+s14+$0x0], $0xffff  }
0xc1: {  	v12 =	vadd.f32 v52, v12;
	v50 =	vmul.f32 v28, v28;
	v43 =	vld.idx.msk [tilespmem:v43+s14+$0x0], $0xffff;
	v53 =	vmul.f32 v44, v9  }
0xc2: {  	v15 =	vadd.f32 v32, v15;
	v56 =	vmul.f32 v48, v9;
	v57 =	vmul.f32 v37, v9  }
0xc3: {  	v11 =	vadd.f32 v33, v11;
	v59 =	vmul.f32 v39, v9;
	v31 =	vmul.f32 v54, v9  }
0xc4: {  	v16 =	vadd.f32 v49, v16;
	v32 =	vmul.f32 v55, v9;
	v29 =	vmul.f32 v58, v9  }
0xc5: {  	v17 =	vadd.f32 v28, v17;
	v35 =	vmul.f32 v61, v9;
	v42 =	vmul.f32 v63, v9  }
0xc6: {  	v13 =	vadd.f32 v50, v13;
	v52 =	vmul.f32 v43, v9;
	v30 =	vmul.f32 v53, v53  }
0xc7: {  	v6 =	vadd.f32 v53, v6;
	v7 =	vadd.f32 v57, v7;
	v28 =	vmul.f32 v57, v57  }
0xc8: {  	v24 =	vadd.f32 v31, v24;
	v31 =	vmul.f32 v31, v31;
	v20 =	vadd.f32 v30, v20  }
0xc9: {  	v6 =	vmul.f32 v6, v6;
	v21 =	vadd.f32 v28, v21;
	v7 =	vmul.f32 v7, v7  }
0xca: {  	v62 =	vmul.f32 v59, v59;
	v27 =	vadd.f32 v59, v27;
	v11 =	vadd.f32 v31, v11  }
0xcb: {  	v36 =	vmul.f32 v24, v24;
	v6 =	vsub.f32 v6, v20;
	v7 =	vsub.f32 v7, v21  }
0xcc: {  	v19 =	vadd.f32 v32, v19;
	v39 =	vmul.f32 v32, v32;
	v37 =	vadd.f32 v62, v22  }
0xcd: {  	v41 =	vmul.f32 v27, v27;
	v40 =	vsub.f32 v36, v11;
	v6 =	vadd.f32 v7, v6  }
0xce: {  	v38 =	vmul.f32 v29, v29;
	v15 =	vadd.f32 v29, v15;
	v18 =	vadd.f32 v39, v18  }
0xcf: {  	v45 =	vmul.f32 v19, v19;
	v44 =	vsub.f32 v41, v37;
	v6 =	vadd.f32 v40, v6  }
0xd0: {  	v46 =	vmul.f32 v42, v42;
	v10 =	vadd.f32 v42, v10;
	v16 =	vadd.f32 v38, v16  }
0xd1: {  	v48 =	vmul.f32 v15, v15;
	v47 =	vsub.f32 v45, v18;
	v6 =	vadd.f32 v44, v6  }
0xd2: {  	v49 =	vmul.f32 v35, v35;
	v17 =	vadd.f32 v35, v17;
	v12 =	vadd.f32 v46, v12  }
0xd3: {  	v10 =	vmul.f32 v10, v10;
	v50 =	vsub.f32 v48, v16;
	v6 =	vadd.f32 v47, v6  }
0xd4: {  	v5 =	vadd.f32 v56, v5;
	v51 =	vmul.f32 v56, v56;
	v13 =	vadd.f32 v49, v13  }
0xd5: {  	v54 =	vmul.f32 v17, v17;
	v53 =	vsub.f32 v10, v12;
	v6 =	vadd.f32 v50, v6  }
0xd6: {  	v55 =	vld.idx.msk [tilespmem:v60+s14+$0x0], $0xffff;
	v56 =	vadd.f32 v52, v23;
	v11 =	vadd.f32 v51, v26;
	v16 =	vmul.f32 v52, v52  }
0xd7: {  	v5 =	vmul.f32 v5, v5;
	v57 =	vsub.f32 v54, v13;
	v6 =	vadd.f32 v53, v6  }
0xd8: {  	v58 =	vmul.f32 v8, v4;
	v59 =	vadd.f32 v16, v14  }
0xd9: {  	v60 =	vmul.f32 v56, v56;
	v5 =	vsub.f32 v5, v11;
	v6 =	vadd.f32 v57, v6  }
0xda: {  	v3 =	vadd.f32 v58, v3  }
0xdb: {  	v61 =	vmul.f32 v55, v9;
	v62 =	vsub.f32 v60, v59;
	v5 =	vadd.f32 v5, v6;
	_ =	sdelay $0x1  }
0xdc: {  	v3 =	vadd.f32 v61, v3;
	v63 =	vadd.f32 v62, v5;
	_ =	sdelay $0x1  }
0xdd: {  	v3 =	vadd.f32 v3, v1;
	v4 =	vmul.f32 $5.000000000e-01, v63;
	_ =	sdelay $0x1  }
0xde: {  	v3 =	vadd.f32 v4, v3;
	_ =	sdelay $0x1  }
0xdf: {  	v3 =	vsub.f32 $0.0e+00, v3;
	_ =	sdelay $0x1  }
0xe0: {  	v3 =	vmul.f32 $1.442695020e+00, v3;
	_ =	sdelay $0x1  }
0xe1: {  	(erf) = vpow2.f32 v3;
	_ =	sdelay $0x8  }
0xe2: {  	v3 =	vpop (erf)  }
0xe3: {  	v3 =	vadd.f32 $1.000000000e+00, v3;
	_ =	sdelay $0x1  }
0xe4: {  	(erf) = vrcp.f32 v3;
	_ =	sdelay $0x5  }
.Ltmp3:
0xe5: {  	_ = 	snop;
	(pc) =	sbr.rel @p0 .LBB2_7-.Ltmp3, $3  }
0xe6: {  	_ =	sdelay $0x1  }
0xe7: {  	v3 =	vpop (erf)  }
0xe8: {  	p1 =	por $0x0, $0x0;
	[tilespmem:v2+s22+$0x0 ss:$0x1] =	vst.idx.msk $0xffff, v3;
	s22 =	simm.s32 $0x10  }
0xe9: {  	s19 =	sadd.s32 $0x1, s19  }
0xea: {  	p0 =	sne.s32 s19, $0x8  }
.Ltmp4:
0xeb: {  	_ = 	snop;
	(pc) =	sbr.rel @p0 .LBB2_2-.Ltmp4, $1  }
0xec: {  	_ =	sdelay $0x3  }
0xed: {  	s18 =	sadd.s32 $0x1, s18  }
0xee: {  	p0 =	sne.s32 s18, s8  }
.Ltmp5:
0xef: {  	_ = 	snop;
	(pc) =	sbr.rel @p0 .LBB2_1-.Ltmp5, $4  }
0xf0: {  	[hbm4b:s7+s3] =	stream.linear.scatter [tilespmem:s17], [sflag:$0x3], $0x200, $0x38;
	[tilespmem:$0xD210] =	vst v63  }
0xf1: {  	_ =	swait.ge [sflag:s10], $0x200  }
0xf2: {  	[sflag:s10] =	ssyncset.done $0x0  }
0xf3: {  	[sflag:s10] =	ssyncadd.s32 $0xFFFFFE00  }
0xf4: {  	_ =	sfence.sel $0x180000  }
0xf5: {  	[bflag:$0x0] =	sbarrier.arrive $0xFFFF  }
0xf6: {  	p0 =	sne.s32 s0, $0x0;
	_ =	strace $0x9000004A  }
0xf7: {  	s0 =	sadd.s32 @!p0 $0x100000, s1;
	[bflag:$0x2] =	sbarrier.arrive $0xFFFF  }
0xf8: {  	[sflag:s0] =	ssyncadd.tile.s32 @!p0 $0x1;
	_ =	shalt  }
.Lfunc_end2:
_tile_overlayer_lowered:
.L_overlay_start_2:
0xf9: {  	(tag) =	ssettag $0x2  }
0xfa: {  	s0 =	rddreg [dreg:$0x0];
	s2 =	stileid.u32  }
0xfb: {  	s1 =	rddreg [dreg:$0x1];
	p0 =	sne.s32 s2, $0x0  }
0xfc: {  	s3 =	rddreg [dreg:$0x2];
	[bflag:$0x3] =	sbarrier.arrive $0xFFFF;
	s2 =	simm.s32 @!p0 $0x1C03  }
0xfd: {  	[timem:s3], [sflag:s2] =	dma.local @!p0 [hbm:s0], s1  }
0xfe: {  	s0 =	simm.s32 @!p0 $0x3  }
0xff: {  	_ =	swait.ge @!p0 [sflag:s0], s1  }
0x100: {  	s1 =	ssub.s32 @!p0 $0x0, s1;
	[sflag:s0] =	ssyncset.done @!p0 $0x0  }
0x101: {  	[sflag:s0] =	ssyncadd.s32 @!p0 s1  }
0x102: {  	[bflag:$0x3] =	sbarrier.arrive $0xFFFF  }
0x103: {  	_ =	shalt  }

</sc_bundles>
